<compile_context>
chip_gen: v7x
topology: tpu7x:2x2x1
jax: 0.10.2.dev20260603
libtpu: 0.0.44.dev20260713+nightly
codegen_flags: <defaults>
</compile_context>

<pallas_src>
import functools

import jax
import jax.numpy as jnp
from jax import lax
from jax.experimental import pallas as pl
from jax.experimental.pallas import tpu as pltpu
from jax.experimental.pallas import tpu_sc as plsc

N = 100000
M = 64
NMOL = 256
RC = 4.6
FACTOR = 13.605693122994 * 0.529177210903

NC = 2
NS = 16
NW = NC * NS
L = 16

SUP = 32
PER_TILE = 3136
NPAD = NW * PER_TILE
NSUP = PER_TILE // SUP
HMAX = NSUP // 2 - 1
SPAIRS = SUP * M

_mesh = plsc.VectorSubcoreMesh(
    core_axis_name="c", subcore_axis_name="s", num_cores=NC, num_subcores=NS
)


@functools.partial(
    pl.kernel,
    out_type=jax.ShapeDtypeStruct((NW, NMOL), jnp.float32),
    mesh=_mesh,
    compiler_params=pltpu.CompilerParams(needs_layout_passes=False),
    scratch_types=[
        pltpu.VMEM((SPAIRS,), jnp.int32),
        pltpu.VMEM((SPAIRS,), jnp.int32),
        pltpu.VMEM((SPAIRS,), jnp.float32),
        pltpu.VMEM((SPAIRS,), jnp.float32),
        pltpu.VMEM((SPAIRS,), jnp.float32),
        pltpu.VMEM((SPAIRS,), jnp.float32),
        pltpu.VMEM((SPAIRS,), jnp.float32),
        pltpu.VMEM((SPAIRS,), jnp.float32),
        pltpu.VMEM((SPAIRS,), jnp.float32),
        pltpu.VMEM((SPAIRS,), jnp.float32),
        pltpu.VMEM((PER_TILE,), jnp.float32),
        pltpu.VMEM((PER_TILE,), jnp.float32),
        pltpu.VMEM((PER_TILE,), jnp.float32),
        pltpu.VMEM((PER_TILE,), jnp.float32),
        pltpu.VMEM((PER_TILE,), jnp.int32),
        pltpu.VMEM((L * NMOL,), jnp.float32),
        pltpu.VMEM((NMOL,), jnp.float32),
        pltpu.SemaphoreType.DMA,
        pltpu.SemaphoreType.DMA,
        pltpu.SemaphoreType.DMA,
        pltpu.SemaphoreType.DMA,
        pltpu.SemaphoreType.DMA,
    ],
)
def _lr_coulomb_sc(xt_hbm, yt_hbm, zt_hbm, qt_hbm, nb_hbm, mol_hbm, out_hbm,
                   idx0, idx1, xr0, yr0, zr0, qr0, xr1, yr1, zr1, qr1,
                   ox, oy, oz, oq, omol, molacc, res_v,
                   gsem0, gsem1, isem0, isem1, ssem):
    wid = lax.axis_index("s") * NC + lax.axis_index("c")
    start = wid * PER_TILE

    idx_b = (idx0, idx1)
    rows_b = ((xr0, yr0, zr0, qr0), (xr1, yr1, zr1, qr1))
    gsem_b = (gsem0, gsem1)
    isem_b = (isem0, isem1)
    tabs = (xt_hbm, yt_hbm, zt_hbm, qt_hbm)

    iota = lax.broadcasted_iota(jnp.int32, (L,), 0)
    zf = jnp.zeros((L,), jnp.float32)
    inv_rc2 = jnp.float32(1.0 / (RC * RC))

    own_cps = [
        pltpu.async_copy(xt_hbm.at[pl.ds(start, PER_TILE)], ox, ssem),
        pltpu.async_copy(yt_hbm.at[pl.ds(start, PER_TILE)], oy, ssem),
        pltpu.async_copy(zt_hbm.at[pl.ds(start, PER_TILE)], oz, ssem),
        pltpu.async_copy(qt_hbm.at[pl.ds(start, PER_TILE)], oq, ssem),
        pltpu.async_copy(mol_hbm.at[pl.ds(start, PER_TILE)], omol, ssem),
    ]

    def zero_body(i, _):
        molacc[pl.ds(i * L, L)] = zf
        return 0
    lax.fori_loop(0, (L * NMOL) // L, zero_body, 0)
    for cp in own_cps:
        cp.wait()

    def issue_idx(g, p):
        pltpu.async_copy(
            nb_hbm.at[pl.ds((start + g * SUP) * M, SPAIRS)], idx_b[p],
            isem_b[p])

    def drain_idx(p):
        pltpu.make_async_copy(
            nb_hbm.at[pl.ds(0, SPAIRS)], idx_b[p], isem_b[p]).wait()

    def fire_gathers(g, p):
        for f in range(4):
            pltpu.async_copy(tabs[f].at[idx_b[p]], rows_b[p][f], gsem_b[p])

    def drain_gathers(p):
        for f in range(4):
            pltpu.make_async_copy(
                tabs[f].at[pl.ds(0, SPAIRS)], rows_b[p][f], gsem_b[p]).wait()

    def compute(g, p):
        idx_v = idx_b[p]
        xr, yr, zr, qr = rows_b[p]
        base0 = start + g * SUP
        for sub in range(SUP // L):
            off = g * SUP + sub * L
            xi = ox[pl.ds(off, L)]
            yi = oy[pl.ds(off, L)]
            zi = oz[pl.ds(off, L)]
            qi = oq[pl.ds(off, L)]
            ids = iota + (base0 + sub * L)
            pbase = sub * L * M

            def slot_body(m, acc):
                ridx = iota * M + (pbase + m)
                xj = plsc.load_gather(xr, [ridx])
                yj = plsc.load_gather(yr, [ridx])
                zj = plsc.load_gather(zr, [ridx])
                qj = plsc.load_gather(qr, [ridx])
                nbj = plsc.load_gather(idx_v, [ridx])
                dx = xi - xj
                dy = yi - yj
                dz = zi - zj
                s = dx * dx + dy * dy + dz * dz + 1e-12
                valid = (nbj != ids) & (s > 1e-6)
                s_safe = jnp.where(valid, s, 1.0)
                ibits = lax.bitcast_convert_type(s_safe, jnp.int32)
                magic = jnp.full((L,), 0x5F3759DF, jnp.int32)
                y = lax.bitcast_convert_type(magic - (ibits >> 1), jnp.float32)
                hs = 0.5 * s_safe
                for _ in range(3):
                    y = y * (1.5 - hs * y * y)
                x2 = s_safe * inv_rc2
                x2c = jnp.minimum(x2, 0.999999)
                u = 1.0 - 1.0 / (1.0 - x2c)
                bump = jnp.where(x2 < 1.0, jnp.exp(u), 0.0)
                e = (1.0 - bump) * (qi * qj) * y
                return acc + jnp.where(valid, e, 0.0)

            acc = lax.fori_loop(0, M, slot_body, zf, unroll=4)
            mol16 = omol[pl.ds(off, L)]
            plsc.addupdate_scatter(molacc, [iota * NMOL + mol16], acc)

    issue_idx(0, 0)
    drain_idx(0)
    fire_gathers(0, 0)
    issue_idx(1, 1)

    def pair_body(h, _):
        g = 2 * h
        drain_idx(1)
        fire_gathers(g + 1, 1)
        drain_gathers(0)
        compute(g, 0)

        @pl.when(h < HMAX)
        def _():
            issue_idx(g + 2, 0)

        @pl.when(h < HMAX)
        def _():
            drain_idx(0)
            fire_gathers(g + 2, 0)
        drain_gathers(1)
        compute(g + 1, 1)

        @pl.when(h < HMAX)
        def _():
            issue_idx(g + 3, 1)
        return 0

    lax.fori_loop(0, NSUP // 2, pair_body, 0)

    factor = jnp.float32(FACTOR)

    def comb_body(gg, _):
        def row_body(r, v):
            return v + molacc[pl.ds(r * NMOL + gg * L, L)]
        v = lax.fori_loop(0, L, row_body, zf, unroll=4)
        res_v[pl.ds(gg * L, L)] = v * factor
        return 0

    lax.fori_loop(0, NMOL // L, comb_body, 0)
    pltpu.sync_copy(res_v, out_hbm.at[wid])


def kernel(coord, charges, nbmat_lr, mol_idx):
    pad = NPAD - N
    xt = jnp.pad(coord[:, 0], (0, pad))
    yt = jnp.pad(coord[:, 1], (0, pad))
    zt = jnp.pad(coord[:, 2], (0, pad))
    qt = jnp.pad(charges, (0, pad))
    nb = jnp.pad(nbmat_lr.astype(jnp.int32), ((0, pad), (0, 0))).reshape(-1)
    mol = jnp.pad(mol_idx.astype(jnp.int32), (0, pad))
    partials = _lr_coulomb_sc(xt, yt, zt, qt, nb, mol)
    return jnp.sum(partials, axis=0)

# --- scband reference (transcript-rebuilt; emitter-appended) ---
"""Pipeline reference for scband-lrcoulomb-17085379903614 (READ-ONLY COPY).

The authoritative reference and input builder live on the scoring server;
editing this copy changes nothing except your own understanding.
"""

import jax, jax.numpy as jnp
import numpy as np

N = 100000
M = 64
NMOL = 256
RC = 4.6
# constants.half_Hartree [eV] * constants.Bohr [Angstrom]
FACTOR = 13.605693122994 * 0.529177210903


def exp_cutoff(d, rc):
    # smooth bump cutoff: exp(1 - 1/(1-(d/rc)^2)) for d < rc, else 0
    x = d / rc
    x2 = jnp.clip(x * x, 0.0, 0.999999)
    val = jnp.exp(1.0 - 1.0 / (1.0 - x2))
    return jnp.where(x < 1.0, val, 0.0)


def setup_inputs(seed: int = 0) -> dict:
    key = jax.random.key(seed)
    k1, k2, k3, k4 = jax.random.split(key, 4)
    # positions in a ~100 Angstrom box so pair distances span the cutoff
    coord = jax.random.uniform(k1, (N, 3), dtype=jnp.float32) * 100.0
    charges = jax.random.normal(k2, (N,), dtype=jnp.float32) * 0.2
    nbmat_lr = jax.random.randint(k3, (N, M), 0, N)
    mol_idx = jnp.sort(jax.random.randint(k4, (N,), 0, NMOL))
    return {"coord": coord, "charges": charges, "nbmat_lr": nbmat_lr, "mol_idx": mol_idx}


def reference(coord, charges, nbmat_lr, mol_idx):
    # lazy_calc_dij_lr: gather neighbor coordinates and compute pair distances
    rj = coord[nbmat_lr]                       # [N, M, 3] gather
    disp = coord[:, None, :] - rj              # [N, M, 3]
    d_ij = jnp.sqrt(jnp.sum(disp * disp, axis=-1) + 1e-12)  # [N, M]

    # mask: self-pairs (and degenerate zero-distance pairs) are padding
    valid = (nbmat_lr != jnp.arange(N, dtype=nbmat_lr.dtype)[:, None]) & (d_ij > 1e-3)
    d_safe = jnp.where(valid, d_ij, 1.0)

    # get_ij on charges
    q_i = charges[:, None]                     # [N, 1]
    q_j = charges[nbmat_lr]                    # [N, M] gather
    q_ij = q_i * q_j

    fc = 1.0 - exp_cutoff(d_safe, RC)
    e_ij = fc * q_ij / d_safe
    e_ij = jnp.where(valid, e_ij, 0.0)         # mask_ij_
    e_i = jnp.sum(e_ij, axis=-1)               # [N]

    # mol_sum: per-molecule scatter-add
    e = FACTOR * jax.ops.segment_sum(e_i, mol_idx, num_segments=NMOL)  # [NMOL]
    return e

if __name__ == "__main__":
    import jax
    _d = setup_inputs()
    print(jax.jit(kernel)(*tuple(_d.values())))

</pallas_src>

<mosaic_0001>
#map = affine_map<(d0, d1) -> (0)>
#map1 = affine_map<(d0, d1) -> (0, 0)>
module attributes {stable_mosaic.version = 14 : i64} {
  func.func @_lr_coulomb_sc(%arg0: i32, %arg1: i32, %arg2: memref<100352xf32, #tpu.memory_space<hbm>>, %arg3: memref<100352xf32, #tpu.memory_space<hbm>>, %arg4: memref<100352xf32, #tpu.memory_space<hbm>>, %arg5: memref<100352xf32, #tpu.memory_space<hbm>>, %arg6: memref<6422528xi32, #tpu.memory_space<hbm>>, %arg7: memref<100352xi32, #tpu.memory_space<hbm>>, %arg8: memref<32x256xf32, #tpu.memory_space<hbm>>, %arg9: memref<2048xi32, #tpu.memory_space<vmem>>, %arg10: memref<2048xi32, #tpu.memory_space<vmem>>, %arg11: memref<2048xf32, #tpu.memory_space<vmem>>, %arg12: memref<2048xf32, #tpu.memory_space<vmem>>, %arg13: memref<2048xf32, #tpu.memory_space<vmem>>, %arg14: memref<2048xf32, #tpu.memory_space<vmem>>, %arg15: memref<2048xf32, #tpu.memory_space<vmem>>, %arg16: memref<2048xf32, #tpu.memory_space<vmem>>, %arg17: memref<2048xf32, #tpu.memory_space<vmem>>, %arg18: memref<2048xf32, #tpu.memory_space<vmem>>, %arg19: memref<3136xf32, #tpu.memory_space<vmem>>, %arg20: memref<3136xf32, #tpu.memory_space<vmem>>, %arg21: memref<3136xf32, #tpu.memory_space<vmem>>, %arg22: memref<3136xf32, #tpu.memory_space<vmem>>, %arg23: memref<3136xi32, #tpu.memory_space<vmem>>, %arg24: memref<4096xf32, #tpu.memory_space<vmem>>, %arg25: memref<256xf32, #tpu.memory_space<vmem>>, %arg26: memref<!tpu.dma_semaphore, #tpu.memory_space<semaphore_mem>>, %arg27: memref<!tpu.dma_semaphore, #tpu.memory_space<semaphore_mem>>, %arg28: memref<!tpu.dma_semaphore, #tpu.memory_space<semaphore_mem>>, %arg29: memref<!tpu.dma_semaphore, #tpu.memory_space<semaphore_mem>>, %arg30: memref<!tpu.dma_semaphore, #tpu.memory_space<semaphore_mem>>) attributes {dimension_semantics = [#tpu.dimension_semantics<core_parallel>, #tpu.dimension_semantics<subcore_parallel>], iteration_bounds = array<i64: 2, 16>, scalar_prefetch = 0 : i64, scratch_operands = 22 : i64, tpu.core_type = #tpu.core_type<sc_vector_subcore>, window_params = [{transform_indices = #map}, {transform_indices = #map}, {transform_indices = #map}, {transform_indices = #map}, {transform_indices = #map}, {transform_indices = #map}, {transform_indices = #map1}]} {
    %mul3A = arith.constant 2 : i32
    %mul3A_0 = arith.muli %arg1, %mul3A : i32
    %add3A = arith.addi %mul3A_0, %arg0 : i32
    %mul3A_1 = arith.constant 3136 : i32
    %mul3A_2 = arith.muli %add3A, %mul3A_1 : i32
    %iota3A = tpu.iota {dimensions = array<i32: 0>} : vector<16xi32>
    %broadcast_in_dim3A = arith.constant 0.000000e+00 : f32
    %broadcast_in_dim3A_3 = vector.broadcast %broadcast_in_dim3A : f32 to vector<16xf32>
    %dma_start3A = tpu.memref_slice %arg2[%mul3A_2] : memref<100352xf32, #tpu.memory_space<hbm>> -> memref<3136xf32, #tpu.memory_space<hbm>>
    %dma_start3A_4 = tpu.memref_slice %arg2[%mul3A_2] : memref<100352xf32, #tpu.memory_space<hbm>> -> memref<3136xf32, #tpu.memory_space<hbm>>
    tpu.enqueue_dma source(%dma_start3A_4 : memref<3136xf32, #tpu.memory_space<hbm>>) target(%arg19 : memref<3136xf32, #tpu.memory_space<vmem>>) target_semaphore(%arg30 : memref<!tpu.dma_semaphore, #tpu.memory_space<semaphore_mem>>)
    %dma_start3A_5 = tpu.memref_slice %arg3[%mul3A_2] : memref<100352xf32, #tpu.memory_space<hbm>> -> memref<3136xf32, #tpu.memory_space<hbm>>
    %dma_start3A_6 = tpu.memref_slice %arg3[%mul3A_2] : memref<100352xf32, #tpu.memory_space<hbm>> -> memref<3136xf32, #tpu.memory_space<hbm>>
    tpu.enqueue_dma source(%dma_start3A_6 : memref<3136xf32, #tpu.memory_space<hbm>>) target(%arg20 : memref<3136xf32, #tpu.memory_space<vmem>>) target_semaphore(%arg30 : memref<!tpu.dma_semaphore, #tpu.memory_space<semaphore_mem>>)
    %dma_start3A_7 = tpu.memref_slice %arg4[%mul3A_2] : memref<100352xf32, #tpu.memory_space<hbm>> -> memref<3136xf32, #tpu.memory_space<hbm>>
    %dma_start3A_8 = tpu.memref_slice %arg4[%mul3A_2] : memref<100352xf32, #tpu.memory_space<hbm>> -> memref<3136xf32, #tpu.memory_space<hbm>>
    tpu.enqueue_dma source(%dma_start3A_8 : memref<3136xf32, #tpu.memory_space<hbm>>) target(%arg21 : memref<3136xf32, #tpu.memory_space<vmem>>) target_semaphore(%arg30 : memref<!tpu.dma_semaphore, #tpu.memory_space<semaphore_mem>>)
    %dma_start3A_9 = tpu.memref_slice %arg5[%mul3A_2] : memref<100352xf32, #tpu.memory_space<hbm>> -> memref<3136xf32, #tpu.memory_space<hbm>>
    %dma_start3A_10 = tpu.memref_slice %arg5[%mul3A_2] : memref<100352xf32, #tpu.memory_space<hbm>> -> memref<3136xf32, #tpu.memory_space<hbm>>
    tpu.enqueue_dma source(%dma_start3A_10 : memref<3136xf32, #tpu.memory_space<hbm>>) target(%arg22 : memref<3136xf32, #tpu.memory_space<vmem>>) target_semaphore(%arg30 : memref<!tpu.dma_semaphore, #tpu.memory_space<semaphore_mem>>)
    %dma_start3A_11 = tpu.memref_slice %arg7[%mul3A_2] : memref<100352xi32, #tpu.memory_space<hbm>> -> memref<3136xi32, #tpu.memory_space<hbm>>
    %dma_start3A_12 = tpu.memref_slice %arg7[%mul3A_2] : memref<100352xi32, #tpu.memory_space<hbm>> -> memref<3136xi32, #tpu.memory_space<hbm>>
    tpu.enqueue_dma source(%dma_start3A_12 : memref<3136xi32, #tpu.memory_space<hbm>>) target(%arg23 : memref<3136xi32, #tpu.memory_space<vmem>>) target_semaphore(%arg30 : memref<!tpu.dma_semaphore, #tpu.memory_space<semaphore_mem>>)
    %scan3A = arith.constant 0 : i32
    %scan3A_13 = arith.constant 0 : i32
    %scan3A_14 = arith.constant 256 : i32
    %scan3A_15 = arith.addi %scan3A_13, %scan3A_14 : i32
    %scan3A_16 = arith.constant 1 : i32
    %scan3A_17 = scf.for %scan3A_68 = %scan3A_13 to %scan3A_15 step %scan3A_16 iter_args(%scan3A_69 = %scan3A) -> (i32)  : i32 {
      %mul3A_70 = arith.constant 16 : i32
      %mul3A_71 = arith.muli %scan3A_68, %mul3A_70 : i32
      %swap3A = arith.index_cast %mul3A_71 : i32 to index
      %swap3A_72 = tpu.vector_load %arg24[%swap3A] {strides = array<i32>} : memref<4096xf32, #tpu.memory_space<vmem>>, vector<16xf32>,
      tpu.vector_store %arg24[%swap3A], %broadcast_in_dim3A_3 {strides = array<i32>} : memref<4096xf32, #tpu.memory_space<vmem>>, vector<16xf32>,
      %scan3A_73 = arith.constant 0 : i32
      scf.yield %scan3A_73 : i32
    }
    %scan3A_18 = arith.constant 256 : i32
    %dma_wait3A = tpu.memref_slice %arg2[%mul3A_2] : memref<100352xf32, #tpu.memory_space<hbm>> -> memref<3136xf32, #tpu.memory_space<hbm>>
    %dma_wait3A_19 = tpu.memref_slice %arg2[%mul3A_2] : memref<100352xf32, #tpu.memory_space<hbm>> -> memref<3136xf32, #tpu.memory_space<hbm>>
    tpu.wait_dma2 semaphore(%arg30 : memref<!tpu.dma_semaphore, #tpu.memory_space<semaphore_mem>>) src(%dma_wait3A_19 : memref<3136xf32, #tpu.memory_space<hbm>>) dst(%arg19 : memref<3136xf32, #tpu.memory_space<vmem>>)
    %dma_wait3A_20 = tpu.memref_slice %arg3[%mul3A_2] : memref<100352xf32, #tpu.memory_space<hbm>> -> memref<3136xf32, #tpu.memory_space<hbm>>
    %dma_wait3A_21 = tpu.memref_slice %arg3[%mul3A_2] : memref<100352xf32, #tpu.memory_space<hbm>> -> memref<3136xf32, #tpu.memory_space<hbm>>
    tpu.wait_dma2 semaphore(%arg30 : memref<!tpu.dma_semaphore, #tpu.memory_space<semaphore_mem>>) src(%dma_wait3A_21 : memref<3136xf32, #tpu.memory_space<hbm>>) dst(%arg20 : memref<3136xf32, #tpu.memory_space<vmem>>)
    %dma_wait3A_22 = tpu.memref_slice %arg4[%mul3A_2] : memref<100352xf32, #tpu.memory_space<hbm>> -> memref<3136xf32, #tpu.memory_space<hbm>>
    %dma_wait3A_23 = tpu.memref_slice %arg4[%mul3A_2] : memref<100352xf32, #tpu.memory_space<hbm>> -> memref<3136xf32, #tpu.memory_space<hbm>>
    tpu.wait_dma2 semaphore(%arg30 : memref<!tpu.dma_semaphore, #tpu.memory_space<semaphore_mem>>) src(%dma_wait3A_23 : memref<3136xf32, #tpu.memory_space<hbm>>) dst(%arg21 : memref<3136xf32, #tpu.memory_space<vmem>>)
    %dma_wait3A_24 = tpu.memref_slice %arg5[%mul3A_2] : memref<100352xf32, #tpu.memory_space<hbm>> -> memref<3136xf32, #tpu.memory_space<hbm>>
    %dma_wait3A_25 = tpu.memref_slice %arg5[%mul3A_2] : memref<100352xf32, #tpu.memory_space<hbm>> -> memref<3136xf32, #tpu.memory_space<hbm>>
    tpu.wait_dma2 semaphore(%arg30 : memref<!tpu.dma_semaphore, #tpu.memory_space<semaphore_mem>>) src(%dma_wait3A_25 : memref<3136xf32, #tpu.memory_space<hbm>>) dst(%arg22 : memref<3136xf32, #tpu.memory_space<vmem>>)
    %dma_wait3A_26 = tpu.memref_slice %arg7[%mul3A_2] : memref<100352xi32, #tpu.memory_space<hbm>> -> memref<3136xi32, #tpu.memory_space<hbm>>
    %dma_wait3A_27 = tpu.memref_slice %arg7[%mul3A_2] : memref<100352xi32, #tpu.memory_space<hbm>> -> memref<3136xi32, #tpu.memory_space<hbm>>
    tpu.wait_dma2 semaphore(%arg30 : memref<!tpu.dma_semaphore, #tpu.memory_space<semaphore_mem>>) src(%dma_wait3A_27 : memref<3136xi32, #tpu.memory_space<hbm>>) dst(%arg23 : memref<3136xi32, #tpu.memory_space<vmem>>)
    %add3A_28 = arith.constant 0 : i32
    %add3A_29 = arith.addi %mul3A_2, %add3A_28 : i32
    %mul3A_30 = arith.constant 64 : i32
    %mul3A_31 = arith.muli %add3A_29, %mul3A_30 : i32
    %dma_start3A_32 = tpu.memref_slice %arg6[%mul3A_31] : memref<6422528xi32, #tpu.memory_space<hbm>> -> memref<2048xi32, #tpu.memory_space<hbm>>
    %dma_start3A_33 = tpu.memref_slice %arg6[%mul3A_31] : memref<6422528xi32, #tpu.memory_space<hbm>> -> memref<2048xi32, #tpu.memory_space<hbm>>
    tpu.enqueue_dma source(%dma_start3A_33 : memref<2048xi32, #tpu.memory_space<hbm>>) target(%arg9 : memref<2048xi32, #tpu.memory_space<vmem>>) target_semaphore(%arg28 : memref<!tpu.dma_semaphore, #tpu.memory_space<semaphore_mem>>)
    %dma_wait3A_34 = arith.constant 0 : i32
    %dma_wait3A_35 = tpu.memref_slice %arg6[%dma_wait3A_34] : memref<6422528xi32, #tpu.memory_space<hbm>> -> memref<2048xi32, #tpu.memory_space<hbm>>
    %dma_wait3A_36 = arith.constant 0 : i32
    %dma_wait3A_37 = tpu.memref_slice %arg6[%dma_wait3A_36] : memref<6422528xi32, #tpu.memory_space<hbm>> -> memref<2048xi32, #tpu.memory_space<hbm>>
    tpu.wait_dma2 semaphore(%arg28 : memref<!tpu.dma_semaphore, #tpu.memory_space<semaphore_mem>>) src(%dma_wait3A_37 : memref<2048xi32, #tpu.memory_space<hbm>>) dst(%arg9 : memref<2048xi32, #tpu.memory_space<vmem>>)
    %dma_start3A_38 = arith.constant 0 : i32
    %dma_start3A_39 = tpu.memref_slice %arg2[%dma_start3A_38] : memref<100352xf32, #tpu.memory_space<hbm>> -> memref<100352xf32, #tpu.memory_space<hbm>>
    tpu.enqueue_indirect_dma source(%dma_start3A_39 : memref<100352xf32, #tpu.memory_space<hbm>>) target(%arg11 : memref<2048xf32, #tpu.memory_space<vmem>>) offsets(%arg9 : memref<2048xi32, #tpu.memory_space<vmem>>) semaphore(%arg26 : memref<!tpu.dma_semaphore, #tpu.memory_space<semaphore_mem>>)
    %dma_start3A_40 = arith.constant 0 : i32
    %dma_start3A_41 = tpu.memref_slice %arg3[%dma_start3A_40] : memref<100352xf32, #tpu.memory_space<hbm>> -> memref<100352xf32, #tpu.memory_space<hbm>>
    tpu.enqueue_indirect_dma source(%dma_start3A_41 : memref<100352xf32, #tpu.memory_space<hbm>>) target(%arg12 : memref<2048xf32, #tpu.memory_space<vmem>>) offsets(%arg9 : memref<2048xi32, #tpu.memory_space<vmem>>) semaphore(%arg26 : memref<!tpu.dma_semaphore, #tpu.memory_space<semaphore_mem>>)
    %dma_start3A_42 = arith.constant 0 : i32
    %dma_start3A_43 = tpu.memref_slice %arg4[%dma_start3A_42] : memref<100352xf32, #tpu.memory_space<hbm>> -> memref<100352xf32, #tpu.memory_space<hbm>>
    tpu.enqueue_indirect_dma source(%dma_start3A_43 : memref<100352xf32, #tpu.memory_space<hbm>>) target(%arg13 : memref<2048xf32, #tpu.memory_space<vmem>>) offsets(%arg9 : memref<2048xi32, #tpu.memory_space<vmem>>) semaphore(%arg26 : memref<!tpu.dma_semaphore, #tpu.memory_space<semaphore_mem>>)
    %dma_start3A_44 = arith.constant 0 : i32
    %dma_start3A_45 = tpu.memref_slice %arg5[%dma_start3A_44] : memref<100352xf32, #tpu.memory_space<hbm>> -> memref<100352xf32, #tpu.memory_space<hbm>>
    tpu.enqueue_indirect_dma source(%dma_start3A_45 : memref<100352xf32, #tpu.memory_space<hbm>>) target(%arg14 : memref<2048xf32, #tpu.memory_space<vmem>>) offsets(%arg9 : memref<2048xi32, #tpu.memory_space<vmem>>) semaphore(%arg26 : memref<!tpu.dma_semaphore, #tpu.memory_space<semaphore_mem>>)
    %add3A_46 = arith.constant 32 : i32
    %add3A_47 = arith.addi %mul3A_2, %add3A_46 : i32
    %mul3A_48 = arith.constant 64 : i32
    %mul3A_49 = arith.muli %add3A_47, %mul3A_48 : i32
    %dma_start3A_50 = tpu.memref_slice %arg6[%mul3A_49] : memref<6422528xi32, #tpu.memory_space<hbm>> -> memref<2048xi32, #tpu.memory_space<hbm>>
    %dma_start3A_51 = tpu.memref_slice %arg6[%mul3A_49] : memref<6422528xi32, #tpu.memory_space<hbm>> -> memref<2048xi32, #tpu.memory_space<hbm>>
    tpu.enqueue_dma source(%dma_start3A_51 : memref<2048xi32, #tpu.memory_space<hbm>>) target(%arg10 : memref<2048xi32, #tpu.memory_space<vmem>>) target_semaphore(%arg29 : memref<!tpu.dma_semaphore, #tpu.memory_space<semaphore_mem>>)
    %scan3A_52 = arith.constant 0.0472589806 : f32
    %scan3A_53 = arith.constant 0 : i32
    %scan3A_54 = arith.constant 0 : i32
    %scan3A_55 = arith.constant 49 : i32
    %scan3A_56 = arith.addi %scan3A_54, %scan3A_55 : i32
    %scan3A_57 = arith.constant 1 : i32
    %scan3A_58 = scf.for %scan3A_68 = %scan3A_54 to %scan3A_56 step %scan3A_57 iter_args(%scan3A_69 = %scan3A_53) -> (i32)  : i32 {
      %mul3A_70 = arith.constant 2 : i32
      %mul3A_71 = arith.muli %mul3A_70, %scan3A_68 : i32
      %dma_wait3A_72 = arith.constant 0 : i32
      %dma_wait3A_73 = tpu.memref_slice %arg6[%dma_wait3A_72] : memref<6422528xi32, #tpu.memory_space<hbm>> -> memref<2048xi32, #tpu.memory_space<hbm>>
      %dma_wait3A_74 = arith.constant 0 : i32
      %dma_wait3A_75 = tpu.memref_slice %arg6[%dma_wait3A_74] : memref<6422528xi32, #tpu.memory_space<hbm>> -> memref<2048xi32, #tpu.memory_space<hbm>>
      tpu.wait_dma2 semaphore(%arg29 : memref<!tpu.dma_semaphore, #tpu.memory_space<semaphore_mem>>) src(%dma_wait3A_75 : memref<2048xi32, #tpu.memory_space<hbm>>) dst(%arg10 : memref<2048xi32, #tpu.memory_space<vmem>>)
      %add3A_76 = arith.constant 1 : i32
      %add3A_77 = arith.addi %mul3A_71, %add3A_76 : i32
      %dma_start3A_78 = arith.constant 0 : i32
      %dma_start3A_79 = tpu.memref_slice %arg2[%dma_start3A_78] : memref<100352xf32, #tpu.memory_space<hbm>> -> memref<100352xf32, #tpu.memory_space<hbm>>
      tpu.enqueue_indirect_dma source(%dma_start3A_79 : memref<100352xf32, #tpu.memory_space<hbm>>) target(%arg15 : memref<2048xf32, #tpu.memory_space<vmem>>) offsets(%arg10 : memref<2048xi32, #tpu.memory_space<vmem>>) semaphore(%arg27 : memref<!tpu.dma_semaphore, #tpu.memory_space<semaphore_mem>>)
      %dma_start3A_80 = arith.constant 0 : i32
      %dma_start3A_81 = tpu.memref_slice %arg3[%dma_start3A_80] : memref<100352xf32, #tpu.memory_space<hbm>> -> memref<100352xf32, #tpu.memory_space<hbm>>
      tpu.enqueue_indirect_dma source(%dma_start3A_81 : memref<100352xf32, #tpu.memory_space<hbm>>) target(%arg16 : memref<2048xf32, #tpu.memory_space<vmem>>) offsets(%arg10 : memref<2048xi32, #tpu.memory_space<vmem>>) semaphore(%arg27 : memref<!tpu.dma_semaphore, #tpu.memory_space<semaphore_mem>>)
      %dma_start3A_82 = arith.constant 0 : i32
      %dma_start3A_83 = tpu.memref_slice %arg4[%dma_start3A_82] : memref<100352xf32, #tpu.memory_space<hbm>> -> memref<100352xf32, #tpu.memory_space<hbm>>
      tpu.enqueue_indirect_dma source(%dma_start3A_83 : memref<100352xf32, #tpu.memory_space<hbm>>) target(%arg17 : memref<2048xf32, #tpu.memory_space<vmem>>) offsets(%arg10 : memref<2048xi32, #tpu.memory_space<vmem>>) semaphore(%arg27 : memref<!tpu.dma_semaphore, #tpu.memory_space<semaphore_mem>>)
      %dma_start3A_84 = arith.constant 0 : i32
      %dma_start3A_85 = tpu.memref_slice %arg5[%dma_start3A_84] : memref<100352xf32, #tpu.memory_space<hbm>> -> memref<100352xf32, #tpu.memory_space<hbm>>
      tpu.enqueue_indirect_dma source(%dma_start3A_85 : memref<100352xf32, #tpu.memory_space<hbm>>) target(%arg18 : memref<2048xf32, #tpu.memory_space<vmem>>) offsets(%arg10 : memref<2048xi32, #tpu.memory_space<vmem>>) semaphore(%arg27 : memref<!tpu.dma_semaphore, #tpu.memory_space<semaphore_mem>>)
      %dma_wait3A_86 = arith.constant 0 : i32
      %dma_wait3A_87 = tpu.memref_slice %arg2[%dma_wait3A_86] : memref<100352xf32, #tpu.memory_space<hbm>> -> memref<2048xf32, #tpu.memory_space<hbm>>
      %dma_wait3A_88 = arith.constant 0 : i32
      %dma_wait3A_89 = tpu.memref_slice %arg2[%dma_wait3A_88] : memref<100352xf32, #tpu.memory_space<hbm>> -> memref<2048xf32, #tpu.memory_space<hbm>>
      tpu.wait_dma2 semaphore(%arg26 : memref<!tpu.dma_semaphore, #tpu.memory_space<semaphore_mem>>) src(%dma_wait3A_89 : memref<2048xf32, #tpu.memory_space<hbm>>) dst(%arg11 : memref<2048xf32, #tpu.memory_space<vmem>>)
      %dma_wait3A_90 = arith.constant 0 : i32
      %dma_wait3A_91 = tpu.memref_slice %arg3[%dma_wait3A_90] : memref<100352xf32, #tpu.memory_space<hbm>> -> memref<2048xf32, #tpu.memory_space<hbm>>
      %dma_wait3A_92 = arith.constant 0 : i32
      %dma_wait3A_93 = tpu.memref_slice %arg3[%dma_wait3A_92] : memref<100352xf32, #tpu.memory_space<hbm>> -> memref<2048xf32, #tpu.memory_space<hbm>>
      tpu.wait_dma2 semaphore(%arg26 : memref<!tpu.dma_semaphore, #tpu.memory_space<semaphore_mem>>) src(%dma_wait3A_93 : memref<2048xf32, #tpu.memory_space<hbm>>) dst(%arg12 : memref<2048xf32, #tpu.memory_space<vmem>>)
      %dma_wait3A_94 = arith.constant 0 : i32
      %dma_wait3A_95 = tpu.memref_slice %arg4[%dma_wait3A_94] : memref<100352xf32, #tpu.memory_space<hbm>> -> memref<2048xf32, #tpu.memory_space<hbm>>
      %dma_wait3A_96 = arith.constant 0 : i32
      %dma_wait3A_97 = tpu.memref_slice %arg4[%dma_wait3A_96] : memref<100352xf32, #tpu.memory_space<hbm>> -> memref<2048xf32, #tpu.memory_space<hbm>>
      tpu.wait_dma2 semaphore(%arg26 : memref<!tpu.dma_semaphore, #tpu.memory_space<semaphore_mem>>) src(%dma_wait3A_97 : memref<2048xf32, #tpu.memory_space<hbm>>) dst(%arg13 : memref<2048xf32, #tpu.memory_space<vmem>>)
      %dma_wait3A_98 = arith.constant 0 : i32
      %dma_wait3A_99 = tpu.memref_slice %arg5[%dma_wait3A_98] : memref<100352xf32, #tpu.memory_space<hbm>> -> memref<2048xf32, #tpu.memory_space<hbm>>
      %dma_wait3A_100 = arith.constant 0 : i32
      %dma_wait3A_101 = tpu.memref_slice %arg5[%dma_wait3A_100] : memref<100352xf32, #tpu.memory_space<hbm>> -> memref<2048xf32, #tpu.memory_space<hbm>>
      tpu.wait_dma2 semaphore(%arg26 : memref<!tpu.dma_semaphore, #tpu.memory_space<semaphore_mem>>) src(%dma_wait3A_101 : memref<2048xf32, #tpu.memory_space<hbm>>) dst(%arg14 : memref<2048xf32, #tpu.memory_space<vmem>>)
      %mul3A_102 = arith.constant 32 : i32
      %mul3A_103 = arith.muli %mul3A_71, %mul3A_102 : i32
      %add3A_104 = arith.addi %mul3A_2, %mul3A_103 : i32
      %mul3A_105 = arith.constant 32 : i32
      %mul3A_106 = arith.muli %mul3A_71, %mul3A_105 : i32
      %add3A_107 = arith.constant 0 : i32
      %add3A_108 = arith.addi %mul3A_106, %add3A_107 : i32
      %get3A = arith.index_cast %add3A_108 : i32 to index
      %get3A_109 = tpu.vector_load %arg19[%get3A] {strides = array<i32>} : memref<3136xf32, #tpu.memory_space<vmem>>, vector<16xf32>,
      %get3A_110 = arith.index_cast %add3A_108 : i32 to index
      %get3A_111 = tpu.vector_load %arg20[%get3A_110] {strides = array<i32>} : memref<3136xf32, #tpu.memory_space<vmem>>, vector<16xf32>,
      %get3A_112 = arith.index_cast %add3A_108 : i32 to index
      %get3A_113 = tpu.vector_load %arg21[%get3A_112] {strides = array<i32>} : memref<3136xf32, #tpu.memory_space<vmem>>, vector<16xf32>,
      %get3A_114 = arith.index_cast %add3A_108 : i32 to index
      %get3A_115 = tpu.vector_load %arg22[%get3A_114] {strides = array<i32>} : memref<3136xf32, #tpu.memory_space<vmem>>, vector<16xf32>,
      %add3A_116 = arith.constant 0 : i32
      %add3A_117 = arith.addi %add3A_104, %add3A_116 : i32
      %add3A_118 = vector.broadcast %add3A_117 : i32 to vector<16xi32>
      %add3A_119 = arith.addi %iota3A, %add3A_118 : vector<16xi32>
      %scan3A_120 = arith.constant 0 : i32
      %scan3A_121 = arith.constant 64 : i32
      %scan3A_122 = arith.addi %scan3A_120, %scan3A_121 : i32
      %scan3A_123 = arith.constant 4 : i32
      %scan3A_124 = scf.for %scan3A_250 = %scan3A_120 to %scan3A_122 step %scan3A_123 iter_args(%scan3A_251 = %broadcast_in_dim3A_3) -> (vector<16xf32>)  : i32 {
        %mul3A_252 = arith.constant 64 : i32
        %mul3A_253 = vector.broadcast %mul3A_252 : i32 to vector<16xi32>
        %mul3A_254 = arith.muli %iota3A, %mul3A_253 : vector<16xi32>
        %add3A_255 = arith.constant 0 : i32
        %add3A_256 = arith.addi %add3A_255, %scan3A_250 : i32
        %add3A_257 = vector.broadcast %add3A_256 : i32 to vector<16xi32>
        %add3A_258 = arith.addi %mul3A_254, %add3A_257 : vector<16xi32>
        %gather3A = tpu.vector_load_idx %arg11[%add3A_258] : memref<2048xf32, #tpu.memory_space<vmem>>[vector<16xi32>], vector<16xf32>,
        %gather3A_259 = tpu.vector_load_idx %arg12[%add3A_258] : memref<2048xf32, #tpu.memory_space<vmem>>[vector<16xi32>], vector<16xf32>,
        %gather3A_260 = tpu.vector_load_idx %arg13[%add3A_258] : memref<2048xf32, #tpu.memory_space<vmem>>[vector<16xi32>], vector<16xf32>,
        %gather3A_261 = tpu.vector_load_idx %arg14[%add3A_258] : memref<2048xf32, #tpu.memory_space<vmem>>[vector<16xi32>], vector<16xf32>,
        %gather3A_262 = tpu.vector_load_idx %arg9[%add3A_258] : memref<2048xi32, #tpu.memory_space<vmem>>[vector<16xi32>], vector<16xi32>,
        %sub3A = arith.subf %get3A_109, %gather3A : vector<16xf32>
        %sub3A_263 = arith.subf %get3A_111, %gather3A_259 : vector<16xf32>
        %sub3A_264 = arith.subf %get3A_113, %gather3A_260 : vector<16xf32>
        %mul3A_265 = arith.mulf %sub3A, %sub3A : vector<16xf32>
        %mul3A_266 = arith.mulf %sub3A_263, %sub3A_263 : vector<16xf32>
        %add3A_267 = arith.addf %mul3A_265, %mul3A_266 : vector<16xf32>
        %mul3A_268 = arith.mulf %sub3A_264, %sub3A_264 : vector<16xf32>
        %add3A_269 = arith.addf %add3A_267, %mul3A_268 : vector<16xf32>
        %add3A_270 = arith.constant 9.99999996E-13 : f32
        %add3A_271 = vector.broadcast %add3A_270 : f32 to vector<16xf32>
        %add3A_272 = arith.addf %add3A_269, %add3A_271 : vector<16xf32>
        %ne3A = arith.cmpi ne, %gather3A_262, %add3A_119 : vector<16xi32>
        %gt3A = arith.constant 9.99999997E-7 : f32
        %gt3A_273 = vector.broadcast %gt3A : f32 to vector<16xf32>
        %gt3A_274 = arith.cmpf ogt, %add3A_272, %gt3A_273 : vector<16xf32>
        %and3A = arith.andi %ne3A, %gt3A_274 : vector<16xi1>
        %jit3A = arith.constant 1.000000e+00 : f32
        %broadcast_in_dim3A_275 = vector.broadcast %jit3A : f32 to vector<16xf32>
        %select_n3A = arith.select %and3A, %add3A_272, %broadcast_in_dim3A_275 : vector<16xi1>, vector<16xf32>
        %bitcast_convert_type3A = tpu.bitcast %select_n3A : vector<16xf32> -> vector<16xi32>
        %broadcast_in_dim3A_276 = arith.constant 1597463007 : i32
        %broadcast_in_dim3A_277 = vector.broadcast %broadcast_in_dim3A_276 : i32 to vector<16xi32>
        %shift_right_arithmetic3A = arith.constant 1 : i32
        %shift_right_arithmetic3A_278 = vector.broadcast %shift_right_arithmetic3A : i32 to vector<16xi32>
        %shift_right_arithmetic3A_279 = arith.shrsi %bitcast_convert_type3A, %shift_right_arithmetic3A_278 : vector<16xi32>
        %sub3A_280 = arith.subi %broadcast_in_dim3A_277, %shift_right_arithmetic3A_279 : vector<16xi32>
        %bitcast_convert_type3A_281 = tpu.bitcast %sub3A_280 : vector<16xi32> -> vector<16xf32>
        %mul3A_282 = arith.constant 5.000000e-01 : f32
        %mul3A_283 = vector.broadcast %mul3A_282 : f32 to vector<16xf32>
        %mul3A_284 = arith.mulf %mul3A_283, %select_n3A : vector<16xf32>
        %mul3A_285 = arith.mulf %mul3A_284, %bitcast_convert_type3A_281 : vector<16xf32>
        %mul3A_286 = arith.mulf %mul3A_285, %bitcast_convert_type3A_281 : vector<16xf32>
        %sub3A_287 = arith.constant 1.500000e+00 : f32
        %sub3A_288 = vector.broadcast %sub3A_287 : f32 to vector<16xf32>
        %sub3A_289 = arith.subf %sub3A_288, %mul3A_286 : vector<16xf32>
        %mul3A_290 = arith.mulf %bitcast_convert_type3A_281, %sub3A_289 : vector<16xf32>
        %mul3A_291 = arith.mulf %mul3A_284, %mul3A_290 : vector<16xf32>
        %mul3A_292 = arith.mulf %mul3A_291, %mul3A_290 : vector<16xf32>
        %sub3A_293 = arith.constant 1.500000e+00 : f32
        %sub3A_294 = vector.broadcast %sub3A_293 : f32 to vector<16xf32>
        %sub3A_295 = arith.subf %sub3A_294, %mul3A_292 : vector<16xf32>
        %mul3A_296 = arith.mulf %mul3A_290, %sub3A_295 : vector<16xf32>
        %mul3A_297 = arith.mulf %mul3A_284, %mul3A_296 : vector<16xf32>
        %mul3A_298 = arith.mulf %mul3A_297, %mul3A_296 : vector<16xf32>
        %sub3A_299 = arith.constant 1.500000e+00 : f32
        %sub3A_300 = vector.broadcast %sub3A_299 : f32 to vector<16xf32>
        %sub3A_301 = arith.subf %sub3A_300, %mul3A_298 : vector<16xf32>
        %mul3A_302 = arith.mulf %mul3A_296, %sub3A_301 : vector<16xf32>
        %mul3A_303 = vector.broadcast %scan3A_52 : f32 to vector<16xf32>
        %mul3A_304 = arith.mulf %select_n3A, %mul3A_303 : vector<16xf32>
        %min3A = arith.constant 0.999998986 : f32
        %min3A_305 = vector.broadcast %min3A : f32 to vector<16xf32>
        %min3A_306 = arith.minimumf %mul3A_304, %min3A_305 : vector<16xf32>
        %sub3A_307 = arith.constant 1.000000e+00 : f32
        %sub3A_308 = vector.broadcast %sub3A_307 : f32 to vector<16xf32>
        %sub3A_309 = arith.subf %sub3A_308, %min3A_306 : vector<16xf32>
        %div3A = arith.constant 1.000000e+00 : f32
        %div3A_310 = vector.broadcast %div3A : f32 to vector<16xf32>
        %div3A_311 = arith.divf %div3A_310, %sub3A_309 : vector<16xf32>
        %sub3A_312 = arith.constant 1.000000e+00 : f32
        %sub3A_313 = vector.broadcast %sub3A_312 : f32 to vector<16xf32>
        %sub3A_314 = arith.subf %sub3A_313, %div3A_311 : vector<16xf32>
        %lt3A_315 = arith.constant 1.000000e+00 : f32
        %lt3A_316 = vector.broadcast %lt3A_315 : f32 to vector<16xf32>
        %lt3A_317 = arith.cmpf olt, %mul3A_304, %lt3A_316 : vector<16xf32>
        %exp3A = math.exp %sub3A_314 : vector<16xf32>
        %jit3A_318 = arith.constant 0.000000e+00 : f32
        %broadcast_in_dim3A_319 = vector.broadcast %jit3A_318 : f32 to vector<16xf32>
        %select_n3A_320 = arith.select %lt3A_317, %exp3A, %broadcast_in_dim3A_319 : vector<16xi1>, vector<16xf32>
        %sub3A_321 = arith.constant 1.000000e+00 : f32
        %sub3A_322 = vector.broadcast %sub3A_321 : f32 to vector<16xf32>
        %sub3A_323 = arith.subf %sub3A_322, %select_n3A_320 : vector<16xf32>
        %mul3A_324 = arith.mulf %get3A_115, %gather3A_261 : vector<16xf32>
        %mul3A_325 = arith.mulf %sub3A_323, %mul3A_324 : vector<16xf32>
        %mul3A_326 = arith.mulf %mul3A_325, %mul3A_302 : vector<16xf32>
        %jit3A_327 = arith.constant 0.000000e+00 : f32
        %broadcast_in_dim3A_328 = vector.broadcast %jit3A_327 : f32 to vector<16xf32>
        %select_n3A_329 = arith.select %and3A, %mul3A_326, %broadcast_in_dim3A_328 : vector<16xi1>, vector<16xf32>
        %add3A_330 = arith.addf %scan3A_251, %select_n3A_329 : vector<16xf32>
        %scan3A_331 = arith.constant 1 : i32
        %scan3A_332 = arith.addi %scan3A_250, %scan3A_331 : i32
        %mul3A_333 = arith.constant 64 : i32
        %mul3A_334 = vector.broadcast %mul3A_333 : i32 to vector<16xi32>
        %mul3A_335 = arith.muli %iota3A, %mul3A_334 : vector<16xi32>
        %add3A_336 = arith.constant 0 : i32
        %add3A_337 = arith.addi %add3A_336, %scan3A_332 : i32
        %add3A_338 = vector.broadcast %add3A_337 : i32 to vector<16xi32>
        %add3A_339 = arith.addi %mul3A_335, %add3A_338 : vector<16xi32>
        %gather3A_340 = tpu.vector_load_idx %arg11[%add3A_339] : memref<2048xf32, #tpu.memory_space<vmem>>[vector<16xi32>], vector<16xf32>,
        %gather3A_341 = tpu.vector_load_idx %arg12[%add3A_339] : memref<2048xf32, #tpu.memory_space<vmem>>[vector<16xi32>], vector<16xf32>,
        %gather3A_342 = tpu.vector_load_idx %arg13[%add3A_339] : memref<2048xf32, #tpu.memory_space<vmem>>[vector<16xi32>], vector<16xf32>,
        %gather3A_343 = tpu.vector_load_idx %arg14[%add3A_339] : memref<2048xf32, #tpu.memory_space<vmem>>[vector<16xi32>], vector<16xf32>,
        %gather3A_344 = tpu.vector_load_idx %arg9[%add3A_339] : memref<2048xi32, #tpu.memory_space<vmem>>[vector<16xi32>], vector<16xi32>,
        %sub3A_345 = arith.subf %get3A_109, %gather3A_340 : vector<16xf32>
        %sub3A_346 = arith.subf %get3A_111, %gather3A_341 : vector<16xf32>
        %sub3A_347 = arith.subf %get3A_113, %gather3A_342 : vector<16xf32>
        %mul3A_348 = arith.mulf %sub3A_345, %sub3A_345 : vector<16xf32>
        %mul3A_349 = arith.mulf %sub3A_346, %sub3A_346 : vector<16xf32>
        %add3A_350 = arith.addf %mul3A_348, %mul3A_349 : vector<16xf32>
        %mul3A_351 = arith.mulf %sub3A_347, %sub3A_347 : vector<16xf32>
        %add3A_352 = arith.addf %add3A_350, %mul3A_351 : vector<16xf32>
        %add3A_353 = arith.constant 9.99999996E-13 : f32
        %add3A_354 = vector.broadcast %add3A_353 : f32 to vector<16xf32>
        %add3A_355 = arith.addf %add3A_352, %add3A_354 : vector<16xf32>
        %ne3A_356 = arith.cmpi ne, %gather3A_344, %add3A_119 : vector<16xi32>
        %gt3A_357 = arith.constant 9.99999997E-7 : f32
        %gt3A_358 = vector.broadcast %gt3A_357 : f32 to vector<16xf32>
        %gt3A_359 = arith.cmpf ogt, %add3A_355, %gt3A_358 : vector<16xf32>
        %and3A_360 = arith.andi %ne3A_356, %gt3A_359 : vector<16xi1>
        %jit3A_361 = arith.constant 1.000000e+00 : f32
        %broadcast_in_dim3A_362 = vector.broadcast %jit3A_361 : f32 to vector<16xf32>
        %select_n3A_363 = arith.select %and3A_360, %add3A_355, %broadcast_in_dim3A_362 : vector<16xi1>, vector<16xf32>
        %bitcast_convert_type3A_364 = tpu.bitcast %select_n3A_363 : vector<16xf32> -> vector<16xi32>
        %broadcast_in_dim3A_365 = arith.constant 1597463007 : i32
        %broadcast_in_dim3A_366 = vector.broadcast %broadcast_in_dim3A_365 : i32 to vector<16xi32>
        %shift_right_arithmetic3A_367 = arith.constant 1 : i32
        %shift_right_arithmetic3A_368 = vector.broadcast %shift_right_arithmetic3A_367 : i32 to vector<16xi32>
        %shift_right_arithmetic3A_369 = arith.shrsi %bitcast_convert_type3A_364, %shift_right_arithmetic3A_368 : vector<16xi32>
        %sub3A_370 = arith.subi %broadcast_in_dim3A_366, %shift_right_arithmetic3A_369 : vector<16xi32>
        %bitcast_convert_type3A_371 = tpu.bitcast %sub3A_370 : vector<16xi32> -> vector<16xf32>
        %mul3A_372 = arith.constant 5.000000e-01 : f32
        %mul3A_373 = vector.broadcast %mul3A_372 : f32 to vector<16xf32>
        %mul3A_374 = arith.mulf %mul3A_373, %select_n3A_363 : vector<16xf32>
        %mul3A_375 = arith.mulf %mul3A_374, %bitcast_convert_type3A_371 : vector<16xf32>
        %mul3A_376 = arith.mulf %mul3A_375, %bitcast_convert_type3A_371 : vector<16xf32>
        %sub3A_377 = arith.constant 1.500000e+00 : f32
        %sub3A_378 = vector.broadcast %sub3A_377 : f32 to vector<16xf32>
        %sub3A_379 = arith.subf %sub3A_378, %mul3A_376 : vector<16xf32>
        %mul3A_380 = arith.mulf %bitcast_convert_type3A_371, %sub3A_379 : vector<16xf32>
        %mul3A_381 = arith.mulf %mul3A_374, %mul3A_380 : vector<16xf32>
        %mul3A_382 = arith.mulf %mul3A_381, %mul3A_380 : vector<16xf32>
        %sub3A_383 = arith.constant 1.500000e+00 : f32
        %sub3A_384 = vector.broadcast %sub3A_383 : f32 to vector<16xf32>
        %sub3A_385 = arith.subf %sub3A_384, %mul3A_382 : vector<16xf32>
        %mul3A_386 = arith.mulf %mul3A_380, %sub3A_385 : vector<16xf32>
        %mul3A_387 = arith.mulf %mul3A_374, %mul3A_386 : vector<16xf32>
        %mul3A_388 = arith.mulf %mul3A_387, %mul3A_386 : vector<16xf32>
        %sub3A_389 = arith.constant 1.500000e+00 : f32
        %sub3A_390 = vector.broadcast %sub3A_389 : f32 to vector<16xf32>
        %sub3A_391 = arith.subf %sub3A_390, %mul3A_388 : vector<16xf32>
        %mul3A_392 = arith.mulf %mul3A_386, %sub3A_391 : vector<16xf32>
        %mul3A_393 = vector.broadcast %scan3A_52 : f32 to vector<16xf32>
        %mul3A_394 = arith.mulf %select_n3A_363, %mul3A_393 : vector<16xf32>
        %min3A_395 = arith.constant 0.999998986 : f32
        %min3A_396 = vector.broadcast %min3A_395 : f32 to vector<16xf32>
        %min3A_397 = arith.minimumf %mul3A_394, %min3A_396 : vector<16xf32>
        %sub3A_398 = arith.constant 1.000000e+00 : f32
        %sub3A_399 = vector.broadcast %sub3A_398 : f32 to vector<16xf32>
        %sub3A_400 = arith.subf %sub3A_399, %min3A_397 : vector<16xf32>
        %div3A_401 = arith.constant 1.000000e+00 : f32
        %div3A_402 = vector.broadcast %div3A_401 : f32 to vector<16xf32>
        %div3A_403 = arith.divf %div3A_402, %sub3A_400 : vector<16xf32>
        %sub3A_404 = arith.constant 1.000000e+00 : f32
        %sub3A_405 = vector.broadcast %sub3A_404 : f32 to vector<16xf32>
        %sub3A_406 = arith.subf %sub3A_405, %div3A_403 : vector<16xf32>
        %lt3A_407 = arith.constant 1.000000e+00 : f32
        %lt3A_408 = vector.broadcast %lt3A_407 : f32 to vector<16xf32>
        %lt3A_409 = arith.cmpf olt, %mul3A_394, %lt3A_408 : vector<16xf32>
        %exp3A_410 = math.exp %sub3A_406 : vector<16xf32>
        %jit3A_411 = arith.constant 0.000000e+00 : f32
        %broadcast_in_dim3A_412 = vector.broadcast %jit3A_411 : f32 to vector<16xf32>
        %select_n3A_413 = arith.select %lt3A_409, %exp3A_410, %broadcast_in_dim3A_412 : vector<16xi1>, vector<16xf32>
        %sub3A_414 = arith.constant 1.000000e+00 : f32
        %sub3A_415 = vector.broadcast %sub3A_414 : f32 to vector<16xf32>
        %sub3A_416 = arith.subf %sub3A_415, %select_n3A_413 : vector<16xf32>
        %mul3A_417 = arith.mulf %get3A_115, %gather3A_343 : vector<16xf32>
        %mul3A_418 = arith.mulf %sub3A_416, %mul3A_417 : vector<16xf32>
        %mul3A_419 = arith.mulf %mul3A_418, %mul3A_392 : vector<16xf32>
        %jit3A_420 = arith.constant 0.000000e+00 : f32
        %broadcast_in_dim3A_421 = vector.broadcast %jit3A_420 : f32 to vector<16xf32>
        %select_n3A_422 = arith.select %and3A_360, %mul3A_419, %broadcast_in_dim3A_421 : vector<16xi1>, vector<16xf32>
        %add3A_423 = arith.addf %add3A_330, %select_n3A_422 : vector<16xf32>
        %scan3A_424 = arith.constant 2 : i32
        %scan3A_425 = arith.addi %scan3A_250, %scan3A_424 : i32
        %mul3A_426 = arith.constant 64 : i32
        %mul3A_427 = vector.broadcast %mul3A_426 : i32 to vector<16xi32>
        %mul3A_428 = arith.muli %iota3A, %mul3A_427 : vector<16xi32>
        %add3A_429 = arith.constant 0 : i32
        %add3A_430 = arith.addi %add3A_429, %scan3A_425 : i32
        %add3A_431 = vector.broadcast %add3A_430 : i32 to vector<16xi32>
        %add3A_432 = arith.addi %mul3A_428, %add3A_431 : vector<16xi32>
        %gather3A_433 = tpu.vector_load_idx %arg11[%add3A_432] : memref<2048xf32, #tpu.memory_space<vmem>>[vector<16xi32>], vector<16xf32>,
        %gather3A_434 = tpu.vector_load_idx %arg12[%add3A_432] : memref<2048xf32, #tpu.memory_space<vmem>>[vector<16xi32>], vector<16xf32>,
        %gather3A_435 = tpu.vector_load_idx %arg13[%add3A_432] : memref<2048xf32, #tpu.memory_space<vmem>>[vector<16xi32>], vector<16xf32>,
        %gather3A_436 = tpu.vector_load_idx %arg14[%add3A_432] : memref<2048xf32, #tpu.memory_space<vmem>>[vector<16xi32>], vector<16xf32>,
        %gather3A_437 = tpu.vector_load_idx %arg9[%add3A_432] : memref<2048xi32, #tpu.memory_space<vmem>>[vector<16xi32>], vector<16xi32>,
        %sub3A_438 = arith.subf %get3A_109, %gather3A_433 : vector<16xf32>
        %sub3A_439 = arith.subf %get3A_111, %gather3A_434 : vector<16xf32>
        %sub3A_440 = arith.subf %get3A_113, %gather3A_435 : vector<16xf32>
        %mul3A_441 = arith.mulf %sub3A_438, %sub3A_438 : vector<16xf32>
        %mul3A_442 = arith.mulf %sub3A_439, %sub3A_439 : vector<16xf32>
        %add3A_443 = arith.addf %mul3A_441, %mul3A_442 : vector<16xf32>
        %mul3A_444 = arith.mulf %sub3A_440, %sub3A_440 : vector<16xf32>
        %add3A_445 = arith.addf %add3A_443, %mul3A_444 : vector<16xf32>
        %add3A_446 = arith.constant 9.99999996E-13 : f32
        %add3A_447 = vector.broadcast %add3A_446 : f32 to vector<16xf32>
        %add3A_448 = arith.addf %add3A_445, %add3A_447 : vector<16xf32>
        %ne3A_449 = arith.cmpi ne, %gather3A_437, %add3A_119 : vector<16xi32>
        %gt3A_450 = arith.constant 9.99999997E-7 : f32
        %gt3A_451 = vector.broadcast %gt3A_450 : f32 to vector<16xf32>
        %gt3A_452 = arith.cmpf ogt, %add3A_448, %gt3A_451 : vector<16xf32>
        %and3A_453 = arith.andi %ne3A_449, %gt3A_452 : vector<16xi1>
        %jit3A_454 = arith.constant 1.000000e+00 : f32
        %broadcast_in_dim3A_455 = vector.broadcast %jit3A_454 : f32 to vector<16xf32>
        %select_n3A_456 = arith.select %and3A_453, %add3A_448, %broadcast_in_dim3A_455 : vector<16xi1>, vector<16xf32>
        %bitcast_convert_type3A_457 = tpu.bitcast %select_n3A_456 : vector<16xf32> -> vector<16xi32>
        %broadcast_in_dim3A_458 = arith.constant 1597463007 : i32
        %broadcast_in_dim3A_459 = vector.broadcast %broadcast_in_dim3A_458 : i32 to vector<16xi32>
        %shift_right_arithmetic3A_460 = arith.constant 1 : i32
        %shift_right_arithmetic3A_461 = vector.broadcast %shift_right_arithmetic3A_460 : i32 to vector<16xi32>
        %shift_right_arithmetic3A_462 = arith.shrsi %bitcast_convert_type3A_457, %shift_right_arithmetic3A_461 : vector<16xi32>
        %sub3A_463 = arith.subi %broadcast_in_dim3A_459, %shift_right_arithmetic3A_462 : vector<16xi32>
        %bitcast_convert_type3A_464 = tpu.bitcast %sub3A_463 : vector<16xi32> -> vector<16xf32>
        %mul3A_465 = arith.constant 5.000000e-01 : f32
        %mul3A_466 = vector.broadcast %mul3A_465 : f32 to vector<16xf32>
        %mul3A_467 = arith.mulf %mul3A_466, %select_n3A_456 : vector<16xf32>
        %mul3A_468 = arith.mulf %mul3A_467, %bitcast_convert_type3A_464 : vector<16xf32>
        %mul3A_469 = arith.mulf %mul3A_468, %bitcast_convert_type3A_464 : vector<16xf32>
        %sub3A_470 = arith.constant 1.500000e+00 : f32
        %sub3A_471 = vector.broadcast %sub3A_470 : f32 to vector<16xf32>
        %sub3A_472 = arith.subf %sub3A_471, %mul3A_469 : vector<16xf32>
        %mul3A_473 = arith.mulf %bitcast_convert_type3A_464, %sub3A_472 : vector<16xf32>
        %mul3A_474 = arith.mulf %mul3A_467, %mul3A_473 : vector<16xf32>
        %mul3A_475 = arith.mulf %mul3A_474, %mul3A_473 : vector<16xf32>
        %sub3A_476 = arith.constant 1.500000e+00 : f32
        %sub3A_477 = vector.broadcast %sub3A_476 : f32 to vector<16xf32>
        %sub3A_478 = arith.subf %sub3A_477, %mul3A_475 : vector<16xf32>
        %mul3A_479 = arith.mulf %mul3A_473, %sub3A_478 : vector<16xf32>
        %mul3A_480 = arith.mulf %mul3A_467, %mul3A_479 : vector<16xf32>
        %mul3A_481 = arith.mulf %mul3A_480, %mul3A_479 : vector<16xf32>
        %sub3A_482 = arith.constant 1.500000e+00 : f32
        %sub3A_483 = vector.broadcast %sub3A_482 : f32 to vector<16xf32>
        %sub3A_484 = arith.subf %sub3A_483, %mul3A_481 : vector<16xf32>
        %mul3A_485 = arith.mulf %mul3A_479, %sub3A_484 : vector<16xf32>
        %mul3A_486 = vector.broadcast %scan3A_52 : f32 to vector<16xf32>
        %mul3A_487 = arith.mulf %select_n3A_456, %mul3A_486 : vector<16xf32>
        %min3A_488 = arith.constant 0.999998986 : f32
        %min3A_489 = vector.broadcast %min3A_488 : f32 to vector<16xf32>
        %min3A_490 = arith.minimumf %mul3A_487, %min3A_489 : vector<16xf32>
        %sub3A_491 = arith.constant 1.000000e+00 : f32
        %sub3A_492 = vector.broadcast %sub3A_491 : f32 to vector<16xf32>
        %sub3A_493 = arith.subf %sub3A_492, %min3A_490 : vector<16xf32>
        %div3A_494 = arith.constant 1.000000e+00 : f32
        %div3A_495 = vector.broadcast %div3A_494 : f32 to vector<16xf32>
        %div3A_496 = arith.divf %div3A_495, %sub3A_493 : vector<16xf32>
        %sub3A_497 = arith.constant 1.000000e+00 : f32
        %sub3A_498 = vector.broadcast %sub3A_497 : f32 to vector<16xf32>
        %sub3A_499 = arith.subf %sub3A_498, %div3A_496 : vector<16xf32>
        %lt3A_500 = arith.constant 1.000000e+00 : f32
        %lt3A_501 = vector.broadcast %lt3A_500 : f32 to vector<16xf32>
        %lt3A_502 = arith.cmpf olt, %mul3A_487, %lt3A_501 : vector<16xf32>
        %exp3A_503 = math.exp %sub3A_499 : vector<16xf32>
        %jit3A_504 = arith.constant 0.000000e+00 : f32
        %broadcast_in_dim3A_505 = vector.broadcast %jit3A_504 : f32 to vector<16xf32>
        %select_n3A_506 = arith.select %lt3A_502, %exp3A_503, %broadcast_in_dim3A_505 : vector<16xi1>, vector<16xf32>
        %sub3A_507 = arith.constant 1.000000e+00 : f32
        %sub3A_508 = vector.broadcast %sub3A_507 : f32 to vector<16xf32>
        %sub3A_509 = arith.subf %sub3A_508, %select_n3A_506 : vector<16xf32>
        %mul3A_510 = arith.mulf %get3A_115, %gather3A_436 : vector<16xf32>
        %mul3A_511 = arith.mulf %sub3A_509, %mul3A_510 : vector<16xf32>
        %mul3A_512 = arith.mulf %mul3A_511, %mul3A_485 : vector<16xf32>
        %jit3A_513 = arith.constant 0.000000e+00 : f32
        %broadcast_in_dim3A_514 = vector.broadcast %jit3A_513 : f32 to vector<16xf32>
        %select_n3A_515 = arith.select %and3A_453, %mul3A_512, %broadcast_in_dim3A_514 : vector<16xi1>, vector<16xf32>
        %add3A_516 = arith.addf %add3A_423, %select_n3A_515 : vector<16xf32>
        %scan3A_517 = arith.constant 3 : i32
        %scan3A_518 = arith.addi %scan3A_250, %scan3A_517 : i32
        %mul3A_519 = arith.constant 64 : i32
        %mul3A_520 = vector.broadcast %mul3A_519 : i32 to vector<16xi32>
        %mul3A_521 = arith.muli %iota3A, %mul3A_520 : vector<16xi32>
        %add3A_522 = arith.constant 0 : i32
        %add3A_523 = arith.addi %add3A_522, %scan3A_518 : i32
        %add3A_524 = vector.broadcast %add3A_523 : i32 to vector<16xi32>
        %add3A_525 = arith.addi %mul3A_521, %add3A_524 : vector<16xi32>
        %gather3A_526 = tpu.vector_load_idx %arg11[%add3A_525] : memref<2048xf32, #tpu.memory_space<vmem>>[vector<16xi32>], vector<16xf32>,
        %gather3A_527 = tpu.vector_load_idx %arg12[%add3A_525] : memref<2048xf32, #tpu.memory_space<vmem>>[vector<16xi32>], vector<16xf32>,
        %gather3A_528 = tpu.vector_load_idx %arg13[%add3A_525] : memref<2048xf32, #tpu.memory_space<vmem>>[vector<16xi32>], vector<16xf32>,
        %gather3A_529 = tpu.vector_load_idx %arg14[%add3A_525] : memref<2048xf32, #tpu.memory_space<vmem>>[vector<16xi32>], vector<16xf32>,
        %gather3A_530 = tpu.vector_load_idx %arg9[%add3A_525] : memref<2048xi32, #tpu.memory_space<vmem>>[vector<16xi32>], vector<16xi32>,
        %sub3A_531 = arith.subf %get3A_109, %gather3A_526 : vector<16xf32>
        %sub3A_532 = arith.subf %get3A_111, %gather3A_527 : vector<16xf32>
        %sub3A_533 = arith.subf %get3A_113, %gather3A_528 : vector<16xf32>
        %mul3A_534 = arith.mulf %sub3A_531, %sub3A_531 : vector<16xf32>
        %mul3A_535 = arith.mulf %sub3A_532, %sub3A_532 : vector<16xf32>
        %add3A_536 = arith.addf %mul3A_534, %mul3A_535 : vector<16xf32>
        %mul3A_537 = arith.mulf %sub3A_533, %sub3A_533 : vector<16xf32>
        %add3A_538 = arith.addf %add3A_536, %mul3A_537 : vector<16xf32>
        %add3A_539 = arith.constant 9.99999996E-13 : f32
        %add3A_540 = vector.broadcast %add3A_539 : f32 to vector<16xf32>
        %add3A_541 = arith.addf %add3A_538, %add3A_540 : vector<16xf32>
        %ne3A_542 = arith.cmpi ne, %gather3A_530, %add3A_119 : vector<16xi32>
        %gt3A_543 = arith.constant 9.99999997E-7 : f32
        %gt3A_544 = vector.broadcast %gt3A_543 : f32 to vector<16xf32>
        %gt3A_545 = arith.cmpf ogt, %add3A_541, %gt3A_544 : vector<16xf32>
        %and3A_546 = arith.andi %ne3A_542, %gt3A_545 : vector<16xi1>
        %jit3A_547 = arith.constant 1.000000e+00 : f32
        %broadcast_in_dim3A_548 = vector.broadcast %jit3A_547 : f32 to vector<16xf32>
        %select_n3A_549 = arith.select %and3A_546, %add3A_541, %broadcast_in_dim3A_548 : vector<16xi1>, vector<16xf32>
        %bitcast_convert_type3A_550 = tpu.bitcast %select_n3A_549 : vector<16xf32> -> vector<16xi32>
        %broadcast_in_dim3A_551 = arith.constant 1597463007 : i32
        %broadcast_in_dim3A_552 = vector.broadcast %broadcast_in_dim3A_551 : i32 to vector<16xi32>
        %shift_right_arithmetic3A_553 = arith.constant 1 : i32
        %shift_right_arithmetic3A_554 = vector.broadcast %shift_right_arithmetic3A_553 : i32 to vector<16xi32>
        %shift_right_arithmetic3A_555 = arith.shrsi %bitcast_convert_type3A_550, %shift_right_arithmetic3A_554 : vector<16xi32>
        %sub3A_556 = arith.subi %broadcast_in_dim3A_552, %shift_right_arithmetic3A_555 : vector<16xi32>
        %bitcast_convert_type3A_557 = tpu.bitcast %sub3A_556 : vector<16xi32> -> vector<16xf32>
        %mul3A_558 = arith.constant 5.000000e-01 : f32
        %mul3A_559 = vector.broadcast %mul3A_558 : f32 to vector<16xf32>
        %mul3A_560 = arith.mulf %mul3A_559, %select_n3A_549 : vector<16xf32>
        %mul3A_561 = arith.mulf %mul3A_560, %bitcast_convert_type3A_557 : vector<16xf32>
        %mul3A_562 = arith.mulf %mul3A_561, %bitcast_convert_type3A_557 : vector<16xf32>
        %sub3A_563 = arith.constant 1.500000e+00 : f32
        %sub3A_564 = vector.broadcast %sub3A_563 : f32 to vector<16xf32>
        %sub3A_565 = arith.subf %sub3A_564, %mul3A_562 : vector<16xf32>
        %mul3A_566 = arith.mulf %bitcast_convert_type3A_557, %sub3A_565 : vector<16xf32>
        %mul3A_567 = arith.mulf %mul3A_560, %mul3A_566 : vector<16xf32>
        %mul3A_568 = arith.mulf %mul3A_567, %mul3A_566 : vector<16xf32>
        %sub3A_569 = arith.constant 1.500000e+00 : f32
        %sub3A_570 = vector.broadcast %sub3A_569 : f32 to vector<16xf32>
        %sub3A_571 = arith.subf %sub3A_570, %mul3A_568 : vector<16xf32>
        %mul3A_572 = arith.mulf %mul3A_566, %sub3A_571 : vector<16xf32>
        %mul3A_573 = arith.mulf %mul3A_560, %mul3A_572 : vector<16xf32>
        %mul3A_574 = arith.mulf %mul3A_573, %mul3A_572 : vector<16xf32>
        %sub3A_575 = arith.constant 1.500000e+00 : f32
        %sub3A_576 = vector.broadcast %sub3A_575 : f32 to vector<16xf32>
        %sub3A_577 = arith.subf %sub3A_576, %mul3A_574 : vector<16xf32>
        %mul3A_578 = arith.mulf %mul3A_572, %sub3A_577 : vector<16xf32>
        %mul3A_579 = vector.broadcast %scan3A_52 : f32 to vector<16xf32>
        %mul3A_580 = arith.mulf %select_n3A_549, %mul3A_579 : vector<16xf32>
        %min3A_581 = arith.constant 0.999998986 : f32
        %min3A_582 = vector.broadcast %min3A_581 : f32 to vector<16xf32>
        %min3A_583 = arith.minimumf %mul3A_580, %min3A_582 : vector<16xf32>
        %sub3A_584 = arith.constant 1.000000e+00 : f32
        %sub3A_585 = vector.broadcast %sub3A_584 : f32 to vector<16xf32>
        %sub3A_586 = arith.subf %sub3A_585, %min3A_583 : vector<16xf32>
        %div3A_587 = arith.constant 1.000000e+00 : f32
        %div3A_588 = vector.broadcast %div3A_587 : f32 to vector<16xf32>
        %div3A_589 = arith.divf %div3A_588, %sub3A_586 : vector<16xf32>
        %sub3A_590 = arith.constant 1.000000e+00 : f32
        %sub3A_591 = vector.broadcast %sub3A_590 : f32 to vector<16xf32>
        %sub3A_592 = arith.subf %sub3A_591, %div3A_589 : vector<16xf32>
        %lt3A_593 = arith.constant 1.000000e+00 : f32
        %lt3A_594 = vector.broadcast %lt3A_593 : f32 to vector<16xf32>
        %lt3A_595 = arith.cmpf olt, %mul3A_580, %lt3A_594 : vector<16xf32>
        %exp3A_596 = math.exp %sub3A_592 : vector<16xf32>
        %jit3A_597 = arith.constant 0.000000e+00 : f32
        %broadcast_in_dim3A_598 = vector.broadcast %jit3A_597 : f32 to vector<16xf32>
        %select_n3A_599 = arith.select %lt3A_595, %exp3A_596, %broadcast_in_dim3A_598 : vector<16xi1>, vector<16xf32>
        %sub3A_600 = arith.constant 1.000000e+00 : f32
        %sub3A_601 = vector.broadcast %sub3A_600 : f32 to vector<16xf32>
        %sub3A_602 = arith.subf %sub3A_601, %select_n3A_599 : vector<16xf32>
        %mul3A_603 = arith.mulf %get3A_115, %gather3A_529 : vector<16xf32>
        %mul3A_604 = arith.mulf %sub3A_602, %mul3A_603 : vector<16xf32>
        %mul3A_605 = arith.mulf %mul3A_604, %mul3A_578 : vector<16xf32>
        %jit3A_606 = arith.constant 0.000000e+00 : f32
        %broadcast_in_dim3A_607 = vector.broadcast %jit3A_606 : f32 to vector<16xf32>
        %select_n3A_608 = arith.select %and3A_546, %mul3A_605, %broadcast_in_dim3A_607 : vector<16xi1>, vector<16xf32>
        %add3A_609 = arith.addf %add3A_516, %select_n3A_608 : vector<16xf32>
        scf.yield %add3A_609 : vector<16xf32>
      }
      %scan3A_125 = arith.constant 64 : i32
      %get3A_126 = arith.index_cast %add3A_108 : i32 to index
      %get3A_127 = tpu.vector_load %arg23[%get3A_126] {strides = array<i32>} : memref<3136xi32, #tpu.memory_space<vmem>>, vector<16xi32>,
      %mul3A_128 = arith.constant 256 : i32
      %mul3A_129 = vector.broadcast %mul3A_128 : i32 to vector<16xi32>
      %mul3A_130 = arith.muli %iota3A, %mul3A_129 : vector<16xi32>
      %add3A_131 = arith.addi %mul3A_130, %get3A_127 : vector<16xi32>
      tpu.vector_store_idx %arg24[%add3A_131], %scan3A_124 {add = true} : memref<4096xf32, #tpu.memory_space<vmem>>[vector<16xi32>], vector<16xf32>,
      %mul3A_132 = arith.constant 32 : i32
      %mul3A_133 = arith.muli %mul3A_71, %mul3A_132 : i32
      %add3A_134 = arith.constant 16 : i32
      %add3A_135 = arith.addi %mul3A_133, %add3A_134 : i32
      %get3A_136 = arith.index_cast %add3A_135 : i32 to index
      %get3A_137 = tpu.vector_load %arg19[%get3A_136] {strides = array<i32>} : memref<3136xf32, #tpu.memory_space<vmem>>, vector<16xf32>,
      %get3A_138 = arith.index_cast %add3A_135 : i32 to index
      %get3A_139 = tpu.vector_load %arg20[%get3A_138] {strides = array<i32>} : memref<3136xf32, #tpu.memory_space<vmem>>, vector<16xf32>,
      %get3A_140 = arith.index_cast %add3A_135 : i32 to index
      %get3A_141 = tpu.vector_load %arg21[%get3A_140] {strides = array<i32>} : memref<3136xf32, #tpu.memory_space<vmem>>, vector<16xf32>,
      %get3A_142 = arith.index_cast %add3A_135 : i32 to index
      %get3A_143 = tpu.vector_load %arg22[%get3A_142] {strides = array<i32>} : memref<3136xf32, #tpu.memory_space<vmem>>, vector<16xf32>,
      %add3A_144 = arith.constant 16 : i32
      %add3A_145 = arith.addi %add3A_104, %add3A_144 : i32
      %add3A_146 = vector.broadcast %add3A_145 : i32 to vector<16xi32>
      %add3A_147 = arith.addi %iota3A, %add3A_146 : vector<16xi32>
      %scan3A_148 = arith.constant 0 : i32
      %scan3A_149 = arith.constant 64 : i32
      %scan3A_150 = arith.addi %scan3A_148, %scan3A_149 : i32
      %scan3A_151 = arith.constant 4 : i32
      %scan3A_152 = scf.for %scan3A_250 = %scan3A_148 to %scan3A_150 step %scan3A_151 iter_args(%scan3A_251 = %broadcast_in_dim3A_3) -> (vector<16xf32>)  : i32 {
        %mul3A_252 = arith.constant 64 : i32
        %mul3A_253 = vector.broadcast %mul3A_252 : i32 to vector<16xi32>
        %mul3A_254 = arith.muli %iota3A, %mul3A_253 : vector<16xi32>
        %add3A_255 = arith.constant 1024 : i32
        %add3A_256 = arith.addi %add3A_255, %scan3A_250 : i32
        %add3A_257 = vector.broadcast %add3A_256 : i32 to vector<16xi32>
        %add3A_258 = arith.addi %mul3A_254, %add3A_257 : vector<16xi32>
        %gather3A = tpu.vector_load_idx %arg11[%add3A_258] : memref<2048xf32, #tpu.memory_space<vmem>>[vector<16xi32>], vector<16xf32>,
        %gather3A_259 = tpu.vector_load_idx %arg12[%add3A_258] : memref<2048xf32, #tpu.memory_space<vmem>>[vector<16xi32>], vector<16xf32>,
        %gather3A_260 = tpu.vector_load_idx %arg13[%add3A_258] : memref<2048xf32, #tpu.memory_space<vmem>>[vector<16xi32>], vector<16xf32>,
        %gather3A_261 = tpu.vector_load_idx %arg14[%add3A_258] : memref<2048xf32, #tpu.memory_space<vmem>>[vector<16xi32>], vector<16xf32>,
        %gather3A_262 = tpu.vector_load_idx %arg9[%add3A_258] : memref<2048xi32, #tpu.memory_space<vmem>>[vector<16xi32>], vector<16xi32>,
        %sub3A = arith.subf %get3A_137, %gather3A : vector<16xf32>
        %sub3A_263 = arith.subf %get3A_139, %gather3A_259 : vector<16xf32>
        %sub3A_264 = arith.subf %get3A_141, %gather3A_260 : vector<16xf32>
        %mul3A_265 = arith.mulf %sub3A, %sub3A : vector<16xf32>
        %mul3A_266 = arith.mulf %sub3A_263, %sub3A_263 : vector<16xf32>
        %add3A_267 = arith.addf %mul3A_265, %mul3A_266 : vector<16xf32>
        %mul3A_268 = arith.mulf %sub3A_264, %sub3A_264 : vector<16xf32>
        %add3A_269 = arith.addf %add3A_267, %mul3A_268 : vector<16xf32>
        %add3A_270 = arith.constant 9.99999996E-13 : f32
        %add3A_271 = vector.broadcast %add3A_270 : f32 to vector<16xf32>
        %add3A_272 = arith.addf %add3A_269, %add3A_271 : vector<16xf32>
        %ne3A = arith.cmpi ne, %gather3A_262, %add3A_147 : vector<16xi32>
        %gt3A = arith.constant 9.99999997E-7 : f32
        %gt3A_273 = vector.broadcast %gt3A : f32 to vector<16xf32>
        %gt3A_274 = arith.cmpf ogt, %add3A_272, %gt3A_273 : vector<16xf32>
        %and3A = arith.andi %ne3A, %gt3A_274 : vector<16xi1>
        %jit3A = arith.constant 1.000000e+00 : f32
        %broadcast_in_dim3A_275 = vector.broadcast %jit3A : f32 to vector<16xf32>
        %select_n3A = arith.select %and3A, %add3A_272, %broadcast_in_dim3A_275 : vector<16xi1>, vector<16xf32>
        %bitcast_convert_type3A = tpu.bitcast %select_n3A : vector<16xf32> -> vector<16xi32>
        %broadcast_in_dim3A_276 = arith.constant 1597463007 : i32
        %broadcast_in_dim3A_277 = vector.broadcast %broadcast_in_dim3A_276 : i32 to vector<16xi32>
        %shift_right_arithmetic3A = arith.constant 1 : i32
        %shift_right_arithmetic3A_278 = vector.broadcast %shift_right_arithmetic3A : i32 to vector<16xi32>
        %shift_right_arithmetic3A_279 = arith.shrsi %bitcast_convert_type3A, %shift_right_arithmetic3A_278 : vector<16xi32>
        %sub3A_280 = arith.subi %broadcast_in_dim3A_277, %shift_right_arithmetic3A_279 : vector<16xi32>
        %bitcast_convert_type3A_281 = tpu.bitcast %sub3A_280 : vector<16xi32> -> vector<16xf32>
        %mul3A_282 = arith.constant 5.000000e-01 : f32
        %mul3A_283 = vector.broadcast %mul3A_282 : f32 to vector<16xf32>
        %mul3A_284 = arith.mulf %mul3A_283, %select_n3A : vector<16xf32>
        %mul3A_285 = arith.mulf %mul3A_284, %bitcast_convert_type3A_281 : vector<16xf32>
        %mul3A_286 = arith.mulf %mul3A_285, %bitcast_convert_type3A_281 : vector<16xf32>
        %sub3A_287 = arith.constant 1.500000e+00 : f32
        %sub3A_288 = vector.broadcast %sub3A_287 : f32 to vector<16xf32>
        %sub3A_289 = arith.subf %sub3A_288, %mul3A_286 : vector<16xf32>
        %mul3A_290 = arith.mulf %bitcast_convert_type3A_281, %sub3A_289 : vector<16xf32>
        %mul3A_291 = arith.mulf %mul3A_284, %mul3A_290 : vector<16xf32>
        %mul3A_292 = arith.mulf %mul3A_291, %mul3A_290 : vector<16xf32>
        %sub3A_293 = arith.constant 1.500000e+00 : f32
        %sub3A_294 = vector.broadcast %sub3A_293 : f32 to vector<16xf32>
        %sub3A_295 = arith.subf %sub3A_294, %mul3A_292 : vector<16xf32>
        %mul3A_296 = arith.mulf %mul3A_290, %sub3A_295 : vector<16xf32>
        %mul3A_297 = arith.mulf %mul3A_284, %mul3A_296 : vector<16xf32>
        %mul3A_298 = arith.mulf %mul3A_297, %mul3A_296 : vector<16xf32>
        %sub3A_299 = arith.constant 1.500000e+00 : f32
        %sub3A_300 = vector.broadcast %sub3A_299 : f32 to vector<16xf32>
        %sub3A_301 = arith.subf %sub3A_300, %mul3A_298 : vector<16xf32>
        %mul3A_302 = arith.mulf %mul3A_296, %sub3A_301 : vector<16xf32>
        %mul3A_303 = vector.broadcast %scan3A_52 : f32 to vector<16xf32>
        %mul3A_304 = arith.mulf %select_n3A, %mul3A_303 : vector<16xf32>
        %min3A = arith.constant 0.999998986 : f32
        %min3A_305 = vector.broadcast %min3A : f32 to vector<16xf32>
        %min3A_306 = arith.minimumf %mul3A_304, %min3A_305 : vector<16xf32>
        %sub3A_307 = arith.constant 1.000000e+00 : f32
        %sub3A_308 = vector.broadcast %sub3A_307 : f32 to vector<16xf32>
        %sub3A_309 = arith.subf %sub3A_308, %min3A_306 : vector<16xf32>
        %div3A = arith.constant 1.000000e+00 : f32
        %div3A_310 = vector.broadcast %div3A : f32 to vector<16xf32>
        %div3A_311 = arith.divf %div3A_310, %sub3A_309 : vector<16xf32>
        %sub3A_312 = arith.constant 1.000000e+00 : f32
        %sub3A_313 = vector.broadcast %sub3A_312 : f32 to vector<16xf32>
        %sub3A_314 = arith.subf %sub3A_313, %div3A_311 : vector<16xf32>
        %lt3A_315 = arith.constant 1.000000e+00 : f32
        %lt3A_316 = vector.broadcast %lt3A_315 : f32 to vector<16xf32>
        %lt3A_317 = arith.cmpf olt, %mul3A_304, %lt3A_316 : vector<16xf32>
        %exp3A = math.exp %sub3A_314 : vector<16xf32>
        %jit3A_318 = arith.constant 0.000000e+00 : f32
        %broadcast_in_dim3A_319 = vector.broadcast %jit3A_318 : f32 to vector<16xf32>
        %select_n3A_320 = arith.select %lt3A_317, %exp3A, %broadcast_in_dim3A_319 : vector<16xi1>, vector<16xf32>
        %sub3A_321 = arith.constant 1.000000e+00 : f32
        %sub3A_322 = vector.broadcast %sub3A_321 : f32 to vector<16xf32>
        %sub3A_323 = arith.subf %sub3A_322, %select_n3A_320 : vector<16xf32>
        %mul3A_324 = arith.mulf %get3A_143, %gather3A_261 : vector<16xf32>
        %mul3A_325 = arith.mulf %sub3A_323, %mul3A_324 : vector<16xf32>
        %mul3A_326 = arith.mulf %mul3A_325, %mul3A_302 : vector<16xf32>
        %jit3A_327 = arith.constant 0.000000e+00 : f32
        %broadcast_in_dim3A_328 = vector.broadcast %jit3A_327 : f32 to vector<16xf32>
        %select_n3A_329 = arith.select %and3A, %mul3A_326, %broadcast_in_dim3A_328 : vector<16xi1>, vector<16xf32>
        %add3A_330 = arith.addf %scan3A_251, %select_n3A_329 : vector<16xf32>
        %scan3A_331 = arith.constant 1 : i32
        %scan3A_332 = arith.addi %scan3A_250, %scan3A_331 : i32
        %mul3A_333 = arith.constant 64 : i32
        %mul3A_334 = vector.broadcast %mul3A_333 : i32 to vector<16xi32>
        %mul3A_335 = arith.muli %iota3A, %mul3A_334 : vector<16xi32>
        %add3A_336 = arith.constant 1024 : i32
        %add3A_337 = arith.addi %add3A_336, %scan3A_332 : i32
        %add3A_338 = vector.broadcast %add3A_337 : i32 to vector<16xi32>
        %add3A_339 = arith.addi %mul3A_335, %add3A_338 : vector<16xi32>
        %gather3A_340 = tpu.vector_load_idx %arg11[%add3A_339] : memref<2048xf32, #tpu.memory_space<vmem>>[vector<16xi32>], vector<16xf32>,
        %gather3A_341 = tpu.vector_load_idx %arg12[%add3A_339] : memref<2048xf32, #tpu.memory_space<vmem>>[vector<16xi32>], vector<16xf32>,
        %gather3A_342 = tpu.vector_load_idx %arg13[%add3A_339] : memref<2048xf32, #tpu.memory_space<vmem>>[vector<16xi32>], vector<16xf32>,
        %gather3A_343 = tpu.vector_load_idx %arg14[%add3A_339] : memref<2048xf32, #tpu.memory_space<vmem>>[vector<16xi32>], vector<16xf32>,
        %gather3A_344 = tpu.vector_load_idx %arg9[%add3A_339] : memref<2048xi32, #tpu.memory_space<vmem>>[vector<16xi32>], vector<16xi32>,
        %sub3A_345 = arith.subf %get3A_137, %gather3A_340 : vector<16xf32>
        %sub3A_346 = arith.subf %get3A_139, %gather3A_341 : vector<16xf32>
        %sub3A_347 = arith.subf %get3A_141, %gather3A_342 : vector<16xf32>
        %mul3A_348 = arith.mulf %sub3A_345, %sub3A_345 : vector<16xf32>
        %mul3A_349 = arith.mulf %sub3A_346, %sub3A_346 : vector<16xf32>
        %add3A_350 = arith.addf %mul3A_348, %mul3A_349 : vector<16xf32>
        %mul3A_351 = arith.mulf %sub3A_347, %sub3A_347 : vector<16xf32>
        %add3A_352 = arith.addf %add3A_350, %mul3A_351 : vector<16xf32>
        %add3A_353 = arith.constant 9.99999996E-13 : f32
        %add3A_354 = vector.broadcast %add3A_353 : f32 to vector<16xf32>
        %add3A_355 = arith.addf %add3A_352, %add3A_354 : vector<16xf32>
        %ne3A_356 = arith.cmpi ne, %gather3A_344, %add3A_147 : vector<16xi32>
        %gt3A_357 = arith.constant 9.99999997E-7 : f32
        %gt3A_358 = vector.broadcast %gt3A_357 : f32 to vector<16xf32>
        %gt3A_359 = arith.cmpf ogt, %add3A_355, %gt3A_358 : vector<16xf32>
        %and3A_360 = arith.andi %ne3A_356, %gt3A_359 : vector<16xi1>
        %jit3A_361 = arith.constant 1.000000e+00 : f32
        %broadcast_in_dim3A_362 = vector.broadcast %jit3A_361 : f32 to vector<16xf32>
        %select_n3A_363 = arith.select %and3A_360, %add3A_355, %broadcast_in_dim3A_362 : vector<16xi1>, vector<16xf32>
        %bitcast_convert_type3A_364 = tpu.bitcast %select_n3A_363 : vector<16xf32> -> vector<16xi32>
        %broadcast_in_dim3A_365 = arith.constant 1597463007 : i32
        %broadcast_in_dim3A_366 = vector.broadcast %broadcast_in_dim3A_365 : i32 to vector<16xi32>
        %shift_right_arithmetic3A_367 = arith.constant 1 : i32
        %shift_right_arithmetic3A_368 = vector.broadcast %shift_right_arithmetic3A_367 : i32 to vector<16xi32>
        %shift_right_arithmetic3A_369 = arith.shrsi %bitcast_convert_type3A_364, %shift_right_arithmetic3A_368 : vector<16xi32>
        %sub3A_370 = arith.subi %broadcast_in_dim3A_366, %shift_right_arithmetic3A_369 : vector<16xi32>
        %bitcast_convert_type3A_371 = tpu.bitcast %sub3A_370 : vector<16xi32> -> vector<16xf32>
        %mul3A_372 = arith.constant 5.000000e-01 : f32
        %mul3A_373 = vector.broadcast %mul3A_372 : f32 to vector<16xf32>
        %mul3A_374 = arith.mulf %mul3A_373, %select_n3A_363 : vector<16xf32>
        %mul3A_375 = arith.mulf %mul3A_374, %bitcast_convert_type3A_371 : vector<16xf32>
        %mul3A_376 = arith.mulf %mul3A_375, %bitcast_convert_type3A_371 : vector<16xf32>
        %sub3A_377 = arith.constant 1.500000e+00 : f32
        %sub3A_378 = vector.broadcast %sub3A_377 : f32 to vector<16xf32>
        %sub3A_379 = arith.subf %sub3A_378, %mul3A_376 : vector<16xf32>
        %mul3A_380 = arith.mulf %bitcast_convert_type3A_371, %sub3A_379 : vector<16xf32>
        %mul3A_381 = arith.mulf %mul3A_374, %mul3A_380 : vector<16xf32>
        %mul3A_382 = arith.mulf %mul3A_381, %mul3A_380 : vector<16xf32>
        %sub3A_383 = arith.constant 1.500000e+00 : f32
        %sub3A_384 = vector.broadcast %sub3A_383 : f32 to vector<16xf32>
        %sub3A_385 = arith.subf %sub3A_384, %mul3A_382 : vector<16xf32>
        %mul3A_386 = arith.mulf %mul3A_380, %sub3A_385 : vector<16xf32>
        %mul3A_387 = arith.mulf %mul3A_374, %mul3A_386 : vector<16xf32>
        %mul3A_388 = arith.mulf %mul3A_387, %mul3A_386 : vector<16xf32>
        %sub3A_389 = arith.constant 1.500000e+00 : f32
        %sub3A_390 = vector.broadcast %sub3A_389 : f32 to vector<16xf32>
        %sub3A_391 = arith.subf %sub3A_390, %mul3A_388 : vector<16xf32>
        %mul3A_392 = arith.mulf %mul3A_386, %sub3A_391 : vector<16xf32>
        %mul3A_393 = vector.broadcast %scan3A_52 : f32 to vector<16xf32>
        %mul3A_394 = arith.mulf %select_n3A_363, %mul3A_393 : vector<16xf32>
        %min3A_395 = arith.constant 0.999998986 : f32
        %min3A_396 = vector.broadcast %min3A_395 : f32 to vector<16xf32>
        %min3A_397 = arith.minimumf %mul3A_394, %min3A_396 : vector<16xf32>
        %sub3A_398 = arith.constant 1.000000e+00 : f32
        %sub3A_399 = vector.broadcast %sub3A_398 : f32 to vector<16xf32>
        %sub3A_400 = arith.subf %sub3A_399, %min3A_397 : vector<16xf32>
        %div3A_401 = arith.constant 1.000000e+00 : f32
        %div3A_402 = vector.broadcast %div3A_401 : f32 to vector<16xf32>
        %div3A_403 = arith.divf %div3A_402, %sub3A_400 : vector<16xf32>
        %sub3A_404 = arith.constant 1.000000e+00 : f32
        %sub3A_405 = vector.broadcast %sub3A_404 : f32 to vector<16xf32>
        %sub3A_406 = arith.subf %sub3A_405, %div3A_403 : vector<16xf32>
        %lt3A_407 = arith.constant 1.000000e+00 : f32
        %lt3A_408 = vector.broadcast %lt3A_407 : f32 to vector<16xf32>
        %lt3A_409 = arith.cmpf olt, %mul3A_394, %lt3A_408 : vector<16xf32>
        %exp3A_410 = math.exp %sub3A_406 : vector<16xf32>
        %jit3A_411 = arith.constant 0.000000e+00 : f32
        %broadcast_in_dim3A_412 = vector.broadcast %jit3A_411 : f32 to vector<16xf32>
        %select_n3A_413 = arith.select %lt3A_409, %exp3A_410, %broadcast_in_dim3A_412 : vector<16xi1>, vector<16xf32>
        %sub3A_414 = arith.constant 1.000000e+00 : f32
        %sub3A_415 = vector.broadcast %sub3A_414 : f32 to vector<16xf32>
        %sub3A_416 = arith.subf %sub3A_415, %select_n3A_413 : vector<16xf32>
        %mul3A_417 = arith.mulf %get3A_143, %gather3A_343 : vector<16xf32>
        %mul3A_418 = arith.mulf %sub3A_416, %mul3A_417 : vector<16xf32>
        %mul3A_419 = arith.mulf %mul3A_418, %mul3A_392 : vector<16xf32>
        %jit3A_420 = arith.constant 0.000000e+00 : f32
        %broadcast_in_dim3A_421 = vector.broadcast %jit3A_420 : f32 to vector<16xf32>
        %select_n3A_422 = arith.select %and3A_360, %mul3A_419, %broadcast_in_dim3A_421 : vector<16xi1>, vector<16xf32>
        %add3A_423 = arith.addf %add3A_330, %select_n3A_422 : vector<16xf32>
        %scan3A_424 = arith.constant 2 : i32
        %scan3A_425 = arith.addi %scan3A_250, %scan3A_424 : i32
        %mul3A_426 = arith.constant 64 : i32
        %mul3A_427 = vector.broadcast %mul3A_426 : i32 to vector<16xi32>
        %mul3A_428 = arith.muli %iota3A, %mul3A_427 : vector<16xi32>
        %add3A_429 = arith.constant 1024 : i32
        %add3A_430 = arith.addi %add3A_429, %scan3A_425 : i32
        %add3A_431 = vector.broadcast %add3A_430 : i32 to vector<16xi32>
        %add3A_432 = arith.addi %mul3A_428, %add3A_431 : vector<16xi32>
        %gather3A_433 = tpu.vector_load_idx %arg11[%add3A_432] : memref<2048xf32, #tpu.memory_space<vmem>>[vector<16xi32>], vector<16xf32>,
        %gather3A_434 = tpu.vector_load_idx %arg12[%add3A_432] : memref<2048xf32, #tpu.memory_space<vmem>>[vector<16xi32>], vector<16xf32>,
        %gather3A_435 = tpu.vector_load_idx %arg13[%add3A_432] : memref<2048xf32, #tpu.memory_space<vmem>>[vector<16xi32>], vector<16xf32>,
        %gather3A_436 = tpu.vector_load_idx %arg14[%add3A_432] : memref<2048xf32, #tpu.memory_space<vmem>>[vector<16xi32>], vector<16xf32>,
        %gather3A_437 = tpu.vector_load_idx %arg9[%add3A_432] : memref<2048xi32, #tpu.memory_space<vmem>>[vector<16xi32>], vector<16xi32>,
        %sub3A_438 = arith.subf %get3A_137, %gather3A_433 : vector<16xf32>
        %sub3A_439 = arith.subf %get3A_139, %gather3A_434 : vector<16xf32>
        %sub3A_440 = arith.subf %get3A_141, %gather3A_435 : vector<16xf32>
        %mul3A_441 = arith.mulf %sub3A_438, %sub3A_438 : vector<16xf32>
        %mul3A_442 = arith.mulf %sub3A_439, %sub3A_439 : vector<16xf32>
        %add3A_443 = arith.addf %mul3A_441, %mul3A_442 : vector<16xf32>
        %mul3A_444 = arith.mulf %sub3A_440, %sub3A_440 : vector<16xf32>
        %add3A_445 = arith.addf %add3A_443, %mul3A_444 : vector<16xf32>
        %add3A_446 = arith.constant 9.99999996E-13 : f32
        %add3A_447 = vector.broadcast %add3A_446 : f32 to vector<16xf32>
        %add3A_448 = arith.addf %add3A_445, %add3A_447 : vector<16xf32>
        %ne3A_449 = arith.cmpi ne, %gather3A_437, %add3A_147 : vector<16xi32>
        %gt3A_450 = arith.constant 9.99999997E-7 : f32
        %gt3A_451 = vector.broadcast %gt3A_450 : f32 to vector<16xf32>
        %gt3A_452 = arith.cmpf ogt, %add3A_448, %gt3A_451 : vector<16xf32>
        %and3A_453 = arith.andi %ne3A_449, %gt3A_452 : vector<16xi1>
        %jit3A_454 = arith.constant 1.000000e+00 : f32
        %broadcast_in_dim3A_455 = vector.broadcast %jit3A_454 : f32 to vector<16xf32>
        %select_n3A_456 = arith.select %and3A_453, %add3A_448, %broadcast_in_dim3A_455 : vector<16xi1>, vector<16xf32>
        %bitcast_convert_type3A_457 = tpu.bitcast %select_n3A_456 : vector<16xf32> -> vector<16xi32>
        %broadcast_in_dim3A_458 = arith.constant 1597463007 : i32
        %broadcast_in_dim3A_459 = vector.broadcast %broadcast_in_dim3A_458 : i32 to vector<16xi32>
        %shift_right_arithmetic3A_460 = arith.constant 1 : i32
        %shift_right_arithmetic3A_461 = vector.broadcast %shift_right_arithmetic3A_460 : i32 to vector<16xi32>
        %shift_right_arithmetic3A_462 = arith.shrsi %bitcast_convert_type3A_457, %shift_right_arithmetic3A_461 : vector<16xi32>
        %sub3A_463 = arith.subi %broadcast_in_dim3A_459, %shift_right_arithmetic3A_462 : vector<16xi32>
        %bitcast_convert_type3A_464 = tpu.bitcast %sub3A_463 : vector<16xi32> -> vector<16xf32>
        %mul3A_465 = arith.constant 5.000000e-01 : f32
        %mul3A_466 = vector.broadcast %mul3A_465 : f32 to vector<16xf32>
        %mul3A_467 = arith.mulf %mul3A_466, %select_n3A_456 : vector<16xf32>
        %mul3A_468 = arith.mulf %mul3A_467, %bitcast_convert_type3A_464 : vector<16xf32>
        %mul3A_469 = arith.mulf %mul3A_468, %bitcast_convert_type3A_464 : vector<16xf32>
        %sub3A_470 = arith.constant 1.500000e+00 : f32
        %sub3A_471 = vector.broadcast %sub3A_470 : f32 to vector<16xf32>
        %sub3A_472 = arith.subf %sub3A_471, %mul3A_469 : vector<16xf32>
        %mul3A_473 = arith.mulf %bitcast_convert_type3A_464, %sub3A_472 : vector<16xf32>
        %mul3A_474 = arith.mulf %mul3A_467, %mul3A_473 : vector<16xf32>
        %mul3A_475 = arith.mulf %mul3A_474, %mul3A_473 : vector<16xf32>
        %sub3A_476 = arith.constant 1.500000e+00 : f32
        %sub3A_477 = vector.broadcast %sub3A_476 : f32 to vector<16xf32>
        %sub3A_478 = arith.subf %sub3A_477, %mul3A_475 : vector<16xf32>
        %mul3A_479 = arith.mulf %mul3A_473, %sub3A_478 : vector<16xf32>
        %mul3A_480 = arith.mulf %mul3A_467, %mul3A_479 : vector<16xf32>
        %mul3A_481 = arith.mulf %mul3A_480, %mul3A_479 : vector<16xf32>
        %sub3A_482 = arith.constant 1.500000e+00 : f32
        %sub3A_483 = vector.broadcast %sub3A_482 : f32 to vector<16xf32>
        %sub3A_484 = arith.subf %sub3A_483, %mul3A_481 : vector<16xf32>
        %mul3A_485 = arith.mulf %mul3A_479, %sub3A_484 : vector<16xf32>
        %mul3A_486 = vector.broadcast %scan3A_52 : f32 to vector<16xf32>
        %mul3A_487 = arith.mulf %select_n3A_456, %mul3A_486 : vector<16xf32>
        %min3A_488 = arith.constant 0.999998986 : f32
        %min3A_489 = vector.broadcast %min3A_488 : f32 to vector<16xf32>
        %min3A_490 = arith.minimumf %mul3A_487, %min3A_489 : vector<16xf32>
        %sub3A_491 = arith.constant 1.000000e+00 : f32
        %sub3A_492 = vector.broadcast %sub3A_491 : f32 to vector<16xf32>
        %sub3A_493 = arith.subf %sub3A_492, %min3A_490 : vector<16xf32>
        %div3A_494 = arith.constant 1.000000e+00 : f32
        %div3A_495 = vector.broadcast %div3A_494 : f32 to vector<16xf32>
        %div3A_496 = arith.divf %div3A_495, %sub3A_493 : vector<16xf32>
        %sub3A_497 = arith.constant 1.000000e+00 : f32
        %sub3A_498 = vector.broadcast %sub3A_497 : f32 to vector<16xf32>
        %sub3A_499 = arith.subf %sub3A_498, %div3A_496 : vector<16xf32>
        %lt3A_500 = arith.constant 1.000000e+00 : f32
        %lt3A_501 = vector.broadcast %lt3A_500 : f32 to vector<16xf32>
        %lt3A_502 = arith.cmpf olt, %mul3A_487, %lt3A_501 : vector<16xf32>
        %exp3A_503 = math.exp %sub3A_499 : vector<16xf32>
        %jit3A_504 = arith.constant 0.000000e+00 : f32
        %broadcast_in_dim3A_505 = vector.broadcast %jit3A_504 : f32 to vector<16xf32>
        %select_n3A_506 = arith.select %lt3A_502, %exp3A_503, %broadcast_in_dim3A_505 : vector<16xi1>, vector<16xf32>
        %sub3A_507 = arith.constant 1.000000e+00 : f32
        %sub3A_508 = vector.broadcast %sub3A_507 : f32 to vector<16xf32>
        %sub3A_509 = arith.subf %sub3A_508, %select_n3A_506 : vector<16xf32>
        %mul3A_510 = arith.mulf %get3A_143, %gather3A_436 : vector<16xf32>
        %mul3A_511 = arith.mulf %sub3A_509, %mul3A_510 : vector<16xf32>
        %mul3A_512 = arith.mulf %mul3A_511, %mul3A_485 : vector<16xf32>
        %jit3A_513 = arith.constant 0.000000e+00 : f32
        %broadcast_in_dim3A_514 = vector.broadcast %jit3A_513 : f32 to vector<16xf32>
        %select_n3A_515 = arith.select %and3A_453, %mul3A_512, %broadcast_in_dim3A_514 : vector<16xi1>, vector<16xf32>
        %add3A_516 = arith.addf %add3A_423, %select_n3A_515 : vector<16xf32>
        %scan3A_517 = arith.constant 3 : i32
        %scan3A_518 = arith.addi %scan3A_250, %scan3A_517 : i32
        %mul3A_519 = arith.constant 64 : i32
        %mul3A_520 = vector.broadcast %mul3A_519 : i32 to vector<16xi32>
        %mul3A_521 = arith.muli %iota3A, %mul3A_520 : vector<16xi32>
        %add3A_522 = arith.constant 1024 : i32
        %add3A_523 = arith.addi %add3A_522, %scan3A_518 : i32
        %add3A_524 = vector.broadcast %add3A_523 : i32 to vector<16xi32>
        %add3A_525 = arith.addi %mul3A_521, %add3A_524 : vector<16xi32>
        %gather3A_526 = tpu.vector_load_idx %arg11[%add3A_525] : memref<2048xf32, #tpu.memory_space<vmem>>[vector<16xi32>], vector<16xf32>,
        %gather3A_527 = tpu.vector_load_idx %arg12[%add3A_525] : memref<2048xf32, #tpu.memory_space<vmem>>[vector<16xi32>], vector<16xf32>,
        %gather3A_528 = tpu.vector_load_idx %arg13[%add3A_525] : memref<2048xf32, #tpu.memory_space<vmem>>[vector<16xi32>], vector<16xf32>,
        %gather3A_529 = tpu.vector_load_idx %arg14[%add3A_525] : memref<2048xf32, #tpu.memory_space<vmem>>[vector<16xi32>], vector<16xf32>,
        %gather3A_530 = tpu.vector_load_idx %arg9[%add3A_525] : memref<2048xi32, #tpu.memory_space<vmem>>[vector<16xi32>], vector<16xi32>,
        %sub3A_531 = arith.subf %get3A_137, %gather3A_526 : vector<16xf32>
        %sub3A_532 = arith.subf %get3A_139, %gather3A_527 : vector<16xf32>
        %sub3A_533 = arith.subf %get3A_141, %gather3A_528 : vector<16xf32>
        %mul3A_534 = arith.mulf %sub3A_531, %sub3A_531 : vector<16xf32>
        %mul3A_535 = arith.mulf %sub3A_532, %sub3A_532 : vector<16xf32>
        %add3A_536 = arith.addf %mul3A_534, %mul3A_535 : vector<16xf32>
        %mul3A_537 = arith.mulf %sub3A_533, %sub3A_533 : vector<16xf32>
        %add3A_538 = arith.addf %add3A_536, %mul3A_537 : vector<16xf32>
        %add3A_539 = arith.constant 9.99999996E-13 : f32
        %add3A_540 = vector.broadcast %add3A_539 : f32 to vector<16xf32>
        %add3A_541 = arith.addf %add3A_538, %add3A_540 : vector<16xf32>
        %ne3A_542 = arith.cmpi ne, %gather3A_530, %add3A_147 : vector<16xi32>
        %gt3A_543 = arith.constant 9.99999997E-7 : f32
        %gt3A_544 = vector.broadcast %gt3A_543 : f32 to vector<16xf32>
        %gt3A_545 = arith.cmpf ogt, %add3A_541, %gt3A_544 : vector<16xf32>
        %and3A_546 = arith.andi %ne3A_542, %gt3A_545 : vector<16xi1>
        %jit3A_547 = arith.constant 1.000000e+00 : f32
        %broadcast_in_dim3A_548 = vector.broadcast %jit3A_547 : f32 to vector<16xf32>
        %select_n3A_549 = arith.select %and3A_546, %add3A_541, %broadcast_in_dim3A_548 : vector<16xi1>, vector<16xf32>
        %bitcast_convert_type3A_550 = tpu.bitcast %select_n3A_549 : vector<16xf32> -> vector<16xi32>
        %broadcast_in_dim3A_551 = arith.constant 1597463007 : i32
        %broadcast_in_dim3A_552 = vector.broadcast %broadcast_in_dim3A_551 : i32 to vector<16xi32>
        %shift_right_arithmetic3A_553 = arith.constant 1 : i32
        %shift_right_arithmetic3A_554 = vector.broadcast %shift_right_arithmetic3A_553 : i32 to vector<16xi32>
        %shift_right_arithmetic3A_555 = arith.shrsi %bitcast_convert_type3A_550, %shift_right_arithmetic3A_554 : vector<16xi32>
        %sub3A_556 = arith.subi %broadcast_in_dim3A_552, %shift_right_arithmetic3A_555 : vector<16xi32>
        %bitcast_convert_type3A_557 = tpu.bitcast %sub3A_556 : vector<16xi32> -> vector<16xf32>
        %mul3A_558 = arith.constant 5.000000e-01 : f32
        %mul3A_559 = vector.broadcast %mul3A_558 : f32 to vector<16xf32>
        %mul3A_560 = arith.mulf %mul3A_559, %select_n3A_549 : vector<16xf32>
        %mul3A_561 = arith.mulf %mul3A_560, %bitcast_convert_type3A_557 : vector<16xf32>
        %mul3A_562 = arith.mulf %mul3A_561, %bitcast_convert_type3A_557 : vector<16xf32>
        %sub3A_563 = arith.constant 1.500000e+00 : f32
        %sub3A_564 = vector.broadcast %sub3A_563 : f32 to vector<16xf32>
        %sub3A_565 = arith.subf %sub3A_564, %mul3A_562 : vector<16xf32>
        %mul3A_566 = arith.mulf %bitcast_convert_type3A_557, %sub3A_565 : vector<16xf32>
        %mul3A_567 = arith.mulf %mul3A_560, %mul3A_566 : vector<16xf32>
        %mul3A_568 = arith.mulf %mul3A_567, %mul3A_566 : vector<16xf32>
        %sub3A_569 = arith.constant 1.500000e+00 : f32
        %sub3A_570 = vector.broadcast %sub3A_569 : f32 to vector<16xf32>
        %sub3A_571 = arith.subf %sub3A_570, %mul3A_568 : vector<16xf32>
        %mul3A_572 = arith.mulf %mul3A_566, %sub3A_571 : vector<16xf32>
        %mul3A_573 = arith.mulf %mul3A_560, %mul3A_572 : vector<16xf32>
        %mul3A_574 = arith.mulf %mul3A_573, %mul3A_572 : vector<16xf32>
        %sub3A_575 = arith.constant 1.500000e+00 : f32
        %sub3A_576 = vector.broadcast %sub3A_575 : f32 to vector<16xf32>
        %sub3A_577 = arith.subf %sub3A_576, %mul3A_574 : vector<16xf32>
        %mul3A_578 = arith.mulf %mul3A_572, %sub3A_577 : vector<16xf32>
        %mul3A_579 = vector.broadcast %scan3A_52 : f32 to vector<16xf32>
        %mul3A_580 = arith.mulf %select_n3A_549, %mul3A_579 : vector<16xf32>
        %min3A_581 = arith.constant 0.999998986 : f32
        %min3A_582 = vector.broadcast %min3A_581 : f32 to vector<16xf32>
        %min3A_583 = arith.minimumf %mul3A_580, %min3A_582 : vector<16xf32>
        %sub3A_584 = arith.constant 1.000000e+00 : f32
        %sub3A_585 = vector.broadcast %sub3A_584 : f32 to vector<16xf32>
        %sub3A_586 = arith.subf %sub3A_585, %min3A_583 : vector<16xf32>
        %div3A_587 = arith.constant 1.000000e+00 : f32
        %div3A_588 = vector.broadcast %div3A_587 : f32 to vector<16xf32>
        %div3A_589 = arith.divf %div3A_588, %sub3A_586 : vector<16xf32>
        %sub3A_590 = arith.constant 1.000000e+00 : f32
        %sub3A_591 = vector.broadcast %sub3A_590 : f32 to vector<16xf32>
        %sub3A_592 = arith.subf %sub3A_591, %div3A_589 : vector<16xf32>
        %lt3A_593 = arith.constant 1.000000e+00 : f32
        %lt3A_594 = vector.broadcast %lt3A_593 : f32 to vector<16xf32>
        %lt3A_595 = arith.cmpf olt, %mul3A_580, %lt3A_594 : vector<16xf32>
        %exp3A_596 = math.exp %sub3A_592 : vector<16xf32>
        %jit3A_597 = arith.constant 0.000000e+00 : f32
        %broadcast_in_dim3A_598 = vector.broadcast %jit3A_597 : f32 to vector<16xf32>
        %select_n3A_599 = arith.select %lt3A_595, %exp3A_596, %broadcast_in_dim3A_598 : vector<16xi1>, vector<16xf32>
        %sub3A_600 = arith.constant 1.000000e+00 : f32
        %sub3A_601 = vector.broadcast %sub3A_600 : f32 to vector<16xf32>
        %sub3A_602 = arith.subf %sub3A_601, %select_n3A_599 : vector<16xf32>
        %mul3A_603 = arith.mulf %get3A_143, %gather3A_529 : vector<16xf32>
        %mul3A_604 = arith.mulf %sub3A_602, %mul3A_603 : vector<16xf32>
        %mul3A_605 = arith.mulf %mul3A_604, %mul3A_578 : vector<16xf32>
        %jit3A_606 = arith.constant 0.000000e+00 : f32
        %broadcast_in_dim3A_607 = vector.broadcast %jit3A_606 : f32 to vector<16xf32>
        %select_n3A_608 = arith.select %and3A_546, %mul3A_605, %broadcast_in_dim3A_607 : vector<16xi1>, vector<16xf32>
        %add3A_609 = arith.addf %add3A_516, %select_n3A_608 : vector<16xf32>
        scf.yield %add3A_609 : vector<16xf32>
      }
      %scan3A_153 = arith.constant 64 : i32
      %get3A_154 = arith.index_cast %add3A_135 : i32 to index
      %get3A_155 = tpu.vector_load %arg23[%get3A_154] {strides = array<i32>} : memref<3136xi32, #tpu.memory_space<vmem>>, vector<16xi32>,
      %mul3A_156 = arith.constant 256 : i32
      %mul3A_157 = vector.broadcast %mul3A_156 : i32 to vector<16xi32>
      %mul3A_158 = arith.muli %iota3A, %mul3A_157 : vector<16xi32>
      %add3A_159 = arith.addi %mul3A_158, %get3A_155 : vector<16xi32>
      tpu.vector_store_idx %arg24[%add3A_159], %scan3A_152 {add = true} : memref<4096xf32, #tpu.memory_space<vmem>>[vector<16xi32>], vector<16xf32>,
      %lt3A = arith.constant 48 : i32
      %lt3A_160 = arith.cmpi slt, %scan3A_68, %lt3A : i32
      %convert_element_type3A = arith.extui %lt3A_160 : i1 to i32
      %cond3A = arith.constant 0 : i32
      %cond3A_161 = arith.cmpi ne, %convert_element_type3A, %cond3A : i32
      scf.if %cond3A_161 {
        %add3A_250 = arith.constant 2 : i32
        %add3A_251 = arith.addi %mul3A_71, %add3A_250 : i32
        %mul3A_252 = arith.constant 32 : i32
        %mul3A_253 = arith.muli %add3A_251, %mul3A_252 : i32
        %add3A_254 = arith.addi %mul3A_2, %mul3A_253 : i32
        %mul3A_255 = arith.constant 64 : i32
        %mul3A_256 = arith.muli %add3A_254, %mul3A_255 : i32
        %dma_start3A_257 = tpu.memref_slice %arg6[%mul3A_256] : memref<6422528xi32, #tpu.memory_space<hbm>> -> memref<2048xi32, #tpu.memory_space<hbm>>
        %dma_start3A_258 = tpu.memref_slice %arg6[%mul3A_256] : memref<6422528xi32, #tpu.memory_space<hbm>> -> memref<2048xi32, #tpu.memory_space<hbm>>
        tpu.enqueue_dma source(%dma_start3A_258 : memref<2048xi32, #tpu.memory_space<hbm>>) target(%arg9 : memref<2048xi32, #tpu.memory_space<vmem>>) target_semaphore(%arg28 : memref<!tpu.dma_semaphore, #tpu.memory_space<semaphore_mem>>)
      } else {
      }
      %lt3A_162 = arith.constant 48 : i32
      %lt3A_163 = arith.cmpi slt, %scan3A_68, %lt3A_162 : i32
      %convert_element_type3A_164 = arith.extui %lt3A_163 : i1 to i32
      %cond3A_165 = arith.constant 0 : i32
      %cond3A_166 = arith.cmpi ne, %convert_element_type3A_164, %cond3A_165 : i32
      scf.if %cond3A_166 {
        %dma_wait3A_250 = arith.constant 0 : i32
        %dma_wait3A_251 = tpu.memref_slice %arg6[%dma_wait3A_250] : memref<6422528xi32, #tpu.memory_space<hbm>> -> memref<2048xi32, #tpu.memory_space<hbm>>
        %dma_wait3A_252 = arith.constant 0 : i32
        %dma_wait3A_253 = tpu.memref_slice %arg6[%dma_wait3A_252] : memref<6422528xi32, #tpu.memory_space<hbm>> -> memref<2048xi32, #tpu.memory_space<hbm>>
        tpu.wait_dma2 semaphore(%arg28 : memref<!tpu.dma_semaphore, #tpu.memory_space<semaphore_mem>>) src(%dma_wait3A_253 : memref<2048xi32, #tpu.memory_space<hbm>>) dst(%arg9 : memref<2048xi32, #tpu.memory_space<vmem>>)
        %add3A_254 = arith.constant 2 : i32
        %add3A_255 = arith.addi %mul3A_71, %add3A_254 : i32
        %dma_start3A_256 = arith.constant 0 : i32
        %dma_start3A_257 = tpu.memref_slice %arg2[%dma_start3A_256] : memref<100352xf32, #tpu.memory_space<hbm>> -> memref<100352xf32, #tpu.memory_space<hbm>>
        tpu.enqueue_indirect_dma source(%dma_start3A_257 : memref<100352xf32, #tpu.memory_space<hbm>>) target(%arg11 : memref<2048xf32, #tpu.memory_space<vmem>>) offsets(%arg9 : memref<2048xi32, #tpu.memory_space<vmem>>) semaphore(%arg26 : memref<!tpu.dma_semaphore, #tpu.memory_space<semaphore_mem>>)
        %dma_start3A_258 = arith.constant 0 : i32
        %dma_start3A_259 = tpu.memref_slice %arg3[%dma_start3A_258] : memref<100352xf32, #tpu.memory_space<hbm>> -> memref<100352xf32, #tpu.memory_space<hbm>>
        tpu.enqueue_indirect_dma source(%dma_start3A_259 : memref<100352xf32, #tpu.memory_space<hbm>>) target(%arg12 : memref<2048xf32, #tpu.memory_space<vmem>>) offsets(%arg9 : memref<2048xi32, #tpu.memory_space<vmem>>) semaphore(%arg26 : memref<!tpu.dma_semaphore, #tpu.memory_space<semaphore_mem>>)
        %dma_start3A_260 = arith.constant 0 : i32
        %dma_start3A_261 = tpu.memref_slice %arg4[%dma_start3A_260] : memref<100352xf32, #tpu.memory_space<hbm>> -> memref<100352xf32, #tpu.memory_space<hbm>>
        tpu.enqueue_indirect_dma source(%dma_start3A_261 : memref<100352xf32, #tpu.memory_space<hbm>>) target(%arg13 : memref<2048xf32, #tpu.memory_space<vmem>>) offsets(%arg9 : memref<2048xi32, #tpu.memory_space<vmem>>) semaphore(%arg26 : memref<!tpu.dma_semaphore, #tpu.memory_space<semaphore_mem>>)
        %dma_start3A_262 = arith.constant 0 : i32
        %dma_start3A_263 = tpu.memref_slice %arg5[%dma_start3A_262] : memref<100352xf32, #tpu.memory_space<hbm>> -> memref<100352xf32, #tpu.memory_space<hbm>>
        tpu.enqueue_indirect_dma source(%dma_start3A_263 : memref<100352xf32, #tpu.memory_space<hbm>>) target(%arg14 : memref<2048xf32, #tpu.memory_space<vmem>>) offsets(%arg9 : memref<2048xi32, #tpu.memory_space<vmem>>) semaphore(%arg26 : memref<!tpu.dma_semaphore, #tpu.memory_space<semaphore_mem>>)
      } else {
      }
      %dma_wait3A_167 = arith.constant 0 : i32
      %dma_wait3A_168 = tpu.memref_slice %arg2[%dma_wait3A_167] : memref<100352xf32, #tpu.memory_space<hbm>> -> memref<2048xf32, #tpu.memory_space<hbm>>
      %dma_wait3A_169 = arith.constant 0 : i32
      %dma_wait3A_170 = tpu.memref_slice %arg2[%dma_wait3A_169] : memref<100352xf32, #tpu.memory_space<hbm>> -> memref<2048xf32, #tpu.memory_space<hbm>>
      tpu.wait_dma2 semaphore(%arg27 : memref<!tpu.dma_semaphore, #tpu.memory_space<semaphore_mem>>) src(%dma_wait3A_170 : memref<2048xf32, #tpu.memory_space<hbm>>) dst(%arg15 : memref<2048xf32, #tpu.memory_space<vmem>>)
      %dma_wait3A_171 = arith.constant 0 : i32
      %dma_wait3A_172 = tpu.memref_slice %arg3[%dma_wait3A_171] : memref<100352xf32, #tpu.memory_space<hbm>> -> memref<2048xf32, #tpu.memory_space<hbm>>
      %dma_wait3A_173 = arith.constant 0 : i32
      %dma_wait3A_174 = tpu.memref_slice %arg3[%dma_wait3A_173] : memref<100352xf32, #tpu.memory_space<hbm>> -> memref<2048xf32, #tpu.memory_space<hbm>>
      tpu.wait_dma2 semaphore(%arg27 : memref<!tpu.dma_semaphore, #tpu.memory_space<semaphore_mem>>) src(%dma_wait3A_174 : memref<2048xf32, #tpu.memory_space<hbm>>) dst(%arg16 : memref<2048xf32, #tpu.memory_space<vmem>>)
      %dma_wait3A_175 = arith.constant 0 : i32
      %dma_wait3A_176 = tpu.memref_slice %arg4[%dma_wait3A_175] : memref<100352xf32, #tpu.memory_space<hbm>> -> memref<2048xf32, #tpu.memory_space<hbm>>
      %dma_wait3A_177 = arith.constant 0 : i32
      %dma_wait3A_178 = tpu.memref_slice %arg4[%dma_wait3A_177] : memref<100352xf32, #tpu.memory_space<hbm>> -> memref<2048xf32, #tpu.memory_space<hbm>>
      tpu.wait_dma2 semaphore(%arg27 : memref<!tpu.dma_semaphore, #tpu.memory_space<semaphore_mem>>) src(%dma_wait3A_178 : memref<2048xf32, #tpu.memory_space<hbm>>) dst(%arg17 : memref<2048xf32, #tpu.memory_space<vmem>>)
      %dma_wait3A_179 = arith.constant 0 : i32
      %dma_wait3A_180 = tpu.memref_slice %arg5[%dma_wait3A_179] : memref<100352xf32, #tpu.memory_space<hbm>> -> memref<2048xf32, #tpu.memory_space<hbm>>
      %dma_wait3A_181 = arith.constant 0 : i32
      %dma_wait3A_182 = tpu.memref_slice %arg5[%dma_wait3A_181] : memref<100352xf32, #tpu.memory_space<hbm>> -> memref<2048xf32, #tpu.memory_space<hbm>>
      tpu.wait_dma2 semaphore(%arg27 : memref<!tpu.dma_semaphore, #tpu.memory_space<semaphore_mem>>) src(%dma_wait3A_182 : memref<2048xf32, #tpu.memory_space<hbm>>) dst(%arg18 : memref<2048xf32, #tpu.memory_space<vmem>>)
      %add3A_183 = arith.constant 1 : i32
      %add3A_184 = arith.addi %mul3A_71, %add3A_183 : i32
      %mul3A_185 = arith.constant 32 : i32
      %mul3A_186 = arith.muli %add3A_184, %mul3A_185 : i32
      %add3A_187 = arith.addi %mul3A_2, %mul3A_186 : i32
      %mul3A_188 = arith.constant 32 : i32
      %mul3A_189 = arith.muli %add3A_184, %mul3A_188 : i32
      %add3A_190 = arith.constant 0 : i32
      %add3A_191 = arith.addi %mul3A_189, %add3A_190 : i32
      %get3A_192 = arith.index_cast %add3A_191 : i32 to index
      %get3A_193 = tpu.vector_load %arg19[%get3A_192] {strides = array<i32>} : memref<3136xf32, #tpu.memory_space<vmem>>, vector<16xf32>,
      %get3A_194 = arith.index_cast %add3A_191 : i32 to index
      %get3A_195 = tpu.vector_load %arg20[%get3A_194] {strides = array<i32>} : memref<3136xf32, #tpu.memory_space<vmem>>, vector<16xf32>,
      %get3A_196 = arith.index_cast %add3A_191 : i32 to index
      %get3A_197 = tpu.vector_load %arg21[%get3A_196] {strides = array<i32>} : memref<3136xf32, #tpu.memory_space<vmem>>, vector<16xf32>,
      %get3A_198 = arith.index_cast %add3A_191 : i32 to index
      %get3A_199 = tpu.vector_load %arg22[%get3A_198] {strides = array<i32>} : memref<3136xf32, #tpu.memory_space<vmem>>, vector<16xf32>,
      %add3A_200 = arith.constant 0 : i32
      %add3A_201 = arith.addi %add3A_187, %add3A_200 : i32
      %add3A_202 = vector.broadcast %add3A_201 : i32 to vector<16xi32>
      %add3A_203 = arith.addi %iota3A, %add3A_202 : vector<16xi32>
      %scan3A_204 = arith.constant 0 : i32
      %scan3A_205 = arith.constant 64 : i32
      %scan3A_206 = arith.addi %scan3A_204, %scan3A_205 : i32
      %scan3A_207 = arith.constant 4 : i32
      %scan3A_208 = scf.for %scan3A_250 = %scan3A_204 to %scan3A_206 step %scan3A_207 iter_args(%scan3A_251 = %broadcast_in_dim3A_3) -> (vector<16xf32>)  : i32 {
        %mul3A_252 = arith.constant 64 : i32
        %mul3A_253 = vector.broadcast %mul3A_252 : i32 to vector<16xi32>
        %mul3A_254 = arith.muli %iota3A, %mul3A_253 : vector<16xi32>
        %add3A_255 = arith.constant 0 : i32
        %add3A_256 = arith.addi %add3A_255, %scan3A_250 : i32
        %add3A_257 = vector.broadcast %add3A_256 : i32 to vector<16xi32>
        %add3A_258 = arith.addi %mul3A_254, %add3A_257 : vector<16xi32>
        %gather3A = tpu.vector_load_idx %arg15[%add3A_258] : memref<2048xf32, #tpu.memory_space<vmem>>[vector<16xi32>], vector<16xf32>,
        %gather3A_259 = tpu.vector_load_idx %arg16[%add3A_258] : memref<2048xf32, #tpu.memory_space<vmem>>[vector<16xi32>], vector<16xf32>,
        %gather3A_260 = tpu.vector_load_idx %arg17[%add3A_258] : memref<2048xf32, #tpu.memory_space<vmem>>[vector<16xi32>], vector<16xf32>,
        %gather3A_261 = tpu.vector_load_idx %arg18[%add3A_258] : memref<2048xf32, #tpu.memory_space<vmem>>[vector<16xi32>], vector<16xf32>,
        %gather3A_262 = tpu.vector_load_idx %arg10[%add3A_258] : memref<2048xi32, #tpu.memory_space<vmem>>[vector<16xi32>], vector<16xi32>,
        %sub3A = arith.subf %get3A_193, %gather3A : vector<16xf32>
        %sub3A_263 = arith.subf %get3A_195, %gather3A_259 : vector<16xf32>
        %sub3A_264 = arith.subf %get3A_197, %gather3A_260 : vector<16xf32>
        %mul3A_265 = arith.mulf %sub3A, %sub3A : vector<16xf32>
        %mul3A_266 = arith.mulf %sub3A_263, %sub3A_263 : vector<16xf32>
        %add3A_267 = arith.addf %mul3A_265, %mul3A_266 : vector<16xf32>
        %mul3A_268 = arith.mulf %sub3A_264, %sub3A_264 : vector<16xf32>
        %add3A_269 = arith.addf %add3A_267, %mul3A_268 : vector<16xf32>
        %add3A_270 = arith.constant 9.99999996E-13 : f32
        %add3A_271 = vector.broadcast %add3A_270 : f32 to vector<16xf32>
        %add3A_272 = arith.addf %add3A_269, %add3A_271 : vector<16xf32>
        %ne3A = arith.cmpi ne, %gather3A_262, %add3A_203 : vector<16xi32>
        %gt3A = arith.constant 9.99999997E-7 : f32
        %gt3A_273 = vector.broadcast %gt3A : f32 to vector<16xf32>
        %gt3A_274 = arith.cmpf ogt, %add3A_272, %gt3A_273 : vector<16xf32>
        %and3A = arith.andi %ne3A, %gt3A_274 : vector<16xi1>
        %jit3A = arith.constant 1.000000e+00 : f32
        %broadcast_in_dim3A_275 = vector.broadcast %jit3A : f32 to vector<16xf32>
        %select_n3A = arith.select %and3A, %add3A_272, %broadcast_in_dim3A_275 : vector<16xi1>, vector<16xf32>
        %bitcast_convert_type3A = tpu.bitcast %select_n3A : vector<16xf32> -> vector<16xi32>
        %broadcast_in_dim3A_276 = arith.constant 1597463007 : i32
        %broadcast_in_dim3A_277 = vector.broadcast %broadcast_in_dim3A_276 : i32 to vector<16xi32>
        %shift_right_arithmetic3A = arith.constant 1 : i32
        %shift_right_arithmetic3A_278 = vector.broadcast %shift_right_arithmetic3A : i32 to vector<16xi32>
        %shift_right_arithmetic3A_279 = arith.shrsi %bitcast_convert_type3A, %shift_right_arithmetic3A_278 : vector<16xi32>
        %sub3A_280 = arith.subi %broadcast_in_dim3A_277, %shift_right_arithmetic3A_279 : vector<16xi32>
        %bitcast_convert_type3A_281 = tpu.bitcast %sub3A_280 : vector<16xi32> -> vector<16xf32>
        %mul3A_282 = arith.constant 5.000000e-01 : f32
        %mul3A_283 = vector.broadcast %mul3A_282 : f32 to vector<16xf32>
        %mul3A_284 = arith.mulf %mul3A_283, %select_n3A : vector<16xf32>
        %mul3A_285 = arith.mulf %mul3A_284, %bitcast_convert_type3A_281 : vector<16xf32>
        %mul3A_286 = arith.mulf %mul3A_285, %bitcast_convert_type3A_281 : vector<16xf32>
        %sub3A_287 = arith.constant 1.500000e+00 : f32
        %sub3A_288 = vector.broadcast %sub3A_287 : f32 to vector<16xf32>
        %sub3A_289 = arith.subf %sub3A_288, %mul3A_286 : vector<16xf32>
        %mul3A_290 = arith.mulf %bitcast_convert_type3A_281, %sub3A_289 : vector<16xf32>
        %mul3A_291 = arith.mulf %mul3A_284, %mul3A_290 : vector<16xf32>
        %mul3A_292 = arith.mulf %mul3A_291, %mul3A_290 : vector<16xf32>
        %sub3A_293 = arith.constant 1.500000e+00 : f32
        %sub3A_294 = vector.broadcast %sub3A_293 : f32 to vector<16xf32>
        %sub3A_295 = arith.subf %sub3A_294, %mul3A_292 : vector<16xf32>
        %mul3A_296 = arith.mulf %mul3A_290, %sub3A_295 : vector<16xf32>
        %mul3A_297 = arith.mulf %mul3A_284, %mul3A_296 : vector<16xf32>
        %mul3A_298 = arith.mulf %mul3A_297, %mul3A_296 : vector<16xf32>
        %sub3A_299 = arith.constant 1.500000e+00 : f32
        %sub3A_300 = vector.broadcast %sub3A_299 : f32 to vector<16xf32>
        %sub3A_301 = arith.subf %sub3A_300, %mul3A_298 : vector<16xf32>
        %mul3A_302 = arith.mulf %mul3A_296, %sub3A_301 : vector<16xf32>
        %mul3A_303 = vector.broadcast %scan3A_52 : f32 to vector<16xf32>
        %mul3A_304 = arith.mulf %select_n3A, %mul3A_303 : vector<16xf32>
        %min3A = arith.constant 0.999998986 : f32
        %min3A_305 = vector.broadcast %min3A : f32 to vector<16xf32>
        %min3A_306 = arith.minimumf %mul3A_304, %min3A_305 : vector<16xf32>
        %sub3A_307 = arith.constant 1.000000e+00 : f32
        %sub3A_308 = vector.broadcast %sub3A_307 : f32 to vector<16xf32>
        %sub3A_309 = arith.subf %sub3A_308, %min3A_306 : vector<16xf32>
        %div3A = arith.constant 1.000000e+00 : f32
        %div3A_310 = vector.broadcast %div3A : f32 to vector<16xf32>
        %div3A_311 = arith.divf %div3A_310, %sub3A_309 : vector<16xf32>
        %sub3A_312 = arith.constant 1.000000e+00 : f32
        %sub3A_313 = vector.broadcast %sub3A_312 : f32 to vector<16xf32>
        %sub3A_314 = arith.subf %sub3A_313, %div3A_311 : vector<16xf32>
        %lt3A_315 = arith.constant 1.000000e+00 : f32
        %lt3A_316 = vector.broadcast %lt3A_315 : f32 to vector<16xf32>
        %lt3A_317 = arith.cmpf olt, %mul3A_304, %lt3A_316 : vector<16xf32>
        %exp3A = math.exp %sub3A_314 : vector<16xf32>
        %jit3A_318 = arith.constant 0.000000e+00 : f32
        %broadcast_in_dim3A_319 = vector.broadcast %jit3A_318 : f32 to vector<16xf32>
        %select_n3A_320 = arith.select %lt3A_317, %exp3A, %broadcast_in_dim3A_319 : vector<16xi1>, vector<16xf32>
        %sub3A_321 = arith.constant 1.000000e+00 : f32
        %sub3A_322 = vector.broadcast %sub3A_321 : f32 to vector<16xf32>
        %sub3A_323 = arith.subf %sub3A_322, %select_n3A_320 : vector<16xf32>
        %mul3A_324 = arith.mulf %get3A_199, %gather3A_261 : vector<16xf32>
        %mul3A_325 = arith.mulf %sub3A_323, %mul3A_324 : vector<16xf32>
        %mul3A_326 = arith.mulf %mul3A_325, %mul3A_302 : vector<16xf32>
        %jit3A_327 = arith.constant 0.000000e+00 : f32
        %broadcast_in_dim3A_328 = vector.broadcast %jit3A_327 : f32 to vector<16xf32>
        %select_n3A_329 = arith.select %and3A, %mul3A_326, %broadcast_in_dim3A_328 : vector<16xi1>, vector<16xf32>
        %add3A_330 = arith.addf %scan3A_251, %select_n3A_329 : vector<16xf32>
        %scan3A_331 = arith.constant 1 : i32
        %scan3A_332 = arith.addi %scan3A_250, %scan3A_331 : i32
        %mul3A_333 = arith.constant 64 : i32
        %mul3A_334 = vector.broadcast %mul3A_333 : i32 to vector<16xi32>
        %mul3A_335 = arith.muli %iota3A, %mul3A_334 : vector<16xi32>
        %add3A_336 = arith.constant 0 : i32
        %add3A_337 = arith.addi %add3A_336, %scan3A_332 : i32
        %add3A_338 = vector.broadcast %add3A_337 : i32 to vector<16xi32>
        %add3A_339 = arith.addi %mul3A_335, %add3A_338 : vector<16xi32>
        %gather3A_340 = tpu.vector_load_idx %arg15[%add3A_339] : memref<2048xf32, #tpu.memory_space<vmem>>[vector<16xi32>], vector<16xf32>,
        %gather3A_341 = tpu.vector_load_idx %arg16[%add3A_339] : memref<2048xf32, #tpu.memory_space<vmem>>[vector<16xi32>], vector<16xf32>,
        %gather3A_342 = tpu.vector_load_idx %arg17[%add3A_339] : memref<2048xf32, #tpu.memory_space<vmem>>[vector<16xi32>], vector<16xf32>,
        %gather3A_343 = tpu.vector_load_idx %arg18[%add3A_339] : memref<2048xf32, #tpu.memory_space<vmem>>[vector<16xi32>], vector<16xf32>,
        %gather3A_344 = tpu.vector_load_idx %arg10[%add3A_339] : memref<2048xi32, #tpu.memory_space<vmem>>[vector<16xi32>], vector<16xi32>,
        %sub3A_345 = arith.subf %get3A_193, %gather3A_340 : vector<16xf32>
        %sub3A_346 = arith.subf %get3A_195, %gather3A_341 : vector<16xf32>
        %sub3A_347 = arith.subf %get3A_197, %gather3A_342 : vector<16xf32>
        %mul3A_348 = arith.mulf %sub3A_345, %sub3A_345 : vector<16xf32>
        %mul3A_349 = arith.mulf %sub3A_346, %sub3A_346 : vector<16xf32>
        %add3A_350 = arith.addf %mul3A_348, %mul3A_349 : vector<16xf32>
        %mul3A_351 = arith.mulf %sub3A_347, %sub3A_347 : vector<16xf32>
        %add3A_352 = arith.addf %add3A_350, %mul3A_351 : vector<16xf32>
        %add3A_353 = arith.constant 9.99999996E-13 : f32
        %add3A_354 = vector.broadcast %add3A_353 : f32 to vector<16xf32>
        %add3A_355 = arith.addf %add3A_352, %add3A_354 : vector<16xf32>
        %ne3A_356 = arith.cmpi ne, %gather3A_344, %add3A_203 : vector<16xi32>
        %gt3A_357 = arith.constant 9.99999997E-7 : f32
        %gt3A_358 = vector.broadcast %gt3A_357 : f32 to vector<16xf32>
        %gt3A_359 = arith.cmpf ogt, %add3A_355, %gt3A_358 : vector<16xf32>
        %and3A_360 = arith.andi %ne3A_356, %gt3A_359 : vector<16xi1>
        %jit3A_361 = arith.constant 1.000000e+00 : f32
        %broadcast_in_dim3A_362 = vector.broadcast %jit3A_361 : f32 to vector<16xf32>
        %select_n3A_363 = arith.select %and3A_360, %add3A_355, %broadcast_in_dim3A_362 : vector<16xi1>, vector<16xf32>
        %bitcast_convert_type3A_364 = tpu.bitcast %select_n3A_363 : vector<16xf32> -> vector<16xi32>
        %broadcast_in_dim3A_365 = arith.constant 1597463007 : i32
        %broadcast_in_dim3A_366 = vector.broadcast %broadcast_in_dim3A_365 : i32 to vector<16xi32>
        %shift_right_arithmetic3A_367 = arith.constant 1 : i32
        %shift_right_arithmetic3A_368 = vector.broadcast %shift_right_arithmetic3A_367 : i32 to vector<16xi32>
        %shift_right_arithmetic3A_369 = arith.shrsi %bitcast_convert_type3A_364, %shift_right_arithmetic3A_368 : vector<16xi32>
        %sub3A_370 = arith.subi %broadcast_in_dim3A_366, %shift_right_arithmetic3A_369 : vector<16xi32>
        %bitcast_convert_type3A_371 = tpu.bitcast %sub3A_370 : vector<16xi32> -> vector<16xf32>
        %mul3A_372 = arith.constant 5.000000e-01 : f32
        %mul3A_373 = vector.broadcast %mul3A_372 : f32 to vector<16xf32>
        %mul3A_374 = arith.mulf %mul3A_373, %select_n3A_363 : vector<16xf32>
        %mul3A_375 = arith.mulf %mul3A_374, %bitcast_convert_type3A_371 : vector<16xf32>
        %mul3A_376 = arith.mulf %mul3A_375, %bitcast_convert_type3A_371 : vector<16xf32>
        %sub3A_377 = arith.constant 1.500000e+00 : f32
        %sub3A_378 = vector.broadcast %sub3A_377 : f32 to vector<16xf32>
        %sub3A_379 = arith.subf %sub3A_378, %mul3A_376 : vector<16xf32>
        %mul3A_380 = arith.mulf %bitcast_convert_type3A_371, %sub3A_379 : vector<16xf32>
        %mul3A_381 = arith.mulf %mul3A_374, %mul3A_380 : vector<16xf32>
        %mul3A_382 = arith.mulf %mul3A_381, %mul3A_380 : vector<16xf32>
        %sub3A_383 = arith.constant 1.500000e+00 : f32
        %sub3A_384 = vector.broadcast %sub3A_383 : f32 to vector<16xf32>
        %sub3A_385 = arith.subf %sub3A_384, %mul3A_382 : vector<16xf32>
        %mul3A_386 = arith.mulf %mul3A_380, %sub3A_385 : vector<16xf32>
        %mul3A_387 = arith.mulf %mul3A_374, %mul3A_386 : vector<16xf32>
        %mul3A_388 = arith.mulf %mul3A_387, %mul3A_386 : vector<16xf32>
        %sub3A_389 = arith.constant 1.500000e+00 : f32
        %sub3A_390 = vector.broadcast %sub3A_389 : f32 to vector<16xf32>
        %sub3A_391 = arith.subf %sub3A_390, %mul3A_388 : vector<16xf32>
        %mul3A_392 = arith.mulf %mul3A_386, %sub3A_391 : vector<16xf32>
        %mul3A_393 = vector.broadcast %scan3A_52 : f32 to vector<16xf32>
        %mul3A_394 = arith.mulf %select_n3A_363, %mul3A_393 : vector<16xf32>
        %min3A_395 = arith.constant 0.999998986 : f32
        %min3A_396 = vector.broadcast %min3A_395 : f32 to vector<16xf32>
        %min3A_397 = arith.minimumf %mul3A_394, %min3A_396 : vector<16xf32>
        %sub3A_398 = arith.constant 1.000000e+00 : f32
        %sub3A_399 = vector.broadcast %sub3A_398 : f32 to vector<16xf32>
        %sub3A_400 = arith.subf %sub3A_399, %min3A_397 : vector<16xf32>
        %div3A_401 = arith.constant 1.000000e+00 : f32
        %div3A_402 = vector.broadcast %div3A_401 : f32 to vector<16xf32>
        %div3A_403 = arith.divf %div3A_402, %sub3A_400 : vector<16xf32>
        %sub3A_404 = arith.constant 1.000000e+00 : f32
        %sub3A_405 = vector.broadcast %sub3A_404 : f32 to vector<16xf32>
        %sub3A_406 = arith.subf %sub3A_405, %div3A_403 : vector<16xf32>
        %lt3A_407 = arith.constant 1.000000e+00 : f32
        %lt3A_408 = vector.broadcast %lt3A_407 : f32 to vector<16xf32>
        %lt3A_409 = arith.cmpf olt, %mul3A_394, %lt3A_408 : vector<16xf32>
        %exp3A_410 = math.exp %sub3A_406 : vector<16xf32>
        %jit3A_411 = arith.constant 0.000000e+00 : f32
        %broadcast_in_dim3A_412 = vector.broadcast %jit3A_411 : f32 to vector<16xf32>
        %select_n3A_413 = arith.select %lt3A_409, %exp3A_410, %broadcast_in_dim3A_412 : vector<16xi1>, vector<16xf32>
        %sub3A_414 = arith.constant 1.000000e+00 : f32
        %sub3A_415 = vector.broadcast %sub3A_414 : f32 to vector<16xf32>
        %sub3A_416 = arith.subf %sub3A_415, %select_n3A_413 : vector<16xf32>
        %mul3A_417 = arith.mulf %get3A_199, %gather3A_343 : vector<16xf32>
        %mul3A_418 = arith.mulf %sub3A_416, %mul3A_417 : vector<16xf32>
        %mul3A_419 = arith.mulf %mul3A_418, %mul3A_392 : vector<16xf32>
        %jit3A_420 = arith.constant 0.000000e+00 : f32
        %broadcast_in_dim3A_421 = vector.broadcast %jit3A_420 : f32 to vector<16xf32>
        %select_n3A_422 = arith.select %and3A_360, %mul3A_419, %broadcast_in_dim3A_421 : vector<16xi1>, vector<16xf32>
        %add3A_423 = arith.addf %add3A_330, %select_n3A_422 : vector<16xf32>
        %scan3A_424 = arith.constant 2 : i32
        %scan3A_425 = arith.addi %scan3A_250, %scan3A_424 : i32
        %mul3A_426 = arith.constant 64 : i32
        %mul3A_427 = vector.broadcast %mul3A_426 : i32 to vector<16xi32>
        %mul3A_428 = arith.muli %iota3A, %mul3A_427 : vector<16xi32>
        %add3A_429 = arith.constant 0 : i32
        %add3A_430 = arith.addi %add3A_429, %scan3A_425 : i32
        %add3A_431 = vector.broadcast %add3A_430 : i32 to vector<16xi32>
        %add3A_432 = arith.addi %mul3A_428, %add3A_431 : vector<16xi32>
        %gather3A_433 = tpu.vector_load_idx %arg15[%add3A_432] : memref<2048xf32, #tpu.memory_space<vmem>>[vector<16xi32>], vector<16xf32>,
        %gather3A_434 = tpu.vector_load_idx %arg16[%add3A_432] : memref<2048xf32, #tpu.memory_space<vmem>>[vector<16xi32>], vector<16xf32>,
        %gather3A_435 = tpu.vector_load_idx %arg17[%add3A_432] : memref<2048xf32, #tpu.memory_space<vmem>>[vector<16xi32>], vector<16xf32>,
        %gather3A_436 = tpu.vector_load_idx %arg18[%add3A_432] : memref<2048xf32, #tpu.memory_space<vmem>>[vector<16xi32>], vector<16xf32>,
        %gather3A_437 = tpu.vector_load_idx %arg10[%add3A_432] : memref<2048xi32, #tpu.memory_space<vmem>>[vector<16xi32>], vector<16xi32>,
        %sub3A_438 = arith.subf %get3A_193, %gather3A_433 : vector<16xf32>
        %sub3A_439 = arith.subf %get3A_195, %gather3A_434 : vector<16xf32>
        %sub3A_440 = arith.subf %get3A_197, %gather3A_435 : vector<16xf32>
        %mul3A_441 = arith.mulf %sub3A_438, %sub3A_438 : vector<16xf32>
        %mul3A_442 = arith.mulf %sub3A_439, %sub3A_439 : vector<16xf32>
        %add3A_443 = arith.addf %mul3A_441, %mul3A_442 : vector<16xf32>
        %mul3A_444 = arith.mulf %sub3A_440, %sub3A_440 : vector<16xf32>
        %add3A_445 = arith.addf %add3A_443, %mul3A_444 : vector<16xf32>
        %add3A_446 = arith.constant 9.99999996E-13 : f32
        %add3A_447 = vector.broadcast %add3A_446 : f32 to vector<16xf32>
        %add3A_448 = arith.addf %add3A_445, %add3A_447 : vector<16xf32>
        %ne3A_449 = arith.cmpi ne, %gather3A_437, %add3A_203 : vector<16xi32>
        %gt3A_450 = arith.constant 9.99999997E-7 : f32
        %gt3A_451 = vector.broadcast %gt3A_450 : f32 to vector<16xf32>
        %gt3A_452 = arith.cmpf ogt, %add3A_448, %gt3A_451 : vector<16xf32>
        %and3A_453 = arith.andi %ne3A_449, %gt3A_452 : vector<16xi1>
        %jit3A_454 = arith.constant 1.000000e+00 : f32
        %broadcast_in_dim3A_455 = vector.broadcast %jit3A_454 : f32 to vector<16xf32>
        %select_n3A_456 = arith.select %and3A_453, %add3A_448, %broadcast_in_dim3A_455 : vector<16xi1>, vector<16xf32>
        %bitcast_convert_type3A_457 = tpu.bitcast %select_n3A_456 : vector<16xf32> -> vector<16xi32>
        %broadcast_in_dim3A_458 = arith.constant 1597463007 : i32
        %broadcast_in_dim3A_459 = vector.broadcast %broadcast_in_dim3A_458 : i32 to vector<16xi32>
        %shift_right_arithmetic3A_460 = arith.constant 1 : i32
        %shift_right_arithmetic3A_461 = vector.broadcast %shift_right_arithmetic3A_460 : i32 to vector<16xi32>
        %shift_right_arithmetic3A_462 = arith.shrsi %bitcast_convert_type3A_457, %shift_right_arithmetic3A_461 : vector<16xi32>
        %sub3A_463 = arith.subi %broadcast_in_dim3A_459, %shift_right_arithmetic3A_462 : vector<16xi32>
        %bitcast_convert_type3A_464 = tpu.bitcast %sub3A_463 : vector<16xi32> -> vector<16xf32>
        %mul3A_465 = arith.constant 5.000000e-01 : f32
        %mul3A_466 = vector.broadcast %mul3A_465 : f32 to vector<16xf32>
        %mul3A_467 = arith.mulf %mul3A_466, %select_n3A_456 : vector<16xf32>
        %mul3A_468 = arith.mulf %mul3A_467, %bitcast_convert_type3A_464 : vector<16xf32>
        %mul3A_469 = arith.mulf %mul3A_468, %bitcast_convert_type3A_464 : vector<16xf32>
        %sub3A_470 = arith.constant 1.500000e+00 : f32
        %sub3A_471 = vector.broadcast %sub3A_470 : f32 to vector<16xf32>
        %sub3A_472 = arith.subf %sub3A_471, %mul3A_469 : vector<16xf32>
        %mul3A_473 = arith.mulf %bitcast_convert_type3A_464, %sub3A_472 : vector<16xf32>
        %mul3A_474 = arith.mulf %mul3A_467, %mul3A_473 : vector<16xf32>
        %mul3A_475 = arith.mulf %mul3A_474, %mul3A_473 : vector<16xf32>
        %sub3A_476 = arith.constant 1.500000e+00 : f32
        %sub3A_477 = vector.broadcast %sub3A_476 : f32 to vector<16xf32>
        %sub3A_478 = arith.subf %sub3A_477, %mul3A_475 : vector<16xf32>
        %mul3A_479 = arith.mulf %mul3A_473, %sub3A_478 : vector<16xf32>
        %mul3A_480 = arith.mulf %mul3A_467, %mul3A_479 : vector<16xf32>
        %mul3A_481 = arith.mulf %mul3A_480, %mul3A_479 : vector<16xf32>
        %sub3A_482 = arith.constant 1.500000e+00 : f32
        %sub3A_483 = vector.broadcast %sub3A_482 : f32 to vector<16xf32>
        %sub3A_484 = arith.subf %sub3A_483, %mul3A_481 : vector<16xf32>
        %mul3A_485 = arith.mulf %mul3A_479, %sub3A_484 : vector<16xf32>
        %mul3A_486 = vector.broadcast %scan3A_52 : f32 to vector<16xf32>
        %mul3A_487 = arith.mulf %select_n3A_456, %mul3A_486 : vector<16xf32>
        %min3A_488 = arith.constant 0.999998986 : f32
        %min3A_489 = vector.broadcast %min3A_488 : f32 to vector<16xf32>
        %min3A_490 = arith.minimumf %mul3A_487, %min3A_489 : vector<16xf32>
        %sub3A_491 = arith.constant 1.000000e+00 : f32
        %sub3A_492 = vector.broadcast %sub3A_491 : f32 to vector<16xf32>
        %sub3A_493 = arith.subf %sub3A_492, %min3A_490 : vector<16xf32>
        %div3A_494 = arith.constant 1.000000e+00 : f32
        %div3A_495 = vector.broadcast %div3A_494 : f32 to vector<16xf32>
        %div3A_496 = arith.divf %div3A_495, %sub3A_493 : vector<16xf32>
        %sub3A_497 = arith.constant 1.000000e+00 : f32
        %sub3A_498 = vector.broadcast %sub3A_497 : f32 to vector<16xf32>
        %sub3A_499 = arith.subf %sub3A_498, %div3A_496 : vector<16xf32>
        %lt3A_500 = arith.constant 1.000000e+00 : f32
        %lt3A_501 = vector.broadcast %lt3A_500 : f32 to vector<16xf32>
        %lt3A_502 = arith.cmpf olt, %mul3A_487, %lt3A_501 : vector<16xf32>
        %exp3A_503 = math.exp %sub3A_499 : vector<16xf32>
        %jit3A_504 = arith.constant 0.000000e+00 : f32
        %broadcast_in_dim3A_505 = vector.broadcast %jit3A_504 : f32 to vector<16xf32>
        %select_n3A_506 = arith.select %lt3A_502, %exp3A_503, %broadcast_in_dim3A_505 : vector<16xi1>, vector<16xf32>
        %sub3A_507 = arith.constant 1.000000e+00 : f32
        %sub3A_508 = vector.broadcast %sub3A_507 : f32 to vector<16xf32>
        %sub3A_509 = arith.subf %sub3A_508, %select_n3A_506 : vector<16xf32>
        %mul3A_510 = arith.mulf %get3A_199, %gather3A_436 : vector<16xf32>
        %mul3A_511 = arith.mulf %sub3A_509, %mul3A_510 : vector<16xf32>
        %mul3A_512 = arith.mulf %mul3A_511, %mul3A_485 : vector<16xf32>
        %jit3A_513 = arith.constant 0.000000e+00 : f32
        %broadcast_in_dim3A_514 = vector.broadcast %jit3A_513 : f32 to vector<16xf32>
        %select_n3A_515 = arith.select %and3A_453, %mul3A_512, %broadcast_in_dim3A_514 : vector<16xi1>, vector<16xf32>
        %add3A_516 = arith.addf %add3A_423, %select_n3A_515 : vector<16xf32>
        %scan3A_517 = arith.constant 3 : i32
        %scan3A_518 = arith.addi %scan3A_250, %scan3A_517 : i32
        %mul3A_519 = arith.constant 64 : i32
        %mul3A_520 = vector.broadcast %mul3A_519 : i32 to vector<16xi32>
        %mul3A_521 = arith.muli %iota3A, %mul3A_520 : vector<16xi32>
        %add3A_522 = arith.constant 0 : i32
        %add3A_523 = arith.addi %add3A_522, %scan3A_518 : i32
        %add3A_524 = vector.broadcast %add3A_523 : i32 to vector<16xi32>
        %add3A_525 = arith.addi %mul3A_521, %add3A_524 : vector<16xi32>
        %gather3A_526 = tpu.vector_load_idx %arg15[%add3A_525] : memref<2048xf32, #tpu.memory_space<vmem>>[vector<16xi32>], vector<16xf32>,
        %gather3A_527 = tpu.vector_load_idx %arg16[%add3A_525] : memref<2048xf32, #tpu.memory_space<vmem>>[vector<16xi32>], vector<16xf32>,
        %gather3A_528 = tpu.vector_load_idx %arg17[%add3A_525] : memref<2048xf32, #tpu.memory_space<vmem>>[vector<16xi32>], vector<16xf32>,
        %gather3A_529 = tpu.vector_load_idx %arg18[%add3A_525] : memref<2048xf32, #tpu.memory_space<vmem>>[vector<16xi32>], vector<16xf32>,
        %gather3A_530 = tpu.vector_load_idx %arg10[%add3A_525] : memref<2048xi32, #tpu.memory_space<vmem>>[vector<16xi32>], vector<16xi32>,
        %sub3A_531 = arith.subf %get3A_193, %gather3A_526 : vector<16xf32>
        %sub3A_532 = arith.subf %get3A_195, %gather3A_527 : vector<16xf32>
        %sub3A_533 = arith.subf %get3A_197, %gather3A_528 : vector<16xf32>
        %mul3A_534 = arith.mulf %sub3A_531, %sub3A_531 : vector<16xf32>
        %mul3A_535 = arith.mulf %sub3A_532, %sub3A_532 : vector<16xf32>
        %add3A_536 = arith.addf %mul3A_534, %mul3A_535 : vector<16xf32>
        %mul3A_537 = arith.mulf %sub3A_533, %sub3A_533 : vector<16xf32>
        %add3A_538 = arith.addf %add3A_536, %mul3A_537 : vector<16xf32>
        %add3A_539 = arith.constant 9.99999996E-13 : f32
        %add3A_540 = vector.broadcast %add3A_539 : f32 to vector<16xf32>
        %add3A_541 = arith.addf %add3A_538, %add3A_540 : vector<16xf32>
        %ne3A_542 = arith.cmpi ne, %gather3A_530, %add3A_203 : vector<16xi32>
        %gt3A_543 = arith.constant 9.99999997E-7 : f32
        %gt3A_544 = vector.broadcast %gt3A_543 : f32 to vector<16xf32>
        %gt3A_545 = arith.cmpf ogt, %add3A_541, %gt3A_544 : vector<16xf32>
        %and3A_546 = arith.andi %ne3A_542, %gt3A_545 : vector<16xi1>
        %jit3A_547 = arith.constant 1.000000e+00 : f32
        %broadcast_in_dim3A_548 = vector.broadcast %jit3A_547 : f32 to vector<16xf32>
        %select_n3A_549 = arith.select %and3A_546, %add3A_541, %broadcast_in_dim3A_548 : vector<16xi1>, vector<16xf32>
        %bitcast_convert_type3A_550 = tpu.bitcast %select_n3A_549 : vector<16xf32> -> vector<16xi32>
        %broadcast_in_dim3A_551 = arith.constant 1597463007 : i32
        %broadcast_in_dim3A_552 = vector.broadcast %broadcast_in_dim3A_551 : i32 to vector<16xi32>
        %shift_right_arithmetic3A_553 = arith.constant 1 : i32
        %shift_right_arithmetic3A_554 = vector.broadcast %shift_right_arithmetic3A_553 : i32 to vector<16xi32>
        %shift_right_arithmetic3A_555 = arith.shrsi %bitcast_convert_type3A_550, %shift_right_arithmetic3A_554 : vector<16xi32>
        %sub3A_556 = arith.subi %broadcast_in_dim3A_552, %shift_right_arithmetic3A_555 : vector<16xi32>
        %bitcast_convert_type3A_557 = tpu.bitcast %sub3A_556 : vector<16xi32> -> vector<16xf32>
        %mul3A_558 = arith.constant 5.000000e-01 : f32
        %mul3A_559 = vector.broadcast %mul3A_558 : f32 to vector<16xf32>
        %mul3A_560 = arith.mulf %mul3A_559, %select_n3A_549 : vector<16xf32>
        %mul3A_561 = arith.mulf %mul3A_560, %bitcast_convert_type3A_557 : vector<16xf32>
        %mul3A_562 = arith.mulf %mul3A_561, %bitcast_convert_type3A_557 : vector<16xf32>
        %sub3A_563 = arith.constant 1.500000e+00 : f32
        %sub3A_564 = vector.broadcast %sub3A_563 : f32 to vector<16xf32>
        %sub3A_565 = arith.subf %sub3A_564, %mul3A_562 : vector<16xf32>
        %mul3A_566 = arith.mulf %bitcast_convert_type3A_557, %sub3A_565 : vector<16xf32>
        %mul3A_567 = arith.mulf %mul3A_560, %mul3A_566 : vector<16xf32>
        %mul3A_568 = arith.mulf %mul3A_567, %mul3A_566 : vector<16xf32>
        %sub3A_569 = arith.constant 1.500000e+00 : f32
        %sub3A_570 = vector.broadcast %sub3A_569 : f32 to vector<16xf32>
        %sub3A_571 = arith.subf %sub3A_570, %mul3A_568 : vector<16xf32>
        %mul3A_572 = arith.mulf %mul3A_566, %sub3A_571 : vector<16xf32>
        %mul3A_573 = arith.mulf %mul3A_560, %mul3A_572 : vector<16xf32>
        %mul3A_574 = arith.mulf %mul3A_573, %mul3A_572 : vector<16xf32>
        %sub3A_575 = arith.constant 1.500000e+00 : f32
        %sub3A_576 = vector.broadcast %sub3A_575 : f32 to vector<16xf32>
        %sub3A_577 = arith.subf %sub3A_576, %mul3A_574 : vector<16xf32>
        %mul3A_578 = arith.mulf %mul3A_572, %sub3A_577 : vector<16xf32>
        %mul3A_579 = vector.broadcast %scan3A_52 : f32 to vector<16xf32>
        %mul3A_580 = arith.mulf %select_n3A_549, %mul3A_579 : vector<16xf32>
        %min3A_581 = arith.constant 0.999998986 : f32
        %min3A_582 = vector.broadcast %min3A_581 : f32 to vector<16xf32>
        %min3A_583 = arith.minimumf %mul3A_580, %min3A_582 : vector<16xf32>
        %sub3A_584 = arith.constant 1.000000e+00 : f32
        %sub3A_585 = vector.broadcast %sub3A_584 : f32 to vector<16xf32>
        %sub3A_586 = arith.subf %sub3A_585, %min3A_583 : vector<16xf32>
        %div3A_587 = arith.constant 1.000000e+00 : f32
        %div3A_588 = vector.broadcast %div3A_587 : f32 to vector<16xf32>
        %div3A_589 = arith.divf %div3A_588, %sub3A_586 : vector<16xf32>
        %sub3A_590 = arith.constant 1.000000e+00 : f32
        %sub3A_591 = vector.broadcast %sub3A_590 : f32 to vector<16xf32>
        %sub3A_592 = arith.subf %sub3A_591, %div3A_589 : vector<16xf32>
        %lt3A_593 = arith.constant 1.000000e+00 : f32
        %lt3A_594 = vector.broadcast %lt3A_593 : f32 to vector<16xf32>
        %lt3A_595 = arith.cmpf olt, %mul3A_580, %lt3A_594 : vector<16xf32>
        %exp3A_596 = math.exp %sub3A_592 : vector<16xf32>
        %jit3A_597 = arith.constant 0.000000e+00 : f32
        %broadcast_in_dim3A_598 = vector.broadcast %jit3A_597 : f32 to vector<16xf32>
        %select_n3A_599 = arith.select %lt3A_595, %exp3A_596, %broadcast_in_dim3A_598 : vector<16xi1>, vector<16xf32>
        %sub3A_600 = arith.constant 1.000000e+00 : f32
        %sub3A_601 = vector.broadcast %sub3A_600 : f32 to vector<16xf32>
        %sub3A_602 = arith.subf %sub3A_601, %select_n3A_599 : vector<16xf32>
        %mul3A_603 = arith.mulf %get3A_199, %gather3A_529 : vector<16xf32>
        %mul3A_604 = arith.mulf %sub3A_602, %mul3A_603 : vector<16xf32>
        %mul3A_605 = arith.mulf %mul3A_604, %mul3A_578 : vector<16xf32>
        %jit3A_606 = arith.constant 0.000000e+00 : f32
        %broadcast_in_dim3A_607 = vector.broadcast %jit3A_606 : f32 to vector<16xf32>
        %select_n3A_608 = arith.select %and3A_546, %mul3A_605, %broadcast_in_dim3A_607 : vector<16xi1>, vector<16xf32>
        %add3A_609 = arith.addf %add3A_516, %select_n3A_608 : vector<16xf32>
        scf.yield %add3A_609 : vector<16xf32>
      }
      %scan3A_209 = arith.constant 64 : i32
      %get3A_210 = arith.index_cast %add3A_191 : i32 to index
      %get3A_211 = tpu.vector_load %arg23[%get3A_210] {strides = array<i32>} : memref<3136xi32, #tpu.memory_space<vmem>>, vector<16xi32>,
      %mul3A_212 = arith.constant 256 : i32
      %mul3A_213 = vector.broadcast %mul3A_212 : i32 to vector<16xi32>
      %mul3A_214 = arith.muli %iota3A, %mul3A_213 : vector<16xi32>
      %add3A_215 = arith.addi %mul3A_214, %get3A_211 : vector<16xi32>
      tpu.vector_store_idx %arg24[%add3A_215], %scan3A_208 {add = true} : memref<4096xf32, #tpu.memory_space<vmem>>[vector<16xi32>], vector<16xf32>,
      %mul3A_216 = arith.constant 32 : i32
      %mul3A_217 = arith.muli %add3A_184, %mul3A_216 : i32
      %add3A_218 = arith.constant 16 : i32
      %add3A_219 = arith.addi %mul3A_217, %add3A_218 : i32
      %get3A_220 = arith.index_cast %add3A_219 : i32 to index
      %get3A_221 = tpu.vector_load %arg19[%get3A_220] {strides = array<i32>} : memref<3136xf32, #tpu.memory_space<vmem>>, vector<16xf32>,
      %get3A_222 = arith.index_cast %add3A_219 : i32 to index
      %get3A_223 = tpu.vector_load %arg20[%get3A_222] {strides = array<i32>} : memref<3136xf32, #tpu.memory_space<vmem>>, vector<16xf32>,
      %get3A_224 = arith.index_cast %add3A_219 : i32 to index
      %get3A_225 = tpu.vector_load %arg21[%get3A_224] {strides = array<i32>} : memref<3136xf32, #tpu.memory_space<vmem>>, vector<16xf32>,
      %get3A_226 = arith.index_cast %add3A_219 : i32 to index
      %get3A_227 = tpu.vector_load %arg22[%get3A_226] {strides = array<i32>} : memref<3136xf32, #tpu.memory_space<vmem>>, vector<16xf32>,
      %add3A_228 = arith.constant 16 : i32
      %add3A_229 = arith.addi %add3A_187, %add3A_228 : i32
      %add3A_230 = vector.broadcast %add3A_229 : i32 to vector<16xi32>
      %add3A_231 = arith.addi %iota3A, %add3A_230 : vector<16xi32>
      %scan3A_232 = arith.constant 0 : i32
      %scan3A_233 = arith.constant 64 : i32
      %scan3A_234 = arith.addi %scan3A_232, %scan3A_233 : i32
      %scan3A_235 = arith.constant 4 : i32
      %scan3A_236 = scf.for %scan3A_250 = %scan3A_232 to %scan3A_234 step %scan3A_235 iter_args(%scan3A_251 = %broadcast_in_dim3A_3) -> (vector<16xf32>)  : i32 {
        %mul3A_252 = arith.constant 64 : i32
        %mul3A_253 = vector.broadcast %mul3A_252 : i32 to vector<16xi32>
        %mul3A_254 = arith.muli %iota3A, %mul3A_253 : vector<16xi32>
        %add3A_255 = arith.constant 1024 : i32
        %add3A_256 = arith.addi %add3A_255, %scan3A_250 : i32
        %add3A_257 = vector.broadcast %add3A_256 : i32 to vector<16xi32>
        %add3A_258 = arith.addi %mul3A_254, %add3A_257 : vector<16xi32>
        %gather3A = tpu.vector_load_idx %arg15[%add3A_258] : memref<2048xf32, #tpu.memory_space<vmem>>[vector<16xi32>], vector<16xf32>,
        %gather3A_259 = tpu.vector_load_idx %arg16[%add3A_258] : memref<2048xf32, #tpu.memory_space<vmem>>[vector<16xi32>], vector<16xf32>,
        %gather3A_260 = tpu.vector_load_idx %arg17[%add3A_258] : memref<2048xf32, #tpu.memory_space<vmem>>[vector<16xi32>], vector<16xf32>,
        %gather3A_261 = tpu.vector_load_idx %arg18[%add3A_258] : memref<2048xf32, #tpu.memory_space<vmem>>[vector<16xi32>], vector<16xf32>,
        %gather3A_262 = tpu.vector_load_idx %arg10[%add3A_258] : memref<2048xi32, #tpu.memory_space<vmem>>[vector<16xi32>], vector<16xi32>,
        %sub3A = arith.subf %get3A_221, %gather3A : vector<16xf32>
        %sub3A_263 = arith.subf %get3A_223, %gather3A_259 : vector<16xf32>
        %sub3A_264 = arith.subf %get3A_225, %gather3A_260 : vector<16xf32>
        %mul3A_265 = arith.mulf %sub3A, %sub3A : vector<16xf32>
        %mul3A_266 = arith.mulf %sub3A_263, %sub3A_263 : vector<16xf32>
        %add3A_267 = arith.addf %mul3A_265, %mul3A_266 : vector<16xf32>
        %mul3A_268 = arith.mulf %sub3A_264, %sub3A_264 : vector<16xf32>
        %add3A_269 = arith.addf %add3A_267, %mul3A_268 : vector<16xf32>
        %add3A_270 = arith.constant 9.99999996E-13 : f32
        %add3A_271 = vector.broadcast %add3A_270 : f32 to vector<16xf32>
        %add3A_272 = arith.addf %add3A_269, %add3A_271 : vector<16xf32>
        %ne3A = arith.cmpi ne, %gather3A_262, %add3A_231 : vector<16xi32>
        %gt3A = arith.constant 9.99999997E-7 : f32
        %gt3A_273 = vector.broadcast %gt3A : f32 to vector<16xf32>
        %gt3A_274 = arith.cmpf ogt, %add3A_272, %gt3A_273 : vector<16xf32>
        %and3A = arith.andi %ne3A, %gt3A_274 : vector<16xi1>
        %jit3A = arith.constant 1.000000e+00 : f32
        %broadcast_in_dim3A_275 = vector.broadcast %jit3A : f32 to vector<16xf32>
        %select_n3A = arith.select %and3A, %add3A_272, %broadcast_in_dim3A_275 : vector<16xi1>, vector<16xf32>
        %bitcast_convert_type3A = tpu.bitcast %select_n3A : vector<16xf32> -> vector<16xi32>
        %broadcast_in_dim3A_276 = arith.constant 1597463007 : i32
        %broadcast_in_dim3A_277 = vector.broadcast %broadcast_in_dim3A_276 : i32 to vector<16xi32>
        %shift_right_arithmetic3A = arith.constant 1 : i32
        %shift_right_arithmetic3A_278 = vector.broadcast %shift_right_arithmetic3A : i32 to vector<16xi32>
        %shift_right_arithmetic3A_279 = arith.shrsi %bitcast_convert_type3A, %shift_right_arithmetic3A_278 : vector<16xi32>
        %sub3A_280 = arith.subi %broadcast_in_dim3A_277, %shift_right_arithmetic3A_279 : vector<16xi32>
        %bitcast_convert_type3A_281 = tpu.bitcast %sub3A_280 : vector<16xi32> -> vector<16xf32>
        %mul3A_282 = arith.constant 5.000000e-01 : f32
        %mul3A_283 = vector.broadcast %mul3A_282 : f32 to vector<16xf32>
        %mul3A_284 = arith.mulf %mul3A_283, %select_n3A : vector<16xf32>
        %mul3A_285 = arith.mulf %mul3A_284, %bitcast_convert_type3A_281 : vector<16xf32>
        %mul3A_286 = arith.mulf %mul3A_285, %bitcast_convert_type3A_281 : vector<16xf32>
        %sub3A_287 = arith.constant 1.500000e+00 : f32
        %sub3A_288 = vector.broadcast %sub3A_287 : f32 to vector<16xf32>
        %sub3A_289 = arith.subf %sub3A_288, %mul3A_286 : vector<16xf32>
        %mul3A_290 = arith.mulf %bitcast_convert_type3A_281, %sub3A_289 : vector<16xf32>
        %mul3A_291 = arith.mulf %mul3A_284, %mul3A_290 : vector<16xf32>
        %mul3A_292 = arith.mulf %mul3A_291, %mul3A_290 : vector<16xf32>
        %sub3A_293 = arith.constant 1.500000e+00 : f32
        %sub3A_294 = vector.broadcast %sub3A_293 : f32 to vector<16xf32>
        %sub3A_295 = arith.subf %sub3A_294, %mul3A_292 : vector<16xf32>
        %mul3A_296 = arith.mulf %mul3A_290, %sub3A_295 : vector<16xf32>
        %mul3A_297 = arith.mulf %mul3A_284, %mul3A_296 : vector<16xf32>
        %mul3A_298 = arith.mulf %mul3A_297, %mul3A_296 : vector<16xf32>
        %sub3A_299 = arith.constant 1.500000e+00 : f32
        %sub3A_300 = vector.broadcast %sub3A_299 : f32 to vector<16xf32>
        %sub3A_301 = arith.subf %sub3A_300, %mul3A_298 : vector<16xf32>
        %mul3A_302 = arith.mulf %mul3A_296, %sub3A_301 : vector<16xf32>
        %mul3A_303 = vector.broadcast %scan3A_52 : f32 to vector<16xf32>
        %mul3A_304 = arith.mulf %select_n3A, %mul3A_303 : vector<16xf32>
        %min3A = arith.constant 0.999998986 : f32
        %min3A_305 = vector.broadcast %min3A : f32 to vector<16xf32>
        %min3A_306 = arith.minimumf %mul3A_304, %min3A_305 : vector<16xf32>
        %sub3A_307 = arith.constant 1.000000e+00 : f32
        %sub3A_308 = vector.broadcast %sub3A_307 : f32 to vector<16xf32>
        %sub3A_309 = arith.subf %sub3A_308, %min3A_306 : vector<16xf32>
        %div3A = arith.constant 1.000000e+00 : f32
        %div3A_310 = vector.broadcast %div3A : f32 to vector<16xf32>
        %div3A_311 = arith.divf %div3A_310, %sub3A_309 : vector<16xf32>
        %sub3A_312 = arith.constant 1.000000e+00 : f32
        %sub3A_313 = vector.broadcast %sub3A_312 : f32 to vector<16xf32>
        %sub3A_314 = arith.subf %sub3A_313, %div3A_311 : vector<16xf32>
        %lt3A_315 = arith.constant 1.000000e+00 : f32
        %lt3A_316 = vector.broadcast %lt3A_315 : f32 to vector<16xf32>
        %lt3A_317 = arith.cmpf olt, %mul3A_304, %lt3A_316 : vector<16xf32>
        %exp3A = math.exp %sub3A_314 : vector<16xf32>
        %jit3A_318 = arith.constant 0.000000e+00 : f32
        %broadcast_in_dim3A_319 = vector.broadcast %jit3A_318 : f32 to vector<16xf32>
        %select_n3A_320 = arith.select %lt3A_317, %exp3A, %broadcast_in_dim3A_319 : vector<16xi1>, vector<16xf32>
        %sub3A_321 = arith.constant 1.000000e+00 : f32
        %sub3A_322 = vector.broadcast %sub3A_321 : f32 to vector<16xf32>
        %sub3A_323 = arith.subf %sub3A_322, %select_n3A_320 : vector<16xf32>
        %mul3A_324 = arith.mulf %get3A_227, %gather3A_261 : vector<16xf32>
        %mul3A_325 = arith.mulf %sub3A_323, %mul3A_324 : vector<16xf32>
        %mul3A_326 = arith.mulf %mul3A_325, %mul3A_302 : vector<16xf32>
        %jit3A_327 = arith.constant 0.000000e+00 : f32
        %broadcast_in_dim3A_328 = vector.broadcast %jit3A_327 : f32 to vector<16xf32>
        %select_n3A_329 = arith.select %and3A, %mul3A_326, %broadcast_in_dim3A_328 : vector<16xi1>, vector<16xf32>
        %add3A_330 = arith.addf %scan3A_251, %select_n3A_329 : vector<16xf32>
        %scan3A_331 = arith.constant 1 : i32
        %scan3A_332 = arith.addi %scan3A_250, %scan3A_331 : i32
        %mul3A_333 = arith.constant 64 : i32
        %mul3A_334 = vector.broadcast %mul3A_333 : i32 to vector<16xi32>
        %mul3A_335 = arith.muli %iota3A, %mul3A_334 : vector<16xi32>
        %add3A_336 = arith.constant 1024 : i32
        %add3A_337 = arith.addi %add3A_336, %scan3A_332 : i32
        %add3A_338 = vector.broadcast %add3A_337 : i32 to vector<16xi32>
        %add3A_339 = arith.addi %mul3A_335, %add3A_338 : vector<16xi32>
        %gather3A_340 = tpu.vector_load_idx %arg15[%add3A_339] : memref<2048xf32, #tpu.memory_space<vmem>>[vector<16xi32>], vector<16xf32>,
        %gather3A_341 = tpu.vector_load_idx %arg16[%add3A_339] : memref<2048xf32, #tpu.memory_space<vmem>>[vector<16xi32>], vector<16xf32>,
        %gather3A_342 = tpu.vector_load_idx %arg17[%add3A_339] : memref<2048xf32, #tpu.memory_space<vmem>>[vector<16xi32>], vector<16xf32>,
        %gather3A_343 = tpu.vector_load_idx %arg18[%add3A_339] : memref<2048xf32, #tpu.memory_space<vmem>>[vector<16xi32>], vector<16xf32>,
        %gather3A_344 = tpu.vector_load_idx %arg10[%add3A_339] : memref<2048xi32, #tpu.memory_space<vmem>>[vector<16xi32>], vector<16xi32>,
        %sub3A_345 = arith.subf %get3A_221, %gather3A_340 : vector<16xf32>
        %sub3A_346 = arith.subf %get3A_223, %gather3A_341 : vector<16xf32>
        %sub3A_347 = arith.subf %get3A_225, %gather3A_342 : vector<16xf32>
        %mul3A_348 = arith.mulf %sub3A_345, %sub3A_345 : vector<16xf32>
        %mul3A_349 = arith.mulf %sub3A_346, %sub3A_346 : vector<16xf32>
        %add3A_350 = arith.addf %mul3A_348, %mul3A_349 : vector<16xf32>
        %mul3A_351 = arith.mulf %sub3A_347, %sub3A_347 : vector<16xf32>
        %add3A_352 = arith.addf %add3A_350, %mul3A_351 : vector<16xf32>
        %add3A_353 = arith.constant 9.99999996E-13 : f32
        %add3A_354 = vector.broadcast %add3A_353 : f32 to vector<16xf32>
        %add3A_355 = arith.addf %add3A_352, %add3A_354 : vector<16xf32>
        %ne3A_356 = arith.cmpi ne, %gather3A_344, %add3A_231 : vector<16xi32>
        %gt3A_357 = arith.constant 9.99999997E-7 : f32
        %gt3A_358 = vector.broadcast %gt3A_357 : f32 to vector<16xf32>
        %gt3A_359 = arith.cmpf ogt, %add3A_355, %gt3A_358 : vector<16xf32>
        %and3A_360 = arith.andi %ne3A_356, %gt3A_359 : vector<16xi1>
        %jit3A_361 = arith.constant 1.000000e+00 : f32
        %broadcast_in_dim3A_362 = vector.broadcast %jit3A_361 : f32 to vector<16xf32>
        %select_n3A_363 = arith.select %and3A_360, %add3A_355, %broadcast_in_dim3A_362 : vector<16xi1>, vector<16xf32>
        %bitcast_convert_type3A_364 = tpu.bitcast %select_n3A_363 : vector<16xf32> -> vector<16xi32>
        %broadcast_in_dim3A_365 = arith.constant 1597463007 : i32
        %broadcast_in_dim3A_366 = vector.broadcast %broadcast_in_dim3A_365 : i32 to vector<16xi32>
        %shift_right_arithmetic3A_367 = arith.constant 1 : i32
        %shift_right_arithmetic3A_368 = vector.broadcast %shift_right_arithmetic3A_367 : i32 to vector<16xi32>
        %shift_right_arithmetic3A_369 = arith.shrsi %bitcast_convert_type3A_364, %shift_right_arithmetic3A_368 : vector<16xi32>
        %sub3A_370 = arith.subi %broadcast_in_dim3A_366, %shift_right_arithmetic3A_369 : vector<16xi32>
        %bitcast_convert_type3A_371 = tpu.bitcast %sub3A_370 : vector<16xi32> -> vector<16xf32>
        %mul3A_372 = arith.constant 5.000000e-01 : f32
        %mul3A_373 = vector.broadcast %mul3A_372 : f32 to vector<16xf32>
        %mul3A_374 = arith.mulf %mul3A_373, %select_n3A_363 : vector<16xf32>
        %mul3A_375 = arith.mulf %mul3A_374, %bitcast_convert_type3A_371 : vector<16xf32>
        %mul3A_376 = arith.mulf %mul3A_375, %bitcast_convert_type3A_371 : vector<16xf32>
        %sub3A_377 = arith.constant 1.500000e+00 : f32
        %sub3A_378 = vector.broadcast %sub3A_377 : f32 to vector<16xf32>
        %sub3A_379 = arith.subf %sub3A_378, %mul3A_376 : vector<16xf32>
        %mul3A_380 = arith.mulf %bitcast_convert_type3A_371, %sub3A_379 : vector<16xf32>
        %mul3A_381 = arith.mulf %mul3A_374, %mul3A_380 : vector<16xf32>
        %mul3A_382 = arith.mulf %mul3A_381, %mul3A_380 : vector<16xf32>
        %sub3A_383 = arith.constant 1.500000e+00 : f32
        %sub3A_384 = vector.broadcast %sub3A_383 : f32 to vector<16xf32>
        %sub3A_385 = arith.subf %sub3A_384, %mul3A_382 : vector<16xf32>
        %mul3A_386 = arith.mulf %mul3A_380, %sub3A_385 : vector<16xf32>
        %mul3A_387 = arith.mulf %mul3A_374, %mul3A_386 : vector<16xf32>
        %mul3A_388 = arith.mulf %mul3A_387, %mul3A_386 : vector<16xf32>
        %sub3A_389 = arith.constant 1.500000e+00 : f32
        %sub3A_390 = vector.broadcast %sub3A_389 : f32 to vector<16xf32>
        %sub3A_391 = arith.subf %sub3A_390, %mul3A_388 : vector<16xf32>
        %mul3A_392 = arith.mulf %mul3A_386, %sub3A_391 : vector<16xf32>
        %mul3A_393 = vector.broadcast %scan3A_52 : f32 to vector<16xf32>
        %mul3A_394 = arith.mulf %select_n3A_363, %mul3A_393 : vector<16xf32>
        %min3A_395 = arith.constant 0.999998986 : f32
        %min3A_396 = vector.broadcast %min3A_395 : f32 to vector<16xf32>
        %min3A_397 = arith.minimumf %mul3A_394, %min3A_396 : vector<16xf32>
        %sub3A_398 = arith.constant 1.000000e+00 : f32
        %sub3A_399 = vector.broadcast %sub3A_398 : f32 to vector<16xf32>
        %sub3A_400 = arith.subf %sub3A_399, %min3A_397 : vector<16xf32>
        %div3A_401 = arith.constant 1.000000e+00 : f32
        %div3A_402 = vector.broadcast %div3A_401 : f32 to vector<16xf32>
        %div3A_403 = arith.divf %div3A_402, %sub3A_400 : vector<16xf32>
        %sub3A_404 = arith.constant 1.000000e+00 : f32
        %sub3A_405 = vector.broadcast %sub3A_404 : f32 to vector<16xf32>
        %sub3A_406 = arith.subf %sub3A_405, %div3A_403 : vector<16xf32>
        %lt3A_407 = arith.constant 1.000000e+00 : f32
        %lt3A_408 = vector.broadcast %lt3A_407 : f32 to vector<16xf32>
        %lt3A_409 = arith.cmpf olt, %mul3A_394, %lt3A_408 : vector<16xf32>
        %exp3A_410 = math.exp %sub3A_406 : vector<16xf32>
        %jit3A_411 = arith.constant 0.000000e+00 : f32
        %broadcast_in_dim3A_412 = vector.broadcast %jit3A_411 : f32 to vector<16xf32>
        %select_n3A_413 = arith.select %lt3A_409, %exp3A_410, %broadcast_in_dim3A_412 : vector<16xi1>, vector<16xf32>
        %sub3A_414 = arith.constant 1.000000e+00 : f32
        %sub3A_415 = vector.broadcast %sub3A_414 : f32 to vector<16xf32>
        %sub3A_416 = arith.subf %sub3A_415, %select_n3A_413 : vector<16xf32>
        %mul3A_417 = arith.mulf %get3A_227, %gather3A_343 : vector<16xf32>
        %mul3A_418 = arith.mulf %sub3A_416, %mul3A_417 : vector<16xf32>
        %mul3A_419 = arith.mulf %mul3A_418, %mul3A_392 : vector<16xf32>
        %jit3A_420 = arith.constant 0.000000e+00 : f32
        %broadcast_in_dim3A_421 = vector.broadcast %jit3A_420 : f32 to vector<16xf32>
        %select_n3A_422 = arith.select %and3A_360, %mul3A_419, %broadcast_in_dim3A_421 : vector<16xi1>, vector<16xf32>
        %add3A_423 = arith.addf %add3A_330, %select_n3A_422 : vector<16xf32>
        %scan3A_424 = arith.constant 2 : i32
        %scan3A_425 = arith.addi %scan3A_250, %scan3A_424 : i32
        %mul3A_426 = arith.constant 64 : i32
        %mul3A_427 = vector.broadcast %mul3A_426 : i32 to vector<16xi32>
        %mul3A_428 = arith.muli %iota3A, %mul3A_427 : vector<16xi32>
        %add3A_429 = arith.constant 1024 : i32
        %add3A_430 = arith.addi %add3A_429, %scan3A_425 : i32
        %add3A_431 = vector.broadcast %add3A_430 : i32 to vector<16xi32>
        %add3A_432 = arith.addi %mul3A_428, %add3A_431 : vector<16xi32>
        %gather3A_433 = tpu.vector_load_idx %arg15[%add3A_432] : memref<2048xf32, #tpu.memory_space<vmem>>[vector<16xi32>], vector<16xf32>,
        %gather3A_434 = tpu.vector_load_idx %arg16[%add3A_432] : memref<2048xf32, #tpu.memory_space<vmem>>[vector<16xi32>], vector<16xf32>,
        %gather3A_435 = tpu.vector_load_idx %arg17[%add3A_432] : memref<2048xf32, #tpu.memory_space<vmem>>[vector<16xi32>], vector<16xf32>,
        %gather3A_436 = tpu.vector_load_idx %arg18[%add3A_432] : memref<2048xf32, #tpu.memory_space<vmem>>[vector<16xi32>], vector<16xf32>,
        %gather3A_437 = tpu.vector_load_idx %arg10[%add3A_432] : memref<2048xi32, #tpu.memory_space<vmem>>[vector<16xi32>], vector<16xi32>,
        %sub3A_438 = arith.subf %get3A_221, %gather3A_433 : vector<16xf32>
        %sub3A_439 = arith.subf %get3A_223, %gather3A_434 : vector<16xf32>
        %sub3A_440 = arith.subf %get3A_225, %gather3A_435 : vector<16xf32>
        %mul3A_441 = arith.mulf %sub3A_438, %sub3A_438 : vector<16xf32>
        %mul3A_442 = arith.mulf %sub3A_439, %sub3A_439 : vector<16xf32>
        %add3A_443 = arith.addf %mul3A_441, %mul3A_442 : vector<16xf32>
        %mul3A_444 = arith.mulf %sub3A_440, %sub3A_440 : vector<16xf32>
        %add3A_445 = arith.addf %add3A_443, %mul3A_444 : vector<16xf32>
        %add3A_446 = arith.constant 9.99999996E-13 : f32
        %add3A_447 = vector.broadcast %add3A_446 : f32 to vector<16xf32>
        %add3A_448 = arith.addf %add3A_445, %add3A_447 : vector<16xf32>
        %ne3A_449 = arith.cmpi ne, %gather3A_437, %add3A_231 : vector<16xi32>
        %gt3A_450 = arith.constant 9.99999997E-7 : f32
        %gt3A_451 = vector.broadcast %gt3A_450 : f32 to vector<16xf32>
        %gt3A_452 = arith.cmpf ogt, %add3A_448, %gt3A_451 : vector<16xf32>
        %and3A_453 = arith.andi %ne3A_449, %gt3A_452 : vector<16xi1>
        %jit3A_454 = arith.constant 1.000000e+00 : f32
        %broadcast_in_dim3A_455 = vector.broadcast %jit3A_454 : f32 to vector<16xf32>
        %select_n3A_456 = arith.select %and3A_453, %add3A_448, %broadcast_in_dim3A_455 : vector<16xi1>, vector<16xf32>
        %bitcast_convert_type3A_457 = tpu.bitcast %select_n3A_456 : vector<16xf32> -> vector<16xi32>
        %broadcast_in_dim3A_458 = arith.constant 1597463007 : i32
        %broadcast_in_dim3A_459 = vector.broadcast %broadcast_in_dim3A_458 : i32 to vector<16xi32>
        %shift_right_arithmetic3A_460 = arith.constant 1 : i32
        %shift_right_arithmetic3A_461 = vector.broadcast %shift_right_arithmetic3A_460 : i32 to vector<16xi32>
        %shift_right_arithmetic3A_462 = arith.shrsi %bitcast_convert_type3A_457, %shift_right_arithmetic3A_461 : vector<16xi32>
        %sub3A_463 = arith.subi %broadcast_in_dim3A_459, %shift_right_arithmetic3A_462 : vector<16xi32>
        %bitcast_convert_type3A_464 = tpu.bitcast %sub3A_463 : vector<16xi32> -> vector<16xf32>
        %mul3A_465 = arith.constant 5.000000e-01 : f32
        %mul3A_466 = vector.broadcast %mul3A_465 : f32 to vector<16xf32>
        %mul3A_467 = arith.mulf %mul3A_466, %select_n3A_456 : vector<16xf32>
        %mul3A_468 = arith.mulf %mul3A_467, %bitcast_convert_type3A_464 : vector<16xf32>
        %mul3A_469 = arith.mulf %mul3A_468, %bitcast_convert_type3A_464 : vector<16xf32>
        %sub3A_470 = arith.constant 1.500000e+00 : f32
        %sub3A_471 = vector.broadcast %sub3A_470 : f32 to vector<16xf32>
        %sub3A_472 = arith.subf %sub3A_471, %mul3A_469 : vector<16xf32>
        %mul3A_473 = arith.mulf %bitcast_convert_type3A_464, %sub3A_472 : vector<16xf32>
        %mul3A_474 = arith.mulf %mul3A_467, %mul3A_473 : vector<16xf32>
        %mul3A_475 = arith.mulf %mul3A_474, %mul3A_473 : vector<16xf32>
        %sub3A_476 = arith.constant 1.500000e+00 : f32
        %sub3A_477 = vector.broadcast %sub3A_476 : f32 to vector<16xf32>
        %sub3A_478 = arith.subf %sub3A_477, %mul3A_475 : vector<16xf32>
        %mul3A_479 = arith.mulf %mul3A_473, %sub3A_478 : vector<16xf32>
        %mul3A_480 = arith.mulf %mul3A_467, %mul3A_479 : vector<16xf32>
        %mul3A_481 = arith.mulf %mul3A_480, %mul3A_479 : vector<16xf32>
        %sub3A_482 = arith.constant 1.500000e+00 : f32
        %sub3A_483 = vector.broadcast %sub3A_482 : f32 to vector<16xf32>
        %sub3A_484 = arith.subf %sub3A_483, %mul3A_481 : vector<16xf32>
        %mul3A_485 = arith.mulf %mul3A_479, %sub3A_484 : vector<16xf32>
        %mul3A_486 = vector.broadcast %scan3A_52 : f32 to vector<16xf32>
        %mul3A_487 = arith.mulf %select_n3A_456, %mul3A_486 : vector<16xf32>
        %min3A_488 = arith.constant 0.999998986 : f32
        %min3A_489 = vector.broadcast %min3A_488 : f32 to vector<16xf32>
        %min3A_490 = arith.minimumf %mul3A_487, %min3A_489 : vector<16xf32>
        %sub3A_491 = arith.constant 1.000000e+00 : f32
        %sub3A_492 = vector.broadcast %sub3A_491 : f32 to vector<16xf32>
        %sub3A_493 = arith.subf %sub3A_492, %min3A_490 : vector<16xf32>
        %div3A_494 = arith.constant 1.000000e+00 : f32
        %div3A_495 = vector.broadcast %div3A_494 : f32 to vector<16xf32>
        %div3A_496 = arith.divf %div3A_495, %sub3A_493 : vector<16xf32>
        %sub3A_497 = arith.constant 1.000000e+00 : f32
        %sub3A_498 = vector.broadcast %sub3A_497 : f32 to vector<16xf32>
        %sub3A_499 = arith.subf %sub3A_498, %div3A_496 : vector<16xf32>
        %lt3A_500 = arith.constant 1.000000e+00 : f32
        %lt3A_501 = vector.broadcast %lt3A_500 : f32 to vector<16xf32>
        %lt3A_502 = arith.cmpf olt, %mul3A_487, %lt3A_501 : vector<16xf32>
        %exp3A_503 = math.exp %sub3A_499 : vector<16xf32>
        %jit3A_504 = arith.constant 0.000000e+00 : f32
        %broadcast_in_dim3A_505 = vector.broadcast %jit3A_504 : f32 to vector<16xf32>
        %select_n3A_506 = arith.select %lt3A_502, %exp3A_503, %broadcast_in_dim3A_505 : vector<16xi1>, vector<16xf32>
        %sub3A_507 = arith.constant 1.000000e+00 : f32
        %sub3A_508 = vector.broadcast %sub3A_507 : f32 to vector<16xf32>
        %sub3A_509 = arith.subf %sub3A_508, %select_n3A_506 : vector<16xf32>
        %mul3A_510 = arith.mulf %get3A_227, %gather3A_436 : vector<16xf32>
        %mul3A_511 = arith.mulf %sub3A_509, %mul3A_510 : vector<16xf32>
        %mul3A_512 = arith.mulf %mul3A_511, %mul3A_485 : vector<16xf32>
        %jit3A_513 = arith.constant 0.000000e+00 : f32
        %broadcast_in_dim3A_514 = vector.broadcast %jit3A_513 : f32 to vector<16xf32>
        %select_n3A_515 = arith.select %and3A_453, %mul3A_512, %broadcast_in_dim3A_514 : vector<16xi1>, vector<16xf32>
        %add3A_516 = arith.addf %add3A_423, %select_n3A_515 : vector<16xf32>
        %scan3A_517 = arith.constant 3 : i32
        %scan3A_518 = arith.addi %scan3A_250, %scan3A_517 : i32
        %mul3A_519 = arith.constant 64 : i32
        %mul3A_520 = vector.broadcast %mul3A_519 : i32 to vector<16xi32>
        %mul3A_521 = arith.muli %iota3A, %mul3A_520 : vector<16xi32>
        %add3A_522 = arith.constant 1024 : i32
        %add3A_523 = arith.addi %add3A_522, %scan3A_518 : i32
        %add3A_524 = vector.broadcast %add3A_523 : i32 to vector<16xi32>
        %add3A_525 = arith.addi %mul3A_521, %add3A_524 : vector<16xi32>
        %gather3A_526 = tpu.vector_load_idx %arg15[%add3A_525] : memref<2048xf32, #tpu.memory_space<vmem>>[vector<16xi32>], vector<16xf32>,
        %gather3A_527 = tpu.vector_load_idx %arg16[%add3A_525] : memref<2048xf32, #tpu.memory_space<vmem>>[vector<16xi32>], vector<16xf32>,
        %gather3A_528 = tpu.vector_load_idx %arg17[%add3A_525] : memref<2048xf32, #tpu.memory_space<vmem>>[vector<16xi32>], vector<16xf32>,
        %gather3A_529 = tpu.vector_load_idx %arg18[%add3A_525] : memref<2048xf32, #tpu.memory_space<vmem>>[vector<16xi32>], vector<16xf32>,
        %gather3A_530 = tpu.vector_load_idx %arg10[%add3A_525] : memref<2048xi32, #tpu.memory_space<vmem>>[vector<16xi32>], vector<16xi32>,
        %sub3A_531 = arith.subf %get3A_221, %gather3A_526 : vector<16xf32>
        %sub3A_532 = arith.subf %get3A_223, %gather3A_527 : vector<16xf32>
        %sub3A_533 = arith.subf %get3A_225, %gather3A_528 : vector<16xf32>
        %mul3A_534 = arith.mulf %sub3A_531, %sub3A_531 : vector<16xf32>
        %mul3A_535 = arith.mulf %sub3A_532, %sub3A_532 : vector<16xf32>
        %add3A_536 = arith.addf %mul3A_534, %mul3A_535 : vector<16xf32>
        %mul3A_537 = arith.mulf %sub3A_533, %sub3A_533 : vector<16xf32>
        %add3A_538 = arith.addf %add3A_536, %mul3A_537 : vector<16xf32>
        %add3A_539 = arith.constant 9.99999996E-13 : f32
        %add3A_540 = vector.broadcast %add3A_539 : f32 to vector<16xf32>
        %add3A_541 = arith.addf %add3A_538, %add3A_540 : vector<16xf32>
        %ne3A_542 = arith.cmpi ne, %gather3A_530, %add3A_231 : vector<16xi32>
        %gt3A_543 = arith.constant 9.99999997E-7 : f32
        %gt3A_544 = vector.broadcast %gt3A_543 : f32 to vector<16xf32>
        %gt3A_545 = arith.cmpf ogt, %add3A_541, %gt3A_544 : vector<16xf32>
        %and3A_546 = arith.andi %ne3A_542, %gt3A_545 : vector<16xi1>
        %jit3A_547 = arith.constant 1.000000e+00 : f32
        %broadcast_in_dim3A_548 = vector.broadcast %jit3A_547 : f32 to vector<16xf32>
        %select_n3A_549 = arith.select %and3A_546, %add3A_541, %broadcast_in_dim3A_548 : vector<16xi1>, vector<16xf32>
        %bitcast_convert_type3A_550 = tpu.bitcast %select_n3A_549 : vector<16xf32> -> vector<16xi32>
        %broadcast_in_dim3A_551 = arith.constant 1597463007 : i32
        %broadcast_in_dim3A_552 = vector.broadcast %broadcast_in_dim3A_551 : i32 to vector<16xi32>
        %shift_right_arithmetic3A_553 = arith.constant 1 : i32
        %shift_right_arithmetic3A_554 = vector.broadcast %shift_right_arithmetic3A_553 : i32 to vector<16xi32>
        %shift_right_arithmetic3A_555 = arith.shrsi %bitcast_convert_type3A_550, %shift_right_arithmetic3A_554 : vector<16xi32>
        %sub3A_556 = arith.subi %broadcast_in_dim3A_552, %shift_right_arithmetic3A_555 : vector<16xi32>
        %bitcast_convert_type3A_557 = tpu.bitcast %sub3A_556 : vector<16xi32> -> vector<16xf32>
        %mul3A_558 = arith.constant 5.000000e-01 : f32
        %mul3A_559 = vector.broadcast %mul3A_558 : f32 to vector<16xf32>
        %mul3A_560 = arith.mulf %mul3A_559, %select_n3A_549 : vector<16xf32>
        %mul3A_561 = arith.mulf %mul3A_560, %bitcast_convert_type3A_557 : vector<16xf32>
        %mul3A_562 = arith.mulf %mul3A_561, %bitcast_convert_type3A_557 : vector<16xf32>
        %sub3A_563 = arith.constant 1.500000e+00 : f32
        %sub3A_564 = vector.broadcast %sub3A_563 : f32 to vector<16xf32>
        %sub3A_565 = arith.subf %sub3A_564, %mul3A_562 : vector<16xf32>
        %mul3A_566 = arith.mulf %bitcast_convert_type3A_557, %sub3A_565 : vector<16xf32>
        %mul3A_567 = arith.mulf %mul3A_560, %mul3A_566 : vector<16xf32>
        %mul3A_568 = arith.mulf %mul3A_567, %mul3A_566 : vector<16xf32>
        %sub3A_569 = arith.constant 1.500000e+00 : f32
        %sub3A_570 = vector.broadcast %sub3A_569 : f32 to vector<16xf32>
        %sub3A_571 = arith.subf %sub3A_570, %mul3A_568 : vector<16xf32>
        %mul3A_572 = arith.mulf %mul3A_566, %sub3A_571 : vector<16xf32>
        %mul3A_573 = arith.mulf %mul3A_560, %mul3A_572 : vector<16xf32>
        %mul3A_574 = arith.mulf %mul3A_573, %mul3A_572 : vector<16xf32>
        %sub3A_575 = arith.constant 1.500000e+00 : f32
        %sub3A_576 = vector.broadcast %sub3A_575 : f32 to vector<16xf32>
        %sub3A_577 = arith.subf %sub3A_576, %mul3A_574 : vector<16xf32>
        %mul3A_578 = arith.mulf %mul3A_572, %sub3A_577 : vector<16xf32>
        %mul3A_579 = vector.broadcast %scan3A_52 : f32 to vector<16xf32>
        %mul3A_580 = arith.mulf %select_n3A_549, %mul3A_579 : vector<16xf32>
        %min3A_581 = arith.constant 0.999998986 : f32
        %min3A_582 = vector.broadcast %min3A_581 : f32 to vector<16xf32>
        %min3A_583 = arith.minimumf %mul3A_580, %min3A_582 : vector<16xf32>
        %sub3A_584 = arith.constant 1.000000e+00 : f32
        %sub3A_585 = vector.broadcast %sub3A_584 : f32 to vector<16xf32>
        %sub3A_586 = arith.subf %sub3A_585, %min3A_583 : vector<16xf32>
        %div3A_587 = arith.constant 1.000000e+00 : f32
        %div3A_588 = vector.broadcast %div3A_587 : f32 to vector<16xf32>
        %div3A_589 = arith.divf %div3A_588, %sub3A_586 : vector<16xf32>
        %sub3A_590 = arith.constant 1.000000e+00 : f32
        %sub3A_591 = vector.broadcast %sub3A_590 : f32 to vector<16xf32>
        %sub3A_592 = arith.subf %sub3A_591, %div3A_589 : vector<16xf32>
        %lt3A_593 = arith.constant 1.000000e+00 : f32
        %lt3A_594 = vector.broadcast %lt3A_593 : f32 to vector<16xf32>
        %lt3A_595 = arith.cmpf olt, %mul3A_580, %lt3A_594 : vector<16xf32>
        %exp3A_596 = math.exp %sub3A_592 : vector<16xf32>
        %jit3A_597 = arith.constant 0.000000e+00 : f32
        %broadcast_in_dim3A_598 = vector.broadcast %jit3A_597 : f32 to vector<16xf32>
        %select_n3A_599 = arith.select %lt3A_595, %exp3A_596, %broadcast_in_dim3A_598 : vector<16xi1>, vector<16xf32>
        %sub3A_600 = arith.constant 1.000000e+00 : f32
        %sub3A_601 = vector.broadcast %sub3A_600 : f32 to vector<16xf32>
        %sub3A_602 = arith.subf %sub3A_601, %select_n3A_599 : vector<16xf32>
        %mul3A_603 = arith.mulf %get3A_227, %gather3A_529 : vector<16xf32>
        %mul3A_604 = arith.mulf %sub3A_602, %mul3A_603 : vector<16xf32>
        %mul3A_605 = arith.mulf %mul3A_604, %mul3A_578 : vector<16xf32>
        %jit3A_606 = arith.constant 0.000000e+00 : f32
        %broadcast_in_dim3A_607 = vector.broadcast %jit3A_606 : f32 to vector<16xf32>
        %select_n3A_608 = arith.select %and3A_546, %mul3A_605, %broadcast_in_dim3A_607 : vector<16xi1>, vector<16xf32>
        %add3A_609 = arith.addf %add3A_516, %select_n3A_608 : vector<16xf32>
        scf.yield %add3A_609 : vector<16xf32>
      }
      %scan3A_237 = arith.constant 64 : i32
      %get3A_238 = arith.index_cast %add3A_219 : i32 to index
      %get3A_239 = tpu.vector_load %arg23[%get3A_238] {strides = array<i32>} : memref<3136xi32, #tpu.memory_space<vmem>>, vector<16xi32>,
      %mul3A_240 = arith.constant 256 : i32
      %mul3A_241 = vector.broadcast %mul3A_240 : i32 to vector<16xi32>
      %mul3A_242 = arith.muli %iota3A, %mul3A_241 : vector<16xi32>
      %add3A_243 = arith.addi %mul3A_242, %get3A_239 : vector<16xi32>
      tpu.vector_store_idx %arg24[%add3A_243], %scan3A_236 {add = true} : memref<4096xf32, #tpu.memory_space<vmem>>[vector<16xi32>], vector<16xf32>,
      %lt3A_244 = arith.constant 48 : i32
      %lt3A_245 = arith.cmpi slt, %scan3A_68, %lt3A_244 : i32
      %convert_element_type3A_246 = arith.extui %lt3A_245 : i1 to i32
      %cond3A_247 = arith.constant 0 : i32
      %cond3A_248 = arith.cmpi ne, %convert_element_type3A_246, %cond3A_247 : i32
      scf.if %cond3A_248 {
        %add3A_250 = arith.constant 3 : i32
        %add3A_251 = arith.addi %mul3A_71, %add3A_250 : i32
        %mul3A_252 = arith.constant 32 : i32
        %mul3A_253 = arith.muli %add3A_251, %mul3A_252 : i32
        %add3A_254 = arith.addi %mul3A_2, %mul3A_253 : i32
        %mul3A_255 = arith.constant 64 : i32
        %mul3A_256 = arith.muli %add3A_254, %mul3A_255 : i32
        %dma_start3A_257 = tpu.memref_slice %arg6[%mul3A_256] : memref<6422528xi32, #tpu.memory_space<hbm>> -> memref<2048xi32, #tpu.memory_space<hbm>>
        %dma_start3A_258 = tpu.memref_slice %arg6[%mul3A_256] : memref<6422528xi32, #tpu.memory_space<hbm>> -> memref<2048xi32, #tpu.memory_space<hbm>>
        tpu.enqueue_dma source(%dma_start3A_258 : memref<2048xi32, #tpu.memory_space<hbm>>) target(%arg10 : memref<2048xi32, #tpu.memory_space<vmem>>) target_semaphore(%arg29 : memref<!tpu.dma_semaphore, #tpu.memory_space<semaphore_mem>>)
      } else {
      }
      %scan3A_249 = arith.constant 0 : i32
      scf.yield %scan3A_249 : i32
    }
    %scan3A_59 = arith.constant 49 : i32
    %scan3A_60 = arith.constant 7.1998229 : f32
    %scan3A_61 = arith.constant 0 : i32
    %scan3A_62 = arith.constant 0 : i32
    %scan3A_63 = arith.constant 16 : i32
    %scan3A_64 = arith.addi %scan3A_62, %scan3A_63 : i32
    %scan3A_65 = arith.constant 1 : i32
    %scan3A_66 = scf.for %scan3A_68 = %scan3A_62 to %scan3A_64 step %scan3A_65 iter_args(%scan3A_69 = %scan3A_61) -> (i32)  : i32 {
      %scan3A_70 = arith.constant 0 : i32
      %scan3A_71 = arith.constant 16 : i32
      %scan3A_72 = arith.addi %scan3A_70, %scan3A_71 : i32
      %scan3A_73 = arith.constant 4 : i32
      %scan3A_74 = scf.for %scan3A_82 = %scan3A_70 to %scan3A_72 step %scan3A_73 iter_args(%scan3A_83 = %broadcast_in_dim3A_3) -> (vector<16xf32>)  : i32 {
        %mul3A_84 = arith.constant 256 : i32
        %mul3A_85 = arith.muli %scan3A_82, %mul3A_84 : i32
        %mul3A_86 = arith.constant 16 : i32
        %mul3A_87 = arith.muli %scan3A_68, %mul3A_86 : i32
        %add3A_88 = arith.addi %mul3A_85, %mul3A_87 : i32
        %get3A = arith.index_cast %add3A_88 : i32 to index
        %get3A_89 = tpu.vector_load %arg24[%get3A] {strides = array<i32>} : memref<4096xf32, #tpu.memory_space<vmem>>, vector<16xf32>,
        %add3A_90 = arith.addf %scan3A_83, %get3A_89 : vector<16xf32>
        %scan3A_91 = arith.constant 1 : i32
        %scan3A_92 = arith.addi %scan3A_82, %scan3A_91 : i32
        %mul3A_93 = arith.constant 256 : i32
        %mul3A_94 = arith.muli %scan3A_92, %mul3A_93 : i32
        %mul3A_95 = arith.constant 16 : i32
        %mul3A_96 = arith.muli %scan3A_68, %mul3A_95 : i32
        %add3A_97 = arith.addi %mul3A_94, %mul3A_96 : i32
        %get3A_98 = arith.index_cast %add3A_97 : i32 to index
        %get3A_99 = tpu.vector_load %arg24[%get3A_98] {strides = array<i32>} : memref<4096xf32, #tpu.memory_space<vmem>>, vector<16xf32>,
        %add3A_100 = arith.addf %add3A_90, %get3A_99 : vector<16xf32>
        %scan3A_101 = arith.constant 2 : i32
        %scan3A_102 = arith.addi %scan3A_82, %scan3A_101 : i32
        %mul3A_103 = arith.constant 256 : i32
        %mul3A_104 = arith.muli %scan3A_102, %mul3A_103 : i32
        %mul3A_105 = arith.constant 16 : i32
        %mul3A_106 = arith.muli %scan3A_68, %mul3A_105 : i32
        %add3A_107 = arith.addi %mul3A_104, %mul3A_106 : i32
        %get3A_108 = arith.index_cast %add3A_107 : i32 to index
        %get3A_109 = tpu.vector_load %arg24[%get3A_108] {strides = array<i32>} : memref<4096xf32, #tpu.memory_space<vmem>>, vector<16xf32>,
        %add3A_110 = arith.addf %add3A_100, %get3A_109 : vector<16xf32>
        %scan3A_111 = arith.constant 3 : i32
        %scan3A_112 = arith.addi %scan3A_82, %scan3A_111 : i32
        %mul3A_113 = arith.constant 256 : i32
        %mul3A_114 = arith.muli %scan3A_112, %mul3A_113 : i32
        %mul3A_115 = arith.constant 16 : i32
        %mul3A_116 = arith.muli %scan3A_68, %mul3A_115 : i32
        %add3A_117 = arith.addi %mul3A_114, %mul3A_116 : i32
        %get3A_118 = arith.index_cast %add3A_117 : i32 to index
        %get3A_119 = tpu.vector_load %arg24[%get3A_118] {strides = array<i32>} : memref<4096xf32, #tpu.memory_space<vmem>>, vector<16xf32>,
        %add3A_120 = arith.addf %add3A_110, %get3A_119 : vector<16xf32>
        scf.yield %add3A_120 : vector<16xf32>
      }
      %scan3A_75 = arith.constant 16 : i32
      %mul3A_76 = vector.broadcast %scan3A_60 : f32 to vector<16xf32>
      %mul3A_77 = arith.mulf %scan3A_74, %mul3A_76 : vector<16xf32>
      %mul3A_78 = arith.constant 16 : i32
      %mul3A_79 = arith.muli %scan3A_68, %mul3A_78 : i32
      %swap3A = arith.index_cast %mul3A_79 : i32 to index
      %swap3A_80 = tpu.vector_load %arg25[%swap3A] {strides = array<i32>} : memref<256xf32, #tpu.memory_space<vmem>>, vector<16xf32>,
      tpu.vector_store %arg25[%swap3A], %mul3A_77 {strides = array<i32>} : memref<256xf32, #tpu.memory_space<vmem>>, vector<16xf32>,
      %scan3A_81 = arith.constant 0 : i32
      scf.yield %scan3A_81 : i32
    }
    %scan3A_67 = arith.constant 16 : i32
    "tpu.region"() ({
      %run_scoped3A = tpu.sem_alloc : memref<!tpu.dma_semaphore, #tpu.memory_space<semaphore_mem>>
      %dma_start3A_68 = arith.constant 0 : i32
      %dma_start3A_69 = tpu.memref_slice %arg8[%add3A, %dma_start3A_68] : memref<32x256xf32, #tpu.memory_space<hbm>> -> memref<1x256xf32, #tpu.memory_space<hbm>>
      %dma_start3A_70 = tpu.memref_squeeze %dma_start3A_69 : memref<1x256xf32, #tpu.memory_space<hbm>> -> memref<256xf32, #tpu.memory_space<hbm>>
      %dma_start3A_71 = arith.constant 0 : i32
      %dma_start3A_72 = tpu.memref_slice %arg8[%add3A, %dma_start3A_71] : memref<32x256xf32, #tpu.memory_space<hbm>> -> memref<1x256xf32, #tpu.memory_space<hbm>>
      %dma_start3A_73 = tpu.memref_squeeze %dma_start3A_72 : memref<1x256xf32, #tpu.memory_space<hbm>> -> memref<256xf32, #tpu.memory_space<hbm>>
      tpu.enqueue_dma source(%arg25 : memref<256xf32, #tpu.memory_space<vmem>>) target(%dma_start3A_73 : memref<256xf32, #tpu.memory_space<hbm>>) target_semaphore(%run_scoped3A : memref<!tpu.dma_semaphore, #tpu.memory_space<semaphore_mem>>)
      %dma_wait3A_74 = arith.constant 0 : i32
      %dma_wait3A_75 = tpu.memref_slice %arg8[%add3A, %dma_wait3A_74] : memref<32x256xf32, #tpu.memory_space<hbm>> -> memref<1x256xf32, #tpu.memory_space<hbm>>
      %dma_wait3A_76 = tpu.memref_squeeze %dma_wait3A_75 : memref<1x256xf32, #tpu.memory_space<hbm>> -> memref<256xf32, #tpu.memory_space<hbm>>
      %dma_wait3A_77 = arith.constant 0 : i32
      %dma_wait3A_78 = tpu.memref_slice %arg8[%add3A, %dma_wait3A_77] : memref<32x256xf32, #tpu.memory_space<hbm>> -> memref<1x256xf32, #tpu.memory_space<hbm>>
      %dma_wait3A_79 = tpu.memref_squeeze %dma_wait3A_78 : memref<1x256xf32, #tpu.memory_space<hbm>> -> memref<256xf32, #tpu.memory_space<hbm>>
      tpu.wait_dma2 semaphore(%run_scoped3A : memref<!tpu.dma_semaphore, #tpu.memory_space<semaphore_mem>>) src(%arg25 : memref<256xf32, #tpu.memory_space<vmem>>) dst(%dma_wait3A_79 : memref<256xf32, #tpu.memory_space<hbm>>)
      tpu.yield
    }) : () -> ()
    return
  }
}

</mosaic_0001>

<sc_bundles>
// kernel: kernel.3.cloned.1.call-start
scs
__scs_entry_jumppad:
0x0: {  	(pc) =	sbr.rel $0x88, $3  }
0x1: {  	(tag) =	ssettag $0x0;
	lr =	simm.s32 $0x1  }
0x2: {  	[smem:$0x3F9D] =	sst lr;
	_ =	strace $0xD0000000  }
0x3: {  	_ = 	snop  }
0x4: {  	_ = 	snop  }
0x5: {  	_ = 	snop  }
0x6: {  	_ = 	snop  }
0x7: {  	_ = 	snop  }
__scs_overlays_trampoline_lowered:
0x8: {  	[smem:$0x3FAC] =	sst s0  }
0x9: {  	[smem:$0x3FAD] =	sst s1  }
0xa: {  	[smem:$0x3FAE] =	sst s2  }
0xb: {  	[smem:$0x3FAF] =	sst s3  }
0xc: {  	[smem:$0x3FB0] =	sst s4  }
0xd: {  	[smem:$0x3FB1] =	sst s5  }
0xe: {  	[smem:$0x3FB2] =	sst s6  }
0xf: {  	[smem:$0x3FB3] =	sst s7  }
0x10: {  	[smem:$0x3FB4] =	sst s8  }
0x11: {  	[smem:$0x3FB5] =	sst s9;
	s0 =	simm.s32 @!p0 $0x0  }
0x12: {  	s1 =	sld [smem:$0x3F9B];
	s0 =	simm.s32 @p0 $0x1  }
0x13: {  	[smem:$0x3FB6] =	sst s0;
	s0 =	simm.s32 @!p1 $0x0  }
0x14: {  	s2 =	sld [smem:$0x3F9A];
	s0 =	simm.s32 @p1 $0x1  }
0x15: {  	[smem:$0x3FB7] =	sst s0;
	s0 =	simm.s32 @!p2 $0x0  }
0x16: {  	s3 =	sld [smem:$0x3FDB];
	s0 =	simm.s32 @p2 $0x1  }
0x17: {  	s4 =	simm.s32 $0x1BF5;
	[smem:$0x3FB9] =	sst s0  }
0x18: {  	s0 =	sld [smem:$0x3F9C];
	_ =	swait.ge [sflag:s4], $0x0  }
0x19: {  	s7 =	sld [smem:$0x3F9D]  }
0x1a: {  	s8 =	sadd.s32 $0xFFFFE003, lr  }
0x1b: {  	s9 =	sadd.s32 $0xFFFFFEF7, lr;
	s5 =	simm.s32 $0xFFFFFFFF;
	p2 =	slt.u32 s8, $0xFFFFF086  }
0x1c: {  	p1 =	slt.u32 s9, $0xF7A;
	s5 =	simm.s32 @!p2 $0x0  }
0x1d: {  	s5 =	simm.s32 @p1 $0x1;
	p0 =	seq.s32 s7, s2  }
0x1e: {  	s7 =	smul.u32 @!p0 $0xF7A, s2;
	p2 =	seq.s32 @!p0 s5, $0x0  }
0x1f: {  	s9 =	smul.u32 $0xF7A, s1;
	s8 =	simm.s32 @!p0 $0x1BF5;
	p2 =	por !p2, p0  }
0x20: {  	[sflag:s8] =	ssyncset.s32 @!p0 $0xFFFFF086;
	s6 =	sadd.s32 @!p0 s3, s7;
	s7 =	simm.s32 @!p0 $0x108  }
0x21: {  	s3 =	sadd.s32 s3, s9;
	s6 =	sadd.s32 @!p0 $0x88, s6;
	s7 =	simm.s32 @p2 $0x1082  }
0x22: {  	[simem:s7], [sflag:s8] =	dma.local @!p0 [hbm:s6], $0xF7A  }
0x23: {  	s9 =	sor.u32 $0xD0000000, s2;
	s6 =	simm.s32 $0x108;
	_ =	swait.ge @!p0 [sflag:s8], $0x0  }
0x24: {  	s3 =	sadd.s32 $0x88, s3;
	s6 =	simm.s32 @!p1 $0x1082;
	[sflag:s4] =	ssyncset.s32 $0xFFFFF086  }
0x25: {  	[simem:s6], [sflag:s4] =	dma.local [hbm:s3], $0xF7A  }
0x26: {  	[smem:$0x3F9D] =	sst s1;
	(tag) =	ssettag s2;
	_ =	strace s9  }
0x27: {  	s1 =	sld [smem:$0x3FAD]  }
0x28: {  	s2 =	sld [smem:$0x3FAE]  }
0x29: {  	s4 =	sld [smem:$0x3FB0]  }
0x2a: {  	p0 =	seq.s32 s5, $0x0;
	s5 =	sld [smem:$0x3FB1]  }
0x2b: {  	s6 =	sld [smem:$0x3FB2]  }
0x2c: {  	s7 =	sld [smem:$0x3FB3]  }
0x2d: {  	s3 =	simm.s32 $0x108;
	s8 =	sld [smem:$0x3FB4]  }
0x2e: {  	s3 =	simm.s32 @!p0 $0x1082;
	s9 =	sld [smem:$0x3FB5]  }
0x2f: {  	lr =	sadd.s32 s0, s3;
	s0 =	sld [smem:$0x3FAC]  }
0x30: {  	s3 =	sld [smem:$0x3FAF]  }
0x31: {  	[smem:$0x3FB8] =	sst s10  }
0x32: {  	s10 =	sld [smem:$0x3FB6];
	_ =	sdelay $0x3  }
0x33: {  	p0 =	seq.s32 s10, $0x1;
	s10 =	sld [smem:$0x3FB8];
	_ =	sdelay $0x3  }
0x34: {  	[smem:$0x3FB8] =	sst s10  }
0x35: {  	s10 =	sld [smem:$0x3FB7];
	_ =	sdelay $0x3  }
0x36: {  	p1 =	seq.s32 s10, $0x1;
	s10 =	sld [smem:$0x3FB8];
	_ =	sdelay $0x3  }
0x37: {  	[smem:$0x3FB8] =	sst s10  }
0x38: {  	s10 =	sld [smem:$0x3FB9]  }
0x39: {  	_ = 	snop;
	(pc) =	sbr.ind lr, $3  }
0x3a: {  	_ = 	snop  }
0x3b: {  	_ = 	snop  }
0x3c: {  	p2 =	seq.s32 s10, $0x1;
	s10 =	sld [smem:$0x3FB8]  }
0x3d: {  	_ =	shalt  }
0x3e: {  	_ =	shalt  }
0x3f: {  	_ =	shalt  }
0x40: {  	_ =	shalt  }
0x41: {  	_ =	shalt  }
0x42: {  	_ =	shalt  }
0x43: {  	_ =	shalt  }
0x44: {  	_ =	shalt  }
0x45: {  	_ =	shalt  }
0x46: {  	_ =	shalt  }
0x47: {  	_ =	shalt  }
0x48: {  	_ =	shalt  }
0x49: {  	_ =	shalt  }
0x4a: {  	_ =	shalt  }
0x4b: {  	_ =	shalt  }
0x4c: {  	_ =	shalt  }
0x4d: {  	_ =	shalt  }
0x4e: {  	_ =	shalt  }
0x4f: {  	_ =	shalt  }
0x50: {  	_ =	shalt  }
0x51: {  	_ =	shalt  }
0x52: {  	_ =	shalt  }
0x53: {  	_ =	shalt  }
0x54: {  	_ =	shalt  }
0x55: {  	_ =	shalt  }
0x56: {  	_ =	shalt  }
0x57: {  	_ =	shalt  }
0x58: {  	_ =	shalt  }
0x59: {  	_ =	shalt  }
0x5a: {  	_ =	shalt  }
0x5b: {  	_ =	shalt  }
0x5c: {  	_ =	shalt  }
0x5d: {  	_ =	shalt  }
0x5e: {  	_ =	shalt  }
0x5f: {  	_ =	shalt  }
0x60: {  	_ =	shalt  }
0x61: {  	_ =	shalt  }
0x62: {  	_ =	shalt  }
0x63: {  	_ =	shalt  }
0x64: {  	_ =	shalt  }
0x65: {  	_ =	shalt  }
0x66: {  	_ =	shalt  }
0x67: {  	_ =	shalt  }
0x68: {  	_ =	shalt  }
0x69: {  	_ =	shalt  }
0x6a: {  	_ =	shalt  }
0x6b: {  	_ =	shalt  }
0x6c: {  	_ =	shalt  }
0x6d: {  	_ =	shalt  }
0x6e: {  	_ =	shalt  }
0x6f: {  	_ =	shalt  }
0x70: {  	_ =	shalt  }
0x71: {  	_ =	shalt  }
0x72: {  	_ =	shalt  }
0x73: {  	_ =	shalt  }
0x74: {  	_ =	shalt  }
0x75: {  	_ =	shalt  }
0x76: {  	_ =	shalt  }
0x77: {  	_ =	shalt  }
0x78: {  	_ =	shalt  }
0x79: {  	_ =	shalt  }
0x7a: {  	_ =	shalt  }
0x7b: {  	_ =	shalt  }
0x7c: {  	_ =	shalt  }
0x7d: {  	_ =	shalt  }
0x7e: {  	_ =	shalt  }
0x7f: {  	_ =	shalt  }
0x80: {  	_ =	shalt  }
0x81: {  	_ =	shalt  }
0x82: {  	_ =	shalt  }
0x83: {  	_ =	shalt  }
0x84: {  	_ =	shalt  }
0x85: {  	_ =	shalt  }
0x86: {  	_ =	shalt  }
0x87: {  	_ =	shalt  }
.Lfunc_end0:
.L_simem_size_0:
called_computation_lowered:
.L_overlay_start_0:
0x88: {  	s2 =	sld [smem:$0x3FD9]  }
0x89: {  	s3 =	sld [smem:$0x3FFE];
	_ =	sdelay $0x1  }
0x8a: {  	s1 =	srdreg.scid  }
0x8b: {  	s0 =	sand.u32 $0x1, s1  }
0x8c: {  	s16 =	sshll.u32 s0, $0xA;
	s2 =	sadd.s32 s3, s2  }
0x8d: {  	s2 =	sadd.s32 s2, s16  }
0x8e: {  	[smem:$0x3FC4] =	sst s2  }
0x8f: {  	_ = 	snop  }
0x90: {  	(tm) =	ssettm $0x1  }
0x91: {  	s17 =	sld [smem:$0x3FFB];
	_ =	sdelay $0x3  }
0x92: {  	_ =	strace s17  }
0x93: {  	s2 =	sld [smem:$0x3FFC];
	_ =	sdelay $0x3  }
0x94: {  	_ =	strace s2  }
0x95: {  	s2 =	sld [smem:$0x3FFD];
	_ =	sdelay $0x3  }
0x96: {  	_ =	strace s2  }
0x97: {  	_ =	strace $0x8FFFFFFF  }
0x98: {  	s18 =	sld [smem:$0x3FDB];
	_ =	sdelay $0x1  }
0x99: {  	s19 =	simm.s32 $_scs_section_size  }
0x9a: {  	s4 =	simm.s32 $_size__tile_overlayer_lowered;
	s5 =	simm.s32 $_tile_overlayer_lowered  }
0x9b: {  	s22 =	simm.s32 $0x1BFF;
	s21 =	sshll.u32 s5, $0x1;
	s2 =	sadd.s32 s19, s18  }
0x9c: {  	s6 =	simm.s32 $0x0;
	s20 =	sshll.u32 s4, $0x1;
	s4 =	sadd.s32 s21, s2  }
0x9d: {  	[timem:s6], [sflag:s22] =	dma.local [hbm:s4], s20  }
0x9e: {  	_ =	swait.ge [sflag:s22], s20  }
0x9f: {  	s3 =	ssub.s32 $0x0, s20;
	[sflag:s22] =	ssyncset.done $0x0  }
0xa0: {  	[sflag:s22] =	ssyncadd.s32 s3;
	_ =	sdelay $0x1  }
0xa1: {  	s23 =	simm.s32 $0x1B8B  }
0xa2: {  	_ =	swait.ge [sflag:s23], $0x1  }
0xa3: {  	[sflag:s23] =	ssyncset.done $0x0  }
0xa4: {  	s25 =	simm.s32 $0x1B8E;
	s24 =	sld [smem:$0x3FFE];
	[sflag:s23] =	ssyncadd.s32 $0xFFFFFFFF  }
0xa5: {  	s26 =	simm.s32 $execute0_lowered;
	[smem:$0x3FD2] =	sst s25  }
0xa6: {  	s4 =	sshll.u32 s26, $0x1;
	_ =	strace $0x80000046;
	[dreg:$0x1] =	wrdreg $0xFFFFFFFF  }
0xa7: {  	s28 =	simm.s32 $_size_execute0_lowered;
	s2 =	sadd.s32 s2, s4;
	[dreg:$0x0] =	wrdreg $0x0  }
0xa8: {  	s4 =	sshll.u32 s28, $0x1;
	[dreg:$0x2] =	wrdreg s2  }
0xa9: {  	[dreg:$0x3] =	wrdreg s4  }
0xaa: {  	[dreg:$0x4] =	wrdreg $0xC0  }
0xab: {  	_ =	task [dreg:s6], $0x5FFFF  }
0xac: {  	[dreg:$0x1] =	wrdreg $0xFFFFFFFF  }
0xad: {  	[dreg:$0x0] =	wrdreg $0x60  }
0xae: {  	[dreg:$0x2] =	wrdreg s24  }
0xaf: {  	[dreg:$0x3] =	wrdreg $0x9  }
0xb0: {  	_ =	task.clear_ibuf [dreg:s6], $0x4FFFF;
	_ =	strace $0x90000046  }
0xb1: {  	s29 =	simm.s32 $0x9;
	_ =	strace $0x80000048  }
0xb2: {  	_ =	swait.ge [sflag:s29], $0x1  }
0xb3: {  	[sflag:s29] =	ssyncadd.s32 $0xFFFFFFFF  }
0xb4: {  	_ =	strace $0x90000048  }
0xb5: {  	_ =	sfence  }
0xb6: {  	s30 =	sld [smem:$0x0];
	_ =	sdelay $0x2  }
0xb7: {  	s31 =	sshll.u32 s1, $0xD;
	s1 =	sshrl.u32 s1, $0x2  }
0xb8: {  	s3 =	sand.u32 $0x4000, s31;
	s1 =	sadd.s32 s1, s30  }
0xb9: {  	s0 =	sor.u32 s3, s0;
	s1 =	sshll.u32 s1, $0x11  }
0xba: {  	s0 =	sor.u32 s1, s0  }
0xbb: {  	s0 =	sadd.s32 $0x8F2B, s0  }
0xbc: {  	[sflag:s0] =	ssyncadd.remote.s32 $0x1  }
0xbd: {  	_ =	sfence.sel $0xFFFF  }
0xbe: {  	[dreg:$0x0] =	wrdreg $0xFFFFFFFF;
	(pc) =	sbr.abs _section_cstart, $3  }
0xbf: {  	[dreg:$0x1] =	wrdreg $0xFFFFFFFF  }
0xc0: {  	_ =	task.clear_ibuf [dreg:s6], $0x2FFFF;
	_ =	strace $0x9FFFFFFF  }
0xc1: {  	(tm) =	ssettm $0x7FFFFFFF  }
tec
execute0_lowered:
.L_overlay_start_1:
0x0: {  	(tag) =	ssettag $0x1  }
0x1: {  	s1 =	rddreg [dreg:$0x0];
	s3 =	simm.s32 $0x0;
	s7 =	stileid.u32  }
0x2: {  	s0 =	srdreg.scid;
	s28 =	simm.s32 $0x800;
	s29 =	simm.s32 $0x1000  }
0x3: {  	s30 =	simm.s32 $0x1800;
	s31 =	simm.s32 $0x2000;
	s20 =	simm.s32 $0x3000  }
0x4: {  	s21 =	simm.s32 $0x3800;
	s22 =	simm.s32 $0x4000;
	s14 =	simm.s32 $0x0  }
0x5: {  	[smem:$0x7FF] =	sst s3;
	s4 =	sadd.s32 $0x3200, s1;
	s5 =	sadd.s32 $0x6400, s1  }
0x6: {  	s0 =	sand.u32 $0x1, s0;
	s2 =	sshll.u32 s7, $0x1;
	s6 =	sadd.s32 $0xCD600, s1  }
0x7: {  	s7 =	sshll.u32 s7, $0x6;
	s8 =	sadd.s32 $0x9600, s1;
	s2 =	sor.u32 s0, s2  }
0x8: {  	s9 =	sand.u32 $0x300, s7;
	s0 =	ssub.s32 $0x2, s0;
	s7 =	smul.u32 $0xC40, s2  }
0x9: {  	_ =	strace $0x80000047;
	s10 =	sshrl.u32 s0, $0x1;
	s11 =	smul.u32 $0x6200, s2  }
0xa: {  	s9 =	sadd.s32 s9, s1;
	s2 =	sshll.u32 s2, $0x4;
	s0 =	ssub.s32 s0, s10  }
0xb: {  	s2 =	sand.u32 $0x70, s2;
	s23 =	sshrl.u32 s7, $0x3;
	s25 =	sadd.s32 s8, s11  }
0xc: {  	s16 =	sadd.s32 $0x40, s7;
	s0 =	smax.u32 s0, $0x1;
	[dreg:$0x6] =	wrdreg s25  }
0xd: {  	s17 =	sadd.s32 $0x60, s7;
	s13 =	sadd.s32 s4, s23;
	[dreg:$0xa] =	wrdreg s0  }
0xe: {  	s2 =	sadd.s32 s2, s9;
	s24 =	sadd.s32 s5, s23;
	[dreg:$0x3] =	wrdreg s13  }
0xf: {  	s11 =	simm.s32 $0x2;
	s10 =	sadd.s32 s6, s23;
	[dreg:$0x4] =	wrdreg s24  }
0x10: {  	s12 =	sadd.s32 s1, s23;
	s2 =	sadd.s32 $0xD3A00, s2;
	[dreg:$0x5] =	wrdreg s10  }
0x11: {  	s0 =	simm.s32 $0x2800;
	s23 =	simm.s32 $0x4800;
	[dreg:$0x2] =	wrdreg s12  }
0x12: {  	s26 =	sadd.s32 $0xD0800, s12;
	s10 =	sadd.s32 $0x100, s25;
	[dreg:$0x9] =	wrdreg s2  }
0x13: {  	v0 =	vlaneseq.u32;
	s25 =	simm.s32 $0x5;
	s2 =	simm.s32 $0x4;
	[dreg:$0x7] =	wrdreg s26  }
0x14: {  	v1 =	vimm.f32 $0.0e+00;
	v2 =	vmul.u32 $0x40, v0;
	v3 =	vmul.u32 $0x100, v0;
	s24 =	simm.s32 $0x1;
	[dreg:$0x8] =	wrdreg s10;
	s10 =	simm.s32 $0x8E80  }
.LBB2_1:
0x15: {  	s9 =	rddreg [dreg:$0x2];
	s12 =	simm.s32 $0x5000  }
0x16: {  	[tilespmem:s12], [sflag:$0x5] =	stream.linear.gather [hbm4b:s9+s3], $0xC40, $0x38;
	[tilespmem:$0x9F80] =	vst v63  }
0x17: {  	s19 =	rddreg [dreg:$0x3];
	s26 =	simm.s32 $0x5C80  }
0x18: {  	[tilespmem:s26], [sflag:$0x5] =	stream.linear.gather [hbm4b:s19+s3], $0xC40, $0x38;
	[tilespmem:$0x9F80] =	vst v63  }
0x19: {  	s13 =	simm.s32 $0x6900;
	s12 =	rddreg [dreg:$0x4]  }
0x1a: {  	[tilespmem:s13], [sflag:$0x5] =	stream.linear.gather [hbm4b:s12+s3], $0xC40, $0x38;
	[tilespmem:$0x9F80] =	vst v63  }
0x1b: {  	s15 =	rddreg [dreg:$0x5];
	s18 =	simm.s32 $0x7580;
	s9 =	simm.s32 $0x40  }
0x1c: {  	[tilespmem:s18], [sflag:$0x5] =	stream.linear.gather [hbm4b:s15+s3], $0xC40, $0x38;
	[tilespmem:$0x9F80] =	vst v63  }
0x1d: {  	s19 =	rddreg [dreg:$0x7];
	s26 =	simm.s32 $0x8200;
	s13 =	simm.s32 $0x0  }
0x1e: {  	[tilespmem:s26], [sflag:$0x5] =	stream.linear.gather [hbm4b:s19+s3], $0xC40, $0x38;
	[tilespmem:$0x9F80] =	vst v63  }
.LBB2_2:
0x1f: {  	p0 =	sne.s32 s9, $0x3FC0;
	[tilespmem:s13+$0x8E80] =	vst v1;
	s13 =	smov.u32 s9;
	s9 =	sadd.s32 $0x40, s9  }
.Ltmp0:
0x20: {  	(pc) =	sbr.rel @p0 .LBB2_2-.Ltmp0, $2  }
0x21: {  	_ =	sdelay $0x2  }
0x22: {  	s13 =	sshra.s32 s13, $0x2  }
0x23: {  	[tilespmem:s13+$0x8E80] =	vst v1  }
0x24: {  	_ =	swait.ge [sflag:s25], $0xC40  }
0x25: {  	[sflag:s25] =	ssyncset.done $0x0  }
0x26: {  	[sflag:s25] =	ssyncadd.s32 $0xFFFFF3C0  }
0x27: {  	_ =	swait.ge [sflag:s25], $0xC40  }
0x28: {  	[sflag:s25] =	ssyncset.done $0x0  }
0x29: {  	[sflag:s25] =	ssyncadd.s32 $0xFFFFF3C0  }
0x2a: {  	_ =	swait.ge [sflag:s25], $0xC40  }
0x2b: {  	[sflag:s25] =	ssyncset.done $0x0  }
0x2c: {  	[sflag:s25] =	ssyncadd.s32 $0xFFFFF3C0  }
0x2d: {  	_ =	swait.ge [sflag:s25], $0xC40  }
0x2e: {  	[sflag:s25] =	ssyncset.done $0x0  }
0x2f: {  	[sflag:s25] =	ssyncadd.s32 $0xFFFFF3C0  }
0x30: {  	_ =	swait.ge [sflag:s25], $0xC40  }
0x31: {  	s15 =	simm.s32 $0x0;
	[sflag:s25] =	ssyncset.done $0x0  }
0x32: {  	s19 =	simm.s32 $0x3;
	s9 =	rddreg [dreg:$0x6];
	[sflag:s25] =	ssyncadd.s32 $0xFFFFF3C0  }
0x33: {  	[tilespmem:s15], [sflag:$0x3] =	stream.linear.gather [hbm4b:s9+s15], $0x800, $0x38;
	[tilespmem:$0x9F80] =	vst v63  }
0x34: {  	_ =	swait.ge [sflag:s19], $0x800  }
0x35: {  	[sflag:s19] =	ssyncset.done $0x0  }
0x36: {  	[sflag:s19] =	ssyncadd.s32 $0xFFFFF800  }
0x37: {  	[tilespmem:s29], [sflag:$0x1] =	stream.indirect.gather [hbm4b:s1+s28], $0x1, s15, s28, $0xb8;
	[tilespmem:$0x9F80] =	vst v63  }
0x38: {  	_ = 	snop  }
0x39: {  	[tilespmem:s30], [sflag:$0x1] =	stream.indirect.gather [hbm4b:s4+s28], $0x1, s15, s28, $0xb8;
	[tilespmem:$0x9F80] =	vst v63  }
0x3a: {  	_ = 	snop  }
0x3b: {  	[tilespmem:s31], [sflag:$0x1] =	stream.indirect.gather [hbm4b:s5+s28], $0x1, s15, s28, $0xb8;
	[tilespmem:$0x9F80] =	vst v63  }
0x3c: {  	_ = 	snop  }
0x3d: {  	[tilespmem:s0], [sflag:$0x1] =	stream.indirect.gather [hbm4b:s6+s28], $0x1, s15, s28, $0xb8;
	[tilespmem:$0x9F80] =	vst v63  }
0x3e: {  	s18 =	simm.s32 $0x0;
	s26 =	rddreg [dreg:$0x8]  }
0x3f: {  	[tilespmem:s28], [sflag:$0x4] =	stream.linear.gather [hbm4b:s26+s15], $0x800, $0x38;
	[tilespmem:$0x9F80] =	vst v63  }
.LBB2_4:
0x40: {  	_ =	swait.ge [sflag:s2], $0x800  }
0x41: {  	[sflag:s2] =	ssyncset.done $0x0  }
0x42: {  	[sflag:s2] =	ssyncadd.s32 $0xFFFFF800  }
0x43: {  	[tilespmem:s20], [sflag:$0x2] =	stream.indirect.gather [hbm4b:s1+s28], $0x1, s28, s28, $0xb8;
	[tilespmem:$0x9F80] =	vst v63  }
0x44: {  	_ = 	snop  }
0x45: {  	[tilespmem:s21], [sflag:$0x2] =	stream.indirect.gather [hbm4b:s4+s28], $0x1, s28, s28, $0xb8;
	[tilespmem:$0x9F80] =	vst v63  }
0x46: {  	_ = 	snop  }
0x47: {  	[tilespmem:s22], [sflag:$0x2] =	stream.indirect.gather [hbm4b:s5+s28], $0x1, s28, s28, $0xb8;
	[tilespmem:$0x9F80] =	vst v63  }
0x48: {  	_ = 	snop  }
0x49: {  	[tilespmem:s23], [sflag:$0x2] =	stream.indirect.gather [hbm4b:s6+s28], $0x1, s28, s28, $0xb8;
	[tilespmem:$0x9F80] =	vst v63  }
0x4a: {  	_ =	swait.ge [sflag:s24], $0x800  }
0x4b: {  	[sflag:s24] =	ssyncset.done $0x0  }
0x4c: {  	[sflag:s24] =	ssyncadd.s32 $0xFFFFF800  }
0x4d: {  	_ =	swait.ge [sflag:s24], $0x800  }
0x4e: {  	[sflag:s24] =	ssyncset.done $0x0  }
0x4f: {  	[sflag:s24] =	ssyncadd.s32 $0xFFFFF800  }
0x50: {  	_ =	swait.ge [sflag:s24], $0x800  }
0x51: {  	[sflag:s24] =	ssyncset.done $0x0  }
0x52: {  	[sflag:s24] =	ssyncadd.s32 $0xFFFFF800  }
0x53: {  	_ =	swait.ge [sflag:s24], $0x800  }
0x54: {  	[sflag:s24] =	ssyncset.done $0x0  }
0x55: {  	s19 =	sshll.u32 s18, $0x6;
	v10 =	vor.u32 s15, v2;
	[sflag:s24] =	ssyncadd.s32 $0xFFFFF800  }
0x56: {  	v8 =	vld [tilespmem:s19+$0x5000]  }
0x57: {  	v7 =	vld [tilespmem:s19+$0x5C80]  }
0x58: {  	s9 =	simm.s32 $0x3;
	v6 =	vld [tilespmem:s19+$0x6900]  }
0x59: {  	v11 =	vor.u32 s9, v2;
	v4 =	vld [tilespmem:s19+$0x7580]  }
0x5a: {  	v5 =	vld.idx.msk [tilespmem:v10+s31+$0x0], $0xffff  }
0x5b: {  	s12 =	simm.s32 $0x2;
	v9 =	vld.idx.msk [tilespmem:v10+s29+$0x0], $0xffff  }
0x5c: {  	v12 =	vor.u32 s12, v2;
	v13 =	vld.idx.msk [tilespmem:v10+s30+$0x0], $0xffff  }
0x5d: {  	s13 =	simm.s32 $0x1;
	v14 =	vld.idx.msk [tilespmem:v10+s0+$0x0], $0xffff  }
0x5e: {  	v16 =	vor.u32 s13, v2;
	v15 =	vld.idx.msk [tilespmem:v11+s31+$0x0], $0xffff  }
0x5f: {  	v17 =	vld.idx.msk [tilespmem:v11+s29+$0x0], $0xffff  }
0x60: {  	v18 =	vld.idx.msk [tilespmem:v11+s30+$0x0], $0xffff  }
0x61: {  	v19 =	vld.idx.msk [tilespmem:v12+s29+$0x0], $0xffff  }
0x62: {  	v20 =	vld.idx.msk [tilespmem:v12+s30+$0x0], $0xffff  }
0x63: {  	s9 =	sadd.s32 s7, s19;
	v22 =	vld.idx.msk [tilespmem:v16+s29+$0x0], $0xffff;
	v21 =	vsub.f32 v6, v5  }
0x64: {  	v24 =	vld.idx.msk [tilespmem:v16+s30+$0x0], $0xffff;
	v5 =	vor.u32 s9, v0;
	v23 =	vsub.f32 v8, v9;
	v13 =	vsub.f32 v7, v13  }
0x65: {  	v26 =	vld.idx.msk [tilespmem:v12+s31+$0x0], $0xffff;
	v25 =	vsub.f32 v6, v15;
	v17 =	vsub.f32 v8, v17;
	v15 =	vmul.f32 v14, v4  }
0x66: {  	v14 =	vld.idx.msk [tilespmem:v16+s31+$0x0], $0xffff;
	v18 =	vsub.f32 v7, v18;
	v19 =	vsub.f32 v8, v19;
	v23 =	vmul.f32 v23, v23  }
0x67: {  	v20 =	vsub.f32 v7, v20;
	v21 =	vmul.f32 v21, v21;
	v13 =	vmul.f32 v13, v13  }
0x68: {  	v10 =	vld.idx.msk [tilespmem:v10+s3+$0x0], $0xffff;
	v22 =	vsub.f32 v8, v22;
	v25 =	vmul.f32 v25, v25;
	v17 =	vmul.f32 v17, v17  }
0x69: {  	v27 =	vld.idx.msk [tilespmem:v11+s0+$0x0], $0xffff;
	v24 =	vsub.f32 v7, v24;
	v18 =	vmul.f32 v18, v18;
	v19 =	vmul.f32 v19, v19  }
0x6a: {  	v11 =	vld.idx.msk [tilespmem:v11+s3+$0x0], $0xffff;
	v26 =	vsub.f32 v6, v26;
	v20 =	vmul.f32 v20, v20;
	v22 =	vmul.f32 v22, v22  }
0x6b: {  	v28 =	vld.idx.msk [tilespmem:v12+s3+$0x0], $0xffff;
	v24 =	vmul.f32 v24, v24;
	v13 =	vadd.f32 v13, v23;
	v14 =	vsub.f32 v6, v14  }
0x6c: {  	v23 =	vmul.f32 v26, v26;
	v17 =	vadd.f32 v18, v17;
	v19 =	vadd.f32 v20, v19  }
0x6d: {  	v18 =	vld.idx.msk [tilespmem:v16+s3+$0x0], $0xffff;
	v22 =	vadd.f32 v24, v22;
	v20 =	vadd.f32 v21, v13;
	v14 =	vmul.f32 v14, v14  }
0x6e: {  	s13 =	simm.s32 $0x4;
	vm0 =	vne.s32 v10, v5;
	v10 =	vadd.f32 v25, v17;
	v17 =	vadd.f32 v23, v19  }
0x6f: {  	v9 =	vor.u32 s13, v2;
	v19 =	vadd.f32 $9.999999960e-13, v20;
	v14 =	vadd.f32 v14, v22  }
0x70: {  	vm2 =	vne.s32 v11, v5;
	vm1 =	vne.s32 v28, v5;
	v13 =	vmul.f32 v27, v4  }
0x71: {  	v10 =	vadd.f32 $9.999999960e-13, v10;
	vm3 =	vgt.f32 v19, $9.999999970e-07;
	v11 =	vadd.f32 $9.999999960e-13, v14  }
0x72: {  	vm4 =	vne.s32 v18, v5;
	v14 =	vadd.f32 $9.999999960e-13, v17;
	vm3 =	vmand vm0, vm3  }
0x73: {  	vm5 =	vgt.f32 v10, $9.999999970e-07;
	v17 =	vnsel vm3, $0x3F800000, v19;
	vm6 =	vgt.f32 v11, $9.999999970e-07  }
0x74: {  	vm0 =	vgt.f32 v14, $9.999999970e-07;
	v18 =	vshra.s32 v17, $0x1;
	v22 =	vmul.f32 $4.725898060e-02, v17  }
0x75: {  	vm1 =	vmand vm1, vm0;
	vm0 =	vmand vm2, vm5;
	vm2 =	vmand vm4, vm6  }
0x76: {  	v20 =	vmul.f32 $5.000000000e-01, v17;
	v18 =	vsub.s32 $0x5F3759DF, v18;
	v11 =	vnsel vm2, $0x3F800000, v11  }
0x77: {  	v14 =	vnsel vm1, $0x3F800000, v14;
	v10 =	vnsel vm0, $0x3F800000, v10;
	v25 =	vmin.f32 v22, $9.999989860e-01  }
0x78: {  	v17 =	vshra.s32 v10, $0x1;
	v23 =	vmul.f32 $5.000000000e-01, v10;
	v19 =	vshra.s32 v11, $0x1  }
0x79: {  	v21 =	vshra.s32 v14, $0x1;
	v24 =	vmul.f32 $5.000000000e-01, v14;
	v26 =	vmul.f32 $5.000000000e-01, v11  }
0x7a: {  	v27 =	vmul.f32 $4.725898060e-02, v11;
	v11 =	vsub.f32 $1.000000000e+00, v25;
	v25 =	vmul.f32 $4.725898060e-02, v10  }
0x7b: {  	v28 =	vmul.f32 $4.725898060e-02, v14;
	v17 =	vsub.s32 $0x5F3759DF, v17;
	v21 =	vsub.s32 $0x5F3759DF, v21  }
0x7c: {  	v19 =	vsub.s32 $0x5F3759DF, v19;
	v10 =	vmin.f32 v27, $9.999989860e-01;
	(erf) = vrcp.f32 v11  }
0x7d: {  	v12 =	vld.idx.msk [tilespmem:v12+s0+$0x0], $0xffff;
	v11 =	vmul.f32 v18, v20;
	v29 =	vmul.f32 v17, v23;
	v10 =	vsub.f32 $1.000000000e+00, v10  }
0x7e: {  	v30 =	vld.idx.msk [tilespmem:v16+s0+$0x0], $0xffff;
	v14 =	vmin.f32 v28, $9.999989860e-01;
	v16 =	vmul.f32 v19, v26;
	v31 =	vmul.f32 v21, v24  }
0x7f: {  	v14 =	vsub.f32 $1.000000000e+00, v14;
	v11 =	vmul.f32 v18, v11;
	(erf) = vrcp.f32 v10  }
0x80: {  	v31 =	vmul.f32 v21, v31;
	v29 =	vmul.f32 v17, v29;
	v10 =	vmin.f32 v25, $9.999989860e-01  }
0x81: {  	v33 =	vmul.f32 v19, v16;
	v32 =	vsub.f32 $1.000000000e+00, v10;
	(erf) = vrcp.f32 v14  }
0x82: {  	v16 =	vmul.f32 v12, v4;
	v57 =	vsub.f32 $1.500000000e+00, v11;
	v12 =	vsub.f32 $1.500000000e+00, v29  }
0x83: {  	v33 =	vsub.f32 $1.500000000e+00, v33;
	(erf) = vrcp.f32 v32  }
0x84: {  	v30 =	vmul.f32 v30, v4;
	v31 =	vsub.f32 $1.500000000e+00, v31;
	v32 =	vmul.f32 v18, v57  }
0x85: {  	v29 =	vld.idx.msk [tilespmem:v9+s31+$0x0], $0xffff;
	v34 =	vmul.f32 v17, v12;
	v33 =	vmul.f32 v19, v33  }
0x86: {  	v31 =	vmul.f32 v21, v31;
	v19 =	vmul.f32 v32, v20;
	v12 =	vpop (erf)  }
0x87: {  	vm5 =	vlt.f32 v22, $1.000000000e+00;
	v21 =	vmul.f32 v34, v23;
	v17 =	vsub.f32 $1.000000000e+00, v12  }
0x88: {  	vm4 =	vlt.f32 v25, $1.000000000e+00;
	v37 =	vmul.f32 v31, v24;
	v19 =	vmul.f32 v19, v32;
	v35 =	vpop (erf)  }
0x89: {  	v21 =	vmul.f32 v21, v34;
	v36 =	vmul.f32 $1.442695020e+00, v17;
	v35 =	vsub.f32 $1.000000000e+00, v35  }
0x8a: {  	v59 =	vmul.f32 v37, v31;
	v17 =	vsub.f32 v6, v29;
	v29 =	vmul.f32 v33, v26;
	v38 =	vpop (erf)  }
0x8b: {  	v38 =	vsub.f32 $1.000000000e+00, v38;
	(erf) = vpow2.f32 v36;
	v35 =	vmul.f32 $1.442695020e+00, v35  }
0x8c: {  	v19 =	vsub.f32 $1.500000000e+00, v19;
	v21 =	vsub.f32 $1.500000000e+00, v21;
	v29 =	vmul.f32 v29, v33;
	v39 =	vpop (erf)  }
0x8d: {  	v38 =	vmul.f32 $1.442695020e+00, v38;
	v39 =	vsub.f32 $1.000000000e+00, v39;
	(erf) = vpow2.f32 v35  }
0x8e: {  	v32 =	vmul.f32 v19, v32;
	v21 =	vmul.f32 v21, v34;
	v35 =	vsub.f32 $1.500000000e+00, v59  }
0x8f: {  	v29 =	vsub.f32 $1.500000000e+00, v29;
	v60 =	vmul.f32 $1.442695020e+00, v39;
	(erf) = vpow2.f32 v38  }
0x90: {  	vm6 =	vlt.f32 v28, $1.000000000e+00;
	v18 =	vld.idx.msk [tilespmem:v9+s29+$0x0], $0xffff;
	v20 =	vmul.f32 v32, v20;
	v31 =	vmul.f32 v35, v31  }
0x91: {  	v58 =	vld.idx.msk [tilespmem:v9+s30+$0x0], $0xffff;
	vm7 =	vlt.f32 v27, $1.000000000e+00;
	v29 =	vmul.f32 v29, v33;
	(erf) = vpow2.f32 v60  }
0x92: {  	s26 =	simm.s32 $0x7;
	s12 =	simm.s32 $0x6;
	v10 =	vimm.f32 $0.0e+00;
	v23 =	vmul.f32 v21, v23;
	v24 =	vmul.f32 v31, v24  }
0x93: {  	v14 =	vor.u32 s26, v2;
	v11 =	vor.u32 s12, v2;
	s26 =	simm.s32 $0x5;
	v22 =	vmul.f32 v29, v26  }
0x94: {  	v12 =	vor.u32 s26, v2;
	v20 =	vmul.f32 v20, v32;
	v25 =	vpop (erf);
	v24 =	vmul.f32 v24, v31  }
0x95: {  	v18 =	vsub.f32 v8, v18;
	v22 =	vmul.f32 v22, v29;
	v25 =	vsub.f32 $1.000000000e+00, v25  }
0x96: {  	v19 =	vsub.f32 v7, v58;
	v28 =	vmul.f32 v23, v21;
	v26 =	vsub.f32 $1.500000000e+00, v20;
	v23 =	vpop (erf)  }
0x97: {  	v20 =	vld.idx.msk [tilespmem:v9+s0+$0x0], $0xffff;
	v27 =	vsub.f32 $1.500000000e+00, v22;
	v25 =	vnsel vm5, $0x3F800000, v25;
	v23 =	vsub.f32 $1.000000000e+00, v23  }
0x98: {  	v26 =	vmul.f32 v26, v32;
	v22 =	vld.idx.msk [tilespmem:v14+s31+$0x0], $0xffff;
	v62 =	vsub.f32 $1.500000000e+00, v24;
	v61 =	vmul.f32 v25, v15;
	v24 =	vpop (erf)  }
0x99: {  	v15 =	vld.idx.msk [tilespmem:v14+s29+$0x0], $0xffff;
	v25 =	vmul.f32 v27, v29;
	v63 =	vsub.f32 $1.000000000e+00, v24;
	v27 =	vnsel vm7, $0x3F800000, v23  }
0x9a: {  	v29 =	vsub.f32 $1.500000000e+00, v28;
	v24 =	vld.idx.msk [tilespmem:v11+s29+$0x0], $0xffff;
	v26 =	vmul.f32 v26, v61;
	v27 =	vmul.f32 v27, v30;
	v30 =	vpop (erf)  }
0x9b: {  	s13 =	simm.s32 $0x8;
	v28 =	vmul.f32 v62, v31;
	v23 =	vld.idx.msk [tilespmem:v14+s30+$0x0], $0xffff;
	v31 =	vnsel vm6, $0x3F800000, v63;
	v30 =	vsub.f32 $1.000000000e+00, v30  }
.LBB2_5:
0x9c: {  	p0 =	slt.u32 s13, $0x3C;
	v32 =	vld.idx.msk [tilespmem:v11+s30+$0x0], $0xffff;
	v26 =	vnsel vm3, $0x0, v26;
	v25 =	vmul.f32 v25, v27;
	v16 =	vmul.f32 v31, v16  }
0x9d: {  	v21 =	vmul.f32 v29, v21;
	v10 =	vadd.f32 v26, v10;
	v26 =	vnsel vm4, $0x3F800000, v30  }
0x9e: {  	v27 =	vld.idx.msk [tilespmem:v12+s29+$0x0], $0xffff;
	v25 =	vnsel vm2, $0x0, v25;
	v16 =	vmul.f32 v28, v16;
	v13 =	vmul.f32 v26, v13  }
0x9f: {  	v22 =	vsub.f32 v6, v22;
	v26 =	vor.u32 s13, v2;
	v28 =	vld.idx.msk [tilespmem:v12+s30+$0x0], $0xffff;
	v10 =	vadd.f32 v25, v10  }
0xa0: {  	v29 =	vsub.f32 v8, v15;
	v25 =	vld.idx.msk [tilespmem:v11+s31+$0x0], $0xffff;
	v16 =	vnsel vm1, $0x0, v16;
	v13 =	vmul.f32 v21, v13  }
0xa1: {  	v15 =	vmul.f32 v20, v4;
	v21 =	vsub.f32 v7, v23;
	v20 =	vld.idx.msk [tilespmem:v12+s31+$0x0], $0xffff;
	v10 =	vadd.f32 v16, v10  }
0xa2: {  	v16 =	vsub.f32 v8, v24;
	v23 =	vsub.f32 v7, v32;
	v13 =	vnsel vm0, $0x0, v13  }
0xa3: {  	v18 =	vmul.f32 v18, v18;
	v17 =	vmul.f32 v17, v17;
	v10 =	vadd.f32 v13, v10  }
0xa4: {  	v22 =	vmul.f32 v22, v22;
	v13 =	vld.idx.msk [tilespmem:v9+s3+$0x0], $0xffff;
	v9 =	vmul.f32 v19, v19;
	v19 =	vsub.f32 v8, v27  }
0xa5: {  	v21 =	vmul.f32 v21, v21;
	v24 =	vsub.f32 v7, v28;
	v28 =	vmul.f32 v29, v29;
	v27 =	vld.idx.msk [tilespmem:v14+s0+$0x0], $0xffff  }
0xa6: {  	v16 =	vmul.f32 v16, v16;
	v23 =	vmul.f32 v23, v23;
	v25 =	vsub.f32 v6, v25;
	v14 =	vld.idx.msk [tilespmem:v14+s3+$0x0], $0xffff  }
0xa7: {  	v20 =	vsub.f32 v6, v20;
	v19 =	vmul.f32 v19, v19;
	v24 =	vmul.f32 v24, v24;
	v29 =	vld.idx.msk [tilespmem:v11+s3+$0x0], $0xffff  }
0xa8: {  	v18 =	vadd.f32 v9, v18;
	v21 =	vadd.f32 v21, v28;
	v25 =	vmul.f32 v25, v25;
	v30 =	vld.idx.msk [tilespmem:v12+s3+$0x0], $0xffff  }
0xa9: {  	v16 =	vadd.f32 v23, v16;
	v19 =	vadd.f32 v24, v19;
	v20 =	vmul.f32 v20, v20;
	v9 =	vmovc v26  }
0xaa: {  	v17 =	vadd.f32 v17, v18;
	v18 =	vadd.f32 v22, v21;
	vm0 =	vne.s32 v13, v5  }
0xab: {  	v16 =	vadd.f32 v25, v16;
	v19 =	vadd.f32 v20, v19;
	v13 =	vmul.f32 v27, v4  }
0xac: {  	v17 =	vadd.f32 $9.999999960e-13, v17;
	v18 =	vadd.f32 $9.999999960e-13, v18;
	vm2 =	vne.s32 v14, v5  }
0xad: {  	v16 =	vadd.f32 $9.999999960e-13, v16;
	v14 =	vadd.f32 $9.999999960e-13, v19;
	vm1 =	vne.s32 v29, v5  }
0xae: {  	vm3 =	vgt.f32 v17, $9.999999970e-07;
	vm5 =	vgt.f32 v18, $9.999999970e-07;
	vm4 =	vne.s32 v30, v5  }
0xaf: {  	vm3 =	vmand vm0, vm3;
	vm0 =	vgt.f32 v16, $9.999999970e-07;
	vm6 =	vgt.f32 v14, $9.999999970e-07  }
0xb0: {  	v17 =	vnsel vm3, $0x3F800000, v17;
	vm1 =	vmand vm1, vm0;
	vm0 =	vmand vm2, vm5  }
0xb1: {  	v19 =	vshra.s32 v17, $0x1;
	v20 =	vmul.f32 $5.000000000e-01, v17;
	vm2 =	vmand vm4, vm6  }
0xb2: {  	v16 =	vnsel vm1, $0x3F800000, v16;
	v18 =	vnsel vm0, $0x3F800000, v18;
	v14 =	vnsel vm2, $0x3F800000, v14  }
0xb3: {  	v22 =	vmul.f32 $4.725898060e-02, v17;
	v17 =	vshra.s32 v18, $0x1;
	v23 =	vmul.f32 $5.000000000e-01, v18  }
0xb4: {  	v24 =	vshra.s32 v16, $0x1;
	v25 =	vmul.f32 $5.000000000e-01, v16;
	v21 =	vshra.s32 v14, $0x1  }
0xb5: {  	v26 =	vmin.f32 v22, $9.999989860e-01;
	v27 =	vmul.f32 $5.000000000e-01, v14;
	v28 =	vmul.f32 $4.725898060e-02, v14  }
0xb6: {  	v19 =	vsub.s32 $0x5F3759DF, v19;
	v14 =	vsub.f32 $1.000000000e+00, v26;
	v26 =	vmul.f32 $4.725898060e-02, v18  }
0xb7: {  	v29 =	vmul.f32 $4.725898060e-02, v16;
	v17 =	vsub.s32 $0x5F3759DF, v17;
	v18 =	vmin.f32 v28, $9.999989860e-01  }
0xb8: {  	v16 =	vsub.f32 $1.000000000e+00, v18;
	v18 =	vsub.s32 $0x5F3759DF, v24;
	(erf) = vrcp.f32 v14  }
0xb9: {  	v21 =	vsub.s32 $0x5F3759DF, v21;
	v24 =	vmin.f32 v29, $9.999989860e-01;
	v14 =	vmul.f32 v19, v20;
	v11 =	vld.idx.msk [tilespmem:v11+s0+$0x0], $0xffff  }
0xba: {  	v30 =	vmul.f32 v17, v23;
	v24 =	vsub.f32 $1.000000000e+00, v24;
	v12 =	vld.idx.msk [tilespmem:v12+s0+$0x0], $0xffff;
	(erf) = vrcp.f32 v16  }
0xbb: {  	v32 =	vmin.f32 v26, $9.999989860e-01;
	v31 =	vmul.f32 v18, v25;
	v16 =	vmul.f32 v21, v27  }
0xbc: {  	v32 =	vsub.f32 $1.000000000e+00, v32;
	v33 =	vmul.f32 v19, v14;
	(erf) = vrcp.f32 v24  }
0xbd: {  	s26 =	sadd.s32 $0x3, s13;
	v30 =	vmul.f32 v17, v30;
	v24 =	vmul.f32 v18, v31  }
0xbe: {  	v14 =	vor.u32 s26, v2;
	v31 =	vmul.f32 v21, v16;
	(erf) = vrcp.f32 v32  }
0xbf: {  	v30 =	vsub.f32 $1.500000000e+00, v30;
	v33 =	vsub.f32 $1.500000000e+00, v33;
	v16 =	vmul.f32 v11, v4;
	v32 =	vld.idx.msk [tilespmem:v9+s31+$0x0], $0xffff  }
0xc0: {  	s26 =	sadd.s32 $0x2, s13;
	v31 =	vsub.f32 $1.500000000e+00, v31;
	v34 =	vmul.f32 v12, v4;
	v12 =	vsub.f32 $1.500000000e+00, v24  }
0xc1: {  	v30 =	vmul.f32 v17, v30;
	v11 =	vor.u32 s26, v2;
	v19 =	vmul.f32 v19, v33;
	v24 =	vld.idx.msk [tilespmem:v9+s29+$0x0], $0xffff;
	v17 =	vpop (erf)  }
0xc2: {  	s26 =	sadd.s32 $0x1, s13;
	v31 =	vmul.f32 v21, v31;
	v33 =	vmul.f32 v18, v12;
	v17 =	vsub.f32 $1.000000000e+00, v17  }
0xc3: {  	v39 =	vmul.f32 v19, v20;
	v21 =	vmul.f32 v30, v23;
	v12 =	vor.u32 s26, v2;
	v35 =	vpop (erf)  }
0xc4: {  	v37 =	vmul.f32 v33, v25;
	v41 =	vmul.f32 $1.442695020e+00, v17;
	v35 =	vsub.f32 $1.000000000e+00, v35  }
0xc5: {  	v38 =	vmul.f32 v31, v27;
	v17 =	vsub.f32 v6, v32;
	v32 =	vmul.f32 v39, v19;
	v18 =	vpop (erf)  }
0xc6: {  	v39 =	vld.idx.msk [tilespmem:v9+s30+$0x0], $0xffff;
	v35 =	vmul.f32 $1.442695020e+00, v35;
	v40 =	vsub.f32 $1.000000000e+00, v18;
	(erf) = vpow2.f32 v41  }
0xc7: {  	v21 =	vmul.f32 v21, v30;
	v18 =	vsub.f32 v8, v24;
	v24 =	vmul.f32 v38, v31;
	v36 =	vpop (erf)  }
0xc8: {  	v38 =	vmul.f32 $1.442695020e+00, v40;
	v36 =	vsub.f32 $1.000000000e+00, v36;
	(erf) = vpow2.f32 v35  }
0xc9: {  	v21 =	vsub.f32 $1.500000000e+00, v21;
	v32 =	vsub.f32 $1.500000000e+00, v32;
	v35 =	vmul.f32 v37, v33  }
0xca: {  	v24 =	vsub.f32 $1.500000000e+00, v24;
	v36 =	vmul.f32 $1.442695020e+00, v36;
	(erf) = vpow2.f32 v38  }
0xcb: {  	v21 =	vmul.f32 v21, v30;
	v32 =	vmul.f32 v32, v19;
	v35 =	vsub.f32 $1.500000000e+00, v35  }
0xcc: {  	v24 =	vmul.f32 v24, v31;
	v19 =	vsub.f32 v7, v39;
	(erf) = vpow2.f32 v36  }
0xcd: {  	vm6 =	vlt.f32 v22, $1.000000000e+00;
	v20 =	vmul.f32 v32, v20;
	v30 =	vmul.f32 v35, v33  }
0xce: {  	vm4 =	vlt.f32 v26, $1.000000000e+00;
	v31 =	vmul.f32 v21, v23;
	v22 =	vmul.f32 v24, v27  }
0xcf: {  	vm5 =	vlt.f32 v29, $1.000000000e+00;
	v20 =	vmul.f32 v20, v32;
	v25 =	vmul.f32 v30, v25;
	v26 =	vpop (erf)  }
0xd0: {  	vm7 =	vlt.f32 v28, $1.000000000e+00;
	v22 =	vmul.f32 v22, v24;
	v26 =	vsub.f32 $1.000000000e+00, v26  }
0xd1: {  	v28 =	vmul.f32 v31, v21;
	v27 =	vsub.f32 $1.500000000e+00, v20;
	v25 =	vmul.f32 v25, v30;
	v23 =	vpop (erf)  }
.Ltmp1:
0xd2: {  	v29 =	vsub.f32 $1.500000000e+00, v22;
	v20 =	vld.idx.msk [tilespmem:v9+s0+$0x0], $0xffff;
	v26 =	vnsel vm6, $0x3F800000, v26;
	v23 =	vsub.f32 $1.000000000e+00, v23;
	(pc) =	sbr.rel @p0 .LBB2_5-.Ltmp1, $4  }
0xd3: {  	v27 =	vmul.f32 v27, v32;
	v31 =	vsub.f32 $1.500000000e+00, v25;
	v22 =	vld.idx.msk [tilespmem:v14+s31+$0x0], $0xffff;
	v26 =	vmul.f32 v26, v15;
	v32 =	vpop (erf)  }
0xd4: {  	v25 =	vmul.f32 v29, v24;
	v15 =	vld.idx.msk [tilespmem:v14+s29+$0x0], $0xffff;
	v24 =	vnsel vm7, $0x3F800000, v23;
	v32 =	vsub.f32 $1.000000000e+00, v32  }
0xd5: {  	v29 =	vsub.f32 $1.500000000e+00, v28;
	v23 =	vld.idx.msk [tilespmem:v14+s30+$0x0], $0xffff;
	v26 =	vmul.f32 v27, v26;
	v27 =	vmul.f32 v24, v34;
	v33 =	vpop (erf)  }
0xd6: {  	s13 =	sadd.s32 $0x4, s13;
	v28 =	vmul.f32 v31, v30;
	v24 =	vld.idx.msk [tilespmem:v11+s29+$0x0], $0xffff;
	v31 =	vnsel vm5, $0x3F800000, v32;
	v30 =	vsub.f32 $1.000000000e+00, v33  }
0xd7: {  	_ =	sdelay $0x3  }
0xd8: {  	v32 =	vld.idx.msk [tilespmem:v11+s30+$0x0], $0xffff  }
0xd9: {  	v16 =	vmul.f32 v31, v16;
	v31 =	vld.idx.msk [tilespmem:v12+s29+$0x0], $0xffff;
	v21 =	vmul.f32 v29, v21  }
0xda: {  	v29 =	vld.idx.msk [tilespmem:v12+s30+$0x0], $0xffff;
	v25 =	vmul.f32 v25, v27;
	v18 =	vmul.f32 v18, v18;
	v30 =	vnsel vm4, $0x3F800000, v30  }
0xdb: {  	v27 =	vld.idx.msk [tilespmem:v11+s31+$0x0], $0xffff;
	v19 =	vmul.f32 v19, v19;
	v13 =	vmul.f32 v30, v13  }
0xdc: {  	v26 =	vnsel vm3, $0x0, v26;
	v17 =	vmul.f32 v17, v17;
	v9 =	vld.idx.msk [tilespmem:v9+s3+$0x0], $0xffff;
	v22 =	vsub.f32 v6, v22  }
0xdd: {  	v15 =	vsub.f32 v8, v15;
	v18 =	vadd.f32 v19, v18;
	v13 =	vmul.f32 v21, v13;
	v21 =	vld.idx.msk [tilespmem:v12+s31+$0x0], $0xffff  }
0xde: {  	v16 =	vmul.f32 v28, v16;
	v23 =	vsub.f32 v7, v23;
	v24 =	vsub.f32 v8, v24  }
0xdf: {  	v22 =	vmul.f32 v22, v22;
	v17 =	vadd.f32 v17, v18;
	v28 =	vsub.f32 v7, v32  }
0xe0: {  	v15 =	vmul.f32 v15, v15;
	v8 =	vsub.f32 v8, v31;
	v7 =	vsub.f32 v7, v29  }
0xe1: {  	v18 =	vld.idx.msk [tilespmem:v12+s3+$0x0], $0xffff;
	v23 =	vmul.f32 v23, v23;
	v27 =	vsub.f32 v6, v27;
	vm3 =	vne.s32 v9, v5  }
0xe2: {  	v24 =	vmul.f32 v24, v24;
	v28 =	vmul.f32 v28, v28;
	v6 =	vsub.f32 v6, v21;
	v21 =	vld.idx.msk [tilespmem:v14+s0+$0x0], $0xffff  }
0xe3: {  	v9 =	vadd.f32 $9.999999960e-13, v17;
	v8 =	vmul.f32 v8, v8;
	v15 =	vadd.f32 v23, v15;
	v14 =	vld.idx.msk [tilespmem:v14+s3+$0x0], $0xffff  }
0xe4: {  	v7 =	vmul.f32 v7, v7;
	v19 =	vmul.f32 v27, v27;
	v23 =	vadd.f32 v28, v24;
	v24 =	vld.idx.msk [tilespmem:v11+s3+$0x0], $0xffff  }
0xe5: {  	v10 =	vadd.f32 v26, v10;
	vm4 =	vgt.f32 v9, $9.999999970e-07;
	v15 =	vadd.f32 v22, v15  }
0xe6: {  	v8 =	vadd.f32 v7, v8;
	v6 =	vmul.f32 v6, v6;
	v19 =	vadd.f32 v19, v23  }
0xe7: {  	v7 =	vmul.f32 v20, v4;
	vm5 =	vmand vm3, vm4;
	v15 =	vadd.f32 $9.999999960e-13, v15  }
0xe8: {  	vm8 =	vne.s32 v18, v5;
	v8 =	vadd.f32 v6, v8;
	v17 =	vadd.f32 $9.999999960e-13, v19  }
0xe9: {  	v6 =	vmul.f32 v21, v4;
	vm6 =	vne.s32 v14, v5;
	vm7 =	vne.s32 v24, v5  }
0xea: {  	v5 =	vnsel vm5, $0x3F800000, v9;
	v8 =	vadd.f32 $9.999999960e-13, v8;
	vm3 =	vgt.f32 v17, $9.999999970e-07  }
0xeb: {  	v9 =	vshra.s32 v5, $0x1;
	v14 =	vmul.f32 $5.000000000e-01, v5;
	v5 =	vmul.f32 $4.725898060e-02, v5  }
0xec: {  	vm4 =	vmand vm7, vm3;
	vm3 =	vgt.f32 v15, $9.999999970e-07;
	v9 =	vsub.s32 $0x5F3759DF, v9  }
0xed: {  	vm3 =	vmand vm6, vm3;
	vm12 =	vgt.f32 v8, $9.999999970e-07;
	v17 =	vnsel vm4, $0x3F800000, v17  }
0xee: {  	v23 =	vmin.f32 v5, $9.999989860e-01;
	v28 =	vmul.f32 v9, v14;
	vm6 =	vmand vm8, vm12  }
0xef: {  	v15 =	vnsel vm3, $0x3F800000, v15;
	v21 =	vshra.s32 v17, $0x1;
	v22 =	vmul.f32 $5.000000000e-01, v17  }
0xf0: {  	v23 =	vsub.f32 $1.000000000e+00, v23;
	v17 =	vmul.f32 $4.725898060e-02, v17;
	v8 =	vnsel vm6, $0x3F800000, v8  }
0xf1: {  	v20 =	vshra.s32 v8, $0x1;
	v24 =	vmul.f32 $5.000000000e-01, v8;
	v8 =	vmul.f32 $4.725898060e-02, v8  }
0xf2: {  	v18 =	vshra.s32 v15, $0x1;
	v19 =	vmul.f32 $5.000000000e-01, v15;
	(erf) = vrcp.f32 v23  }
0xf3: {  	v15 =	vmul.f32 $4.725898060e-02, v15;
	v21 =	vsub.s32 $0x5F3759DF, v21;
	v27 =	vmin.f32 v8, $9.999989860e-01  }
0xf4: {  	v12 =	vld.idx.msk [tilespmem:v12+s0+$0x0], $0xffff;
	v28 =	vmul.f32 v9, v28;
	v23 =	vmin.f32 v17, $9.999989860e-01;
	v27 =	vsub.f32 $1.000000000e+00, v27  }
0xf5: {  	v11 =	vld.idx.msk [tilespmem:v11+s0+$0x0], $0xffff;
	v18 =	vsub.s32 $0x5F3759DF, v18;
	v23 =	vsub.f32 $1.000000000e+00, v23;
	v20 =	vsub.s32 $0x5F3759DF, v20  }
0xf6: {  	v30 =	vmin.f32 v15, $9.999989860e-01;
	(erf) = vrcp.f32 v27;
	v27 =	vmul.f32 v21, v22  }
0xf7: {  	v29 =	vmul.f32 v18, v19;
	v30 =	vsub.f32 $1.000000000e+00, v30;
	(erf) = vrcp.f32 v23  }
0xf8: {  	v25 =	vnsel vm2, $0x0, v25;
	v23 =	vmul.f32 v20, v24;
	v26 =	vmul.f32 v21, v27  }
0xf9: {  	v10 =	vadd.f32 v25, v10;
	v27 =	vmul.f32 v18, v29;
	(erf) = vrcp.f32 v30  }
0xfa: {  	v11 =	vmul.f32 v11, v4;
	v4 =	vmul.f32 v12, v4;
	v28 =	vsub.f32 $1.500000000e+00, v28  }
0xfb: {  	v23 =	vmul.f32 v20, v23;
	v27 =	vsub.f32 $1.500000000e+00, v27;
	v12 =	vsub.f32 $1.500000000e+00, v26;
	v25 =	vpop (erf)  }
0xfc: {  	v9 =	vmul.f32 v9, v28;
	v25 =	vsub.f32 $1.000000000e+00, v25  }
0xfd: {  	v23 =	vsub.f32 $1.500000000e+00, v23;
	v18 =	vmul.f32 v18, v27;
	v12 =	vmul.f32 v21, v12  }
0xfe: {  	v16 =	vnsel vm1, $0x0, v16;
	v21 =	vmul.f32 v9, v14;
	v25 =	vmul.f32 $1.442695020e+00, v25  }
0xff: {  	v10 =	vadd.f32 v16, v10;
	v20 =	vmul.f32 v20, v23;
	v23 =	vmul.f32 v18, v19;
	v26 =	vpop (erf)  }
0x100: {  	v27 =	vmul.f32 v12, v22;
	v16 =	vmul.f32 v21, v9;
	v26 =	vsub.f32 $1.000000000e+00, v26  }
0x101: {  	v21 =	vmul.f32 v20, v24;
	(erf) = vpow2.f32 v25;
	v28 =	vpop (erf)  }
0x102: {  	v23 =	vmul.f32 v23, v18;
	v16 =	vsub.f32 $1.500000000e+00, v16;
	v25 =	vpop (erf);
	v26 =	vmul.f32 $1.442695020e+00, v26  }
0x103: {  	v28 =	vsub.f32 $1.000000000e+00, v28;
	v21 =	vmul.f32 v21, v20;
	v25 =	vsub.f32 $1.000000000e+00, v25  }
0x104: {  	v23 =	vsub.f32 $1.500000000e+00, v23;
	v9 =	vmul.f32 v16, v9;
	(erf) = vpow2.f32 v26  }
0x105: {  	v13 =	vnsel vm0, $0x0, v13;
	v28 =	vmul.f32 $1.442695020e+00, v28;
	v26 =	vmul.f32 v27, v12  }
0x106: {  	v21 =	vsub.f32 $1.500000000e+00, v21;
	v25 =	vmul.f32 $1.442695020e+00, v25;
	v18 =	vmul.f32 v23, v18  }
0x107: {  	v14 =	vmul.f32 v9, v14;
	(erf) = vpow2.f32 v28;
	v16 =	vsub.f32 $1.500000000e+00, v26  }
0x108: {  	v10 =	vadd.f32 v13, v10;
	v13 =	vmul.f32 v21, v20;
	(erf) = vpow2.f32 v25  }
0x109: {  	vm1 =	vlt.f32 v5, $1.000000000e+00;
	v5 =	vmul.f32 v16, v12;
	v16 =	vmul.f32 v18, v19  }
0x10a: {  	v14 =	vmul.f32 v14, v9;
	v12 =	vmul.f32 v13, v24  }
0x10b: {  	vm2 =	vlt.f32 v17, $1.000000000e+00;
	vm0 =	vlt.f32 v15, $1.000000000e+00;
	v15 =	vmul.f32 v5, v22  }
0x10c: {  	vm13 =	vlt.f32 v8, $1.000000000e+00;
	v17 =	vpop (erf);
	v8 =	vsub.f32 $1.500000000e+00, v14;
	v12 =	vmul.f32 v12, v13  }
0x10d: {  	v17 =	vsub.f32 $1.000000000e+00, v17;
	v14 =	vmul.f32 v15, v5;
	v15 =	vmul.f32 v16, v18;
	v16 =	vpop (erf)  }
0x10e: {  	v12 =	vsub.f32 $1.500000000e+00, v12;
	v16 =	vsub.f32 $1.000000000e+00, v16;
	_ =	sdelay $0x1  }
0x10f: {  	v17 =	vnsel vm1, $0x3F800000, v17;
	v12 =	vmul.f32 v12, v13;
	v13 =	vnsel vm13, $0x3F800000, v16  }
0x110: {  	v8 =	vmul.f32 v8, v9;
	v7 =	vmul.f32 v17, v7;
	v9 =	vsub.f32 $1.500000000e+00, v14;
	v14 =	vpop (erf)  }
0x111: {  	v14 =	vsub.f32 $1.000000000e+00, v14  }
0x112: {  	v7 =	vmul.f32 v8, v7;
	v8 =	vsub.f32 $1.500000000e+00, v15;
	v4 =	vmul.f32 v13, v4;
	v13 =	vpop (erf)  }
0x113: {  	v5 =	vmul.f32 v9, v5;
	v9 =	vnsel vm2, $0x3F800000, v14;
	v14 =	vld [tilespmem:s19+$0x8200];
	v13 =	vsub.f32 $1.000000000e+00, v13  }
0x114: {  	v7 =	vnsel vm5, $0x0, v7;
	v4 =	vmul.f32 v12, v4;
	v9 =	vmul.f32 v9, v11  }
0x115: {  	v8 =	vmul.f32 v8, v18;
	v7 =	vadd.f32 v7, v10;
	v10 =	vnsel vm0, $0x3F800000, v13  }
0x116: {  	v4 =	vnsel vm6, $0x0, v4;
	v5 =	vmul.f32 v5, v9;
	v6 =	vmul.f32 v10, v6  }
0x117: {  	v4 =	vadd.f32 v4, v7  }
0x118: {  	v5 =	vnsel vm4, $0x0, v5;
	v7 =	vadd.s32 v3, v14;
	v6 =	vmul.f32 v8, v6  }
0x119: {  	v4 =	vadd.f32 v5, v4  }
0x11a: {  	v5 =	vnsel vm3, $0x0, v6  }
0x11b: {  	v4 =	vadd.f32 v5, v4  }
0x11c: {  	s13 =	simm.s32 $0x403  }
0x11d: {  	v10 =	vor.u32 s13, v2;
	[tilespmem:v7+s10+$0x0] =	vst.idx.add.f32.msk $0xffff, v4  }
0x11e: {  	s26 =	simm.s32 $0x402;
	v5 =	vld [tilespmem:s19+$0x5010]  }
0x11f: {  	v11 =	vor.u32 s26, v2;
	v6 =	vld [tilespmem:s19+$0x5C90]  }
0x120: {  	v8 =	vld [tilespmem:s19+$0x6910]  }
0x121: {  	v7 =	vld [tilespmem:s19+$0x7590]  }
0x122: {  	v4 =	vld.idx.msk [tilespmem:v10+s31+$0x0], $0xffff  }
0x123: {  	s12 =	simm.s32 $0x401;
	v12 =	vld.idx.msk [tilespmem:v10+s0+$0x0], $0xffff  }
0x124: {  	v13 =	vor.u32 s12, v2;
	v9 =	vld.idx.msk [tilespmem:v11+s31+$0x0], $0xffff  }
0x125: {  	s26 =	simm.s32 $0x400;
	v14 =	vld.idx.msk [tilespmem:v10+s29+$0x0], $0xffff  }
0x126: {  	v21 =	vor.u32 s26, v2;
	v15 =	vld.idx.msk [tilespmem:v10+s30+$0x0], $0xffff  }
0x127: {  	v16 =	vld.idx.msk [tilespmem:v11+s29+$0x0], $0xffff  }
0x128: {  	v17 =	vld.idx.msk [tilespmem:v11+s30+$0x0], $0xffff  }
0x129: {  	v18 =	vld.idx.msk [tilespmem:v13+s29+$0x0], $0xffff  }
0x12a: {  	v19 =	vld.idx.msk [tilespmem:v13+s30+$0x0], $0xffff  }
0x12b: {  	v22 =	vld.idx.msk [tilespmem:v21+s29+$0x0], $0xffff  }
0x12c: {  	v24 =	vld.idx.msk [tilespmem:v21+s30+$0x0], $0xffff;
	v20 =	vsub.f32 v8, v4  }
0x12d: {  	v25 =	vld.idx.msk [tilespmem:v13+s31+$0x0], $0xffff;
	v23 =	vsub.f32 v8, v9;
	v14 =	vsub.f32 v5, v14  }
0x12e: {  	v26 =	vld.idx.msk [tilespmem:v21+s31+$0x0], $0xffff;
	v15 =	vsub.f32 v6, v15;
	v16 =	vsub.f32 v5, v16  }
0x12f: {  	v17 =	vsub.f32 v6, v17;
	v18 =	vsub.f32 v5, v18  }
0x130: {  	v4 =	vmul.f32 v12, v7;
	v12 =	vsub.f32 v6, v19;
	v22 =	vsub.f32 v5, v22  }
0x131: {  	v24 =	vsub.f32 v6, v24;
	v19 =	vmul.f32 v23, v23;
	v14 =	vmul.f32 v14, v14  }
0x132: {  	v27 =	vld.idx.msk [tilespmem:v10+s3+$0x0], $0xffff;
	v10 =	vsub.f32 v8, v25;
	v15 =	vmul.f32 v15, v15;
	v16 =	vmul.f32 v16, v16  }
0x133: {  	s9 =	sor.u32 $0x10, s9;
	v25 =	vsub.f32 v8, v26;
	v26 =	vld.idx.msk [tilespmem:v13+s3+$0x0], $0xffff;
	v17 =	vmul.f32 v17, v17;
	v18 =	vmul.f32 v18, v18  }
0x134: {  	v9 =	vor.u32 s9, v0;
	v23 =	vld.idx.msk [tilespmem:v11+s0+$0x0], $0xffff;
	v12 =	vmul.f32 v12, v12;
	v22 =	vmul.f32 v22, v22  }
0x135: {  	v11 =	vld.idx.msk [tilespmem:v11+s3+$0x0], $0xffff;
	v24 =	vmul.f32 v24, v24;
	v28 =	vmul.f32 v10, v10;
	v10 =	vadd.f32 v17, v16  }
0x136: {  	v20 =	vmul.f32 v20, v20;
	v14 =	vadd.f32 v15, v14;
	v15 =	vld.idx.msk [tilespmem:v21+s3+$0x0], $0xffff;
	v12 =	vadd.f32 v12, v18  }
0x137: {  	v16 =	vadd.f32 v24, v22;
	v17 =	vmul.f32 v25, v25;
	v18 =	vadd.f32 v19, v10  }
0x138: {  	vm0 =	vne.s32 v27, v9;
	v14 =	vadd.f32 v20, v14;
	v12 =	vadd.f32 v28, v12  }
0x139: {  	vm2 =	vne.s32 v26, v9;
	v16 =	vadd.f32 v17, v16;
	v17 =	vadd.f32 $9.999999960e-13, v18  }
0x13a: {  	vm1 =	vne.s32 v11, v9;
	v11 =	vadd.f32 $9.999999960e-13, v14;
	v12 =	vadd.f32 $9.999999960e-13, v12  }
0x13b: {  	v10 =	vmul.f32 v23, v7;
	v14 =	vadd.f32 $9.999999960e-13, v16;
	vm3 =	vne.s32 v15, v9  }
0x13c: {  	vm4 =	vgt.f32 v17, $9.999999970e-07;
	vm5 =	vgt.f32 v11, $9.999999970e-07;
	vm15 =	vgt.f32 v12, $9.999999970e-07  }
0x13d: {  	vm14 =	vgt.f32 v14, $9.999999970e-07;
	vm0 =	vmand vm0, vm5;
	vm2 =	vmand vm2, vm15  }
0x13e: {  	vm3 =	vmand vm3, vm14;
	vm1 =	vmand vm1, vm4;
	v20 =	vnsel vm2, $0x3F800000, v12  }
0x13f: {  	v22 =	vnsel vm1, $0x3F800000, v17;
	v11 =	vnsel vm0, $0x3F800000, v11;
	v14 =	vnsel vm3, $0x3F800000, v14  }
0x140: {  	v23 =	vshra.s32 v11, $0x1;
	v16 =	vmul.f32 $5.000000000e-01, v11;
	v12 =	vmul.f32 $4.725898060e-02, v14  }
0x141: {  	v24 =	vshra.s32 v22, $0x1;
	v15 =	vmul.f32 $5.000000000e-01, v22;
	v27 =	vshra.s32 v14, $0x1  }
0x142: {  	v28 =	vshra.s32 v20, $0x1;
	v18 =	vmul.f32 $5.000000000e-01, v20;
	v19 =	vmul.f32 $5.000000000e-01, v14  }
0x143: {  	v17 =	vmul.f32 $4.725898060e-02, v20;
	v20 =	vmul.f32 $4.725898060e-02, v22;
	v14 =	vmin.f32 v12, $9.999989860e-01  }
0x144: {  	v22 =	vmul.f32 $4.725898060e-02, v11;
	v25 =	vsub.s32 $0x5F3759DF, v24;
	v14 =	vsub.f32 $1.000000000e+00, v14  }
0x145: {  	v26 =	vsub.s32 $0x5F3759DF, v23;
	v24 =	vsub.s32 $0x5F3759DF, v28;
	v11 =	vmin.f32 v17, $9.999989860e-01  }
0x146: {  	v27 =	vsub.s32 $0x5F3759DF, v27;
	v28 =	vld.idx.msk [tilespmem:v13+s0+$0x0], $0xffff;
	v11 =	vsub.f32 $1.000000000e+00, v11;
	(erf) = vrcp.f32 v14  }
0x147: {  	v23 =	vmul.f32 v26, v16;
	v13 =	vmul.f32 v25, v15;
	v14 =	vmin.f32 v20, $9.999989860e-01  }
0x148: {  	v29 =	vmul.f32 v27, v19;
	v14 =	vsub.f32 $1.000000000e+00, v14;
	(erf) = vrcp.f32 v11  }
0x149: {  	v30 =	vmin.f32 v22, $9.999989860e-01;
	v31 =	vmul.f32 v26, v23;
	v63 =	vmul.f32 v25, v13;
	v13 =	vld.idx.msk [tilespmem:v21+s0+$0x0], $0xffff  }
0x14a: {  	v30 =	vsub.f32 $1.000000000e+00, v30;
	v11 =	vmul.f32 v24, v18;
	(erf) = vrcp.f32 v14  }
0x14b: {  	v23 =	vmul.f32 v27, v29;
	v21 =	vmul.f32 v28, v7  }
0x14c: {  	v14 =	vmul.f32 v24, v11;
	(erf) = vrcp.f32 v30  }
0x14d: {  	s13 =	simm.s32 $0x0;
	s9 =	sor.u32 $0x10, s19;
	v28 =	vsub.f32 $1.500000000e+00, v63;
	v29 =	vsub.f32 $1.500000000e+00, v31;
	v11 =	vimm.f32 $0.0e+00  }
.LBB2_7:
0x14e: {  	s26 =	sadd.s32 $0x407, s13;
	v30 =	vsub.f32 $1.500000000e+00, v23;
	v31 =	vmul.f32 v13, v7;
	v32 =	vsub.f32 $1.500000000e+00, v14  }
0x14f: {  	v23 =	vor.u32 s26, v2;
	v25 =	vmul.f32 v25, v28;
	v26 =	vmul.f32 v26, v29;
	v14 =	vpop (erf)  }
0x150: {  	s26 =	sadd.s32 $0x406, s13;
	v27 =	vmul.f32 v27, v30;
	v14 =	vsub.f32 $1.000000000e+00, v14;
	v28 =	vmul.f32 v24, v32  }
0x151: {  	v24 =	vor.u32 s26, v2;
	v29 =	vmul.f32 v25, v15;
	v30 =	vmul.f32 v26, v16;
	v13 =	vpop (erf)  }
0x152: {  	s26 =	sadd.s32 $0x405, s13;
	v14 =	vmul.f32 $1.442695020e+00, v14;
	v32 =	vmul.f32 v28, v18;
	v33 =	vsub.f32 $1.000000000e+00, v13  }
0x153: {  	v13 =	vor.u32 s26, v2;
	v34 =	vmul.f32 v27, v19;
	v30 =	vmul.f32 v30, v26;
	v35 =	vpop (erf)  }
0x154: {  	s26 =	sadd.s32 $0x404, s13;
	v36 =	vld.idx.msk [tilespmem:v23+s31+$0x0], $0xffff;
	v33 =	vmul.f32 $1.442695020e+00, v33;
	v35 =	vsub.f32 $1.000000000e+00, v35;
	(erf) = vpow2.f32 v14  }
0x155: {  	v14 =	vor.u32 s26, v2;
	v34 =	vmul.f32 v34, v27;
	v32 =	vmul.f32 v32, v28;
	v37 =	vpop (erf)  }
0x156: {  	v35 =	vmul.f32 $1.442695020e+00, v35;
	v37 =	vsub.f32 $1.000000000e+00, v37;
	(erf) = vpow2.f32 v33  }
0x157: {  	v29 =	vmul.f32 v29, v25;
	v30 =	vsub.f32 $1.500000000e+00, v30;
	v33 =	vsub.f32 $1.500000000e+00, v34  }
0x158: {  	v32 =	vsub.f32 $1.500000000e+00, v32;
	v34 =	vmul.f32 $1.442695020e+00, v37;
	(erf) = vpow2.f32 v35  }
0x159: {  	v29 =	vsub.f32 $1.500000000e+00, v29;
	v26 =	vmul.f32 v30, v26;
	v27 =	vmul.f32 v33, v27  }
0x15a: {  	v28 =	vmul.f32 v32, v28;
	v30 =	vsub.f32 v8, v36;
	(erf) = vpow2.f32 v34  }
0x15b: {  	vm4 =	vlt.f32 v22, $1.000000000e+00;
	v25 =	vmul.f32 v29, v25;
	v19 =	vmul.f32 v27, v19  }
0x15c: {  	vm5 =	vlt.f32 v20, $1.000000000e+00;
	v16 =	vmul.f32 v26, v16;
	v18 =	vmul.f32 v28, v18  }
0x15d: {  	vm6 =	vlt.f32 v17, $1.000000000e+00;
	v15 =	vmul.f32 v25, v15;
	v20 =	vmul.f32 v19, v27;
	v17 =	vpop (erf)  }
0x15e: {  	vm7 =	vlt.f32 v12, $1.000000000e+00;
	v12 =	vsub.f32 $1.000000000e+00, v17;
	v17 =	vmul.f32 v18, v28  }
0x15f: {  	v15 =	vmul.f32 v15, v25;
	v16 =	vmul.f32 v16, v26;
	v18 =	vsub.f32 $1.500000000e+00, v20;
	v19 =	vpop (erf)  }
0x160: {  	v20 =	vld.idx.msk [tilespmem:v23+s0+$0x0], $0xffff;
	v12 =	vnsel vm7, $0x3F800000, v12;
	v17 =	vsub.f32 $1.500000000e+00, v17;
	v32 =	vsub.f32 $1.000000000e+00, v19  }
0x161: {  	v15 =	vsub.f32 $1.500000000e+00, v15;
	v18 =	vmul.f32 v18, v27;
	v22 =	vld.idx.msk [tilespmem:v24+s31+$0x0], $0xffff;
	v12 =	vmul.f32 v12, v31;
	v27 =	vpop (erf)  }
0x162: {  	v29 =	vld.idx.msk [tilespmem:v23+s29+$0x0], $0xffff;
	v17 =	vmul.f32 v17, v28;
	v31 =	vnsel vm6, $0x3F800000, v32;
	v27 =	vsub.f32 $1.000000000e+00, v27  }
0x163: {  	v16 =	vsub.f32 $1.500000000e+00, v16;
	v28 =	vld.idx.msk [tilespmem:v23+s30+$0x0], $0xffff;
	v12 =	vmul.f32 v18, v12;
	v18 =	vmul.f32 v31, v21;
	v19 =	vpop (erf)  }
0x164: {  	s13 =	sadd.s32 $0x4, s13;
	v15 =	vmul.f32 v15, v25;
	v21 =	vld.idx.msk [tilespmem:v24+s29+$0x0], $0xffff;
	v25 =	vnsel vm5, $0x3F800000, v27;
	v19 =	vsub.f32 $1.000000000e+00, v19  }
0x165: {  	p0 =	slt.u32 s13, $0x3C;
	v27 =	vld.idx.msk [tilespmem:v24+s30+$0x0], $0xffff;
	v12 =	vnsel vm3, $0x0, v12;
	v17 =	vmul.f32 v17, v18;
	v10 =	vmul.f32 v25, v10  }
0x166: {  	v18 =	vld.idx.msk [tilespmem:v13+s29+$0x0], $0xffff;
	v11 =	vadd.f32 v12, v11;
	v12 =	vmul.f32 v16, v26;
	v16 =	vnsel vm4, $0x3F800000, v19  }
0x167: {  	v19 =	vld.idx.msk [tilespmem:v13+s30+$0x0], $0xffff;
	v17 =	vnsel vm2, $0x0, v17;
	v10 =	vmul.f32 v15, v10;
	v4 =	vmul.f32 v16, v4  }
0x168: {  	v16 =	vsub.f32 v8, v22;
	v15 =	vld.idx.msk [tilespmem:v14+s29+$0x0], $0xffff;
	v11 =	vadd.f32 v17, v11  }
0x169: {  	v22 =	vsub.f32 v5, v29;
	v17 =	vld.idx.msk [tilespmem:v14+s30+$0x0], $0xffff;
	v10 =	vnsel vm1, $0x0, v10;
	v4 =	vmul.f32 v12, v4  }
0x16a: {  	v25 =	vsub.f32 v6, v28;
	v12 =	vld.idx.msk [tilespmem:v13+s31+$0x0], $0xffff;
	v10 =	vadd.f32 v10, v11  }
0x16b: {  	v21 =	vsub.f32 v5, v21;
	v27 =	vsub.f32 v6, v27;
	v26 =	vld.idx.msk [tilespmem:v14+s31+$0x0], $0xffff;
	v11 =	vnsel vm0, $0x0, v4  }
0x16c: {  	v18 =	vsub.f32 v5, v18;
	v4 =	vmul.f32 v20, v7;
	v11 =	vadd.f32 v11, v10  }
0x16d: {  	v16 =	vmul.f32 v16, v16;
	v10 =	vsub.f32 v6, v19;
	v19 =	vmul.f32 v30, v30  }
0x16e: {  	v22 =	vmul.f32 v22, v22;
	v25 =	vmul.f32 v25, v25;
	v15 =	vsub.f32 v5, v15;
	v20 =	vld.idx.msk [tilespmem:v24+s0+$0x0], $0xffff  }
0x16f: {  	v21 =	vmul.f32 v21, v21;
	v27 =	vmul.f32 v27, v27;
	v17 =	vsub.f32 v6, v17;
	v23 =	vld.idx.msk [tilespmem:v23+s3+$0x0], $0xffff  }
0x170: {  	v18 =	vmul.f32 v18, v18;
	v10 =	vmul.f32 v10, v10;
	v12 =	vsub.f32 v8, v12;
	v24 =	vld.idx.msk [tilespmem:v24+s3+$0x0], $0xffff  }
0x171: {  	v15 =	vmul.f32 v15, v15;
	v26 =	vsub.f32 v8, v26;
	v17 =	vmul.f32 v17, v17;
	v28 =	vld.idx.msk [tilespmem:v13+s3+$0x0], $0xffff  }
0x172: {  	v22 =	vadd.f32 v25, v22;
	v21 =	vadd.f32 v27, v21;
	v12 =	vmul.f32 v12, v12;
	v29 =	vld.idx.msk [tilespmem:v14+s3+$0x0], $0xffff  }
0x173: {  	v18 =	vadd.f32 v10, v18;
	v15 =	vadd.f32 v17, v15;
	v17 =	vmul.f32 v26, v26  }
0x174: {  	v19 =	vadd.f32 v19, v22;
	v16 =	vadd.f32 v16, v21;
	v10 =	vmul.f32 v20, v7  }
0x175: {  	v12 =	vadd.f32 v12, v18;
	v15 =	vadd.f32 v17, v15;
	vm0 =	vne.s32 v23, v9  }
0x176: {  	v16 =	vadd.f32 $9.999999960e-13, v16;
	v17 =	vadd.f32 $9.999999960e-13, v19;
	vm1 =	vne.s32 v24, v9  }
0x177: {  	v12 =	vadd.f32 $9.999999960e-13, v12;
	v15 =	vadd.f32 $9.999999960e-13, v15;
	vm2 =	vne.s32 v28, v9  }
0x178: {  	vm4 =	vgt.f32 v16, $9.999999970e-07;
	vm5 =	vgt.f32 v17, $9.999999970e-07;
	vm3 =	vne.s32 v29, v9  }
0x179: {  	vm7 =	vgt.f32 v12, $9.999999970e-07;
	vm0 =	vmand vm0, vm5;
	vm6 =	vgt.f32 v15, $9.999999970e-07  }
0x17a: {  	vm1 =	vmand vm1, vm4;
	vm2 =	vmand vm2, vm7;
	vm3 =	vmand vm3, vm6  }
0x17b: {  	v21 =	vnsel vm1, $0x3F800000, v16;
	v22 =	vnsel vm0, $0x3F800000, v17;
	v20 =	vnsel vm2, $0x3F800000, v12  }
0x17c: {  	v23 =	vshra.s32 v22, $0x1;
	v16 =	vmul.f32 $5.000000000e-01, v22;
	v17 =	vnsel vm3, $0x3F800000, v15  }
0x17d: {  	v24 =	vshra.s32 v21, $0x1;
	v15 =	vmul.f32 $5.000000000e-01, v21;
	v12 =	vmul.f32 $4.725898060e-02, v17  }
0x17e: {  	v28 =	vshra.s32 v20, $0x1;
	v18 =	vmul.f32 $5.000000000e-01, v20;
	v27 =	vshra.s32 v17, $0x1  }
0x17f: {  	v19 =	vmul.f32 $5.000000000e-01, v17;
	v17 =	vmul.f32 $4.725898060e-02, v20;
	v25 =	vmin.f32 v12, $9.999989860e-01  }
0x180: {  	v22 =	vmul.f32 $4.725898060e-02, v22;
	v20 =	vmul.f32 $4.725898060e-02, v21;
	v29 =	vsub.f32 $1.000000000e+00, v25  }
0x181: {  	v26 =	vsub.s32 $0x5F3759DF, v23;
	v21 =	vmin.f32 v17, $9.999989860e-01;
	v25 =	vsub.s32 $0x5F3759DF, v24  }
0x182: {  	v24 =	vsub.s32 $0x5F3759DF, v28;
	v21 =	vsub.f32 $1.000000000e+00, v21;
	(erf) = vrcp.f32 v29  }
0x183: {  	v27 =	vsub.s32 $0x5F3759DF, v27;
	v23 =	vmin.f32 v20, $9.999989860e-01;
	v29 =	vmul.f32 v26, v16;
	v28 =	vld.idx.msk [tilespmem:v13+s0+$0x0], $0xffff  }
0x184: {  	v30 =	vmul.f32 v25, v15;
	v13 =	vld.idx.msk [tilespmem:v14+s0+$0x0], $0xffff;
	v14 =	vsub.f32 $1.000000000e+00, v23;
	(erf) = vrcp.f32 v21  }
.Ltmp2:
0x185: {  	v31 =	vmin.f32 v22, $9.999989860e-01;
	v21 =	vmul.f32 v27, v19;
	v23 =	vmul.f32 v24, v18;
	(pc) =	sbr.rel @p0 .LBB2_7-.Ltmp2, $4  }
0x186: {  	v31 =	vsub.f32 $1.000000000e+00, v31;
	v29 =	vmul.f32 v26, v29;
	(erf) = vrcp.f32 v14  }
0x187: {  	v30 =	vmul.f32 v25, v30;
	v14 =	vmul.f32 v24, v23  }
0x188: {  	v23 =	vmul.f32 v27, v21;
	(erf) = vrcp.f32 v31  }
0x189: {  	v29 =	vsub.f32 $1.500000000e+00, v29;
	v21 =	vmul.f32 v28, v7;
	v28 =	vsub.f32 $1.500000000e+00, v30  }
0x18a: {  	v5 =	vsub.f32 $1.500000000e+00, v23;
	v6 =	vmul.f32 v13, v7;
	v7 =	vsub.f32 $1.500000000e+00, v14  }
0x18b: {  	v8 =	vmul.f32 v25, v28;
	v9 =	vmul.f32 v26, v29;
	v13 =	vpop (erf)  }
0x18c: {  	v5 =	vmul.f32 v27, v5;
	v13 =	vsub.f32 $1.000000000e+00, v13;
	v7 =	vmul.f32 v24, v7  }
0x18d: {  	v14 =	vmul.f32 v8, v15;
	v23 =	vmul.f32 v9, v16  }
0x18e: {  	v24 =	vpop (erf);
	v13 =	vmul.f32 $1.442695020e+00, v13;
	v26 =	vmul.f32 v5, v19  }
0x18f: {  	v25 =	vmul.f32 v7, v18;
	v24 =	vsub.f32 $1.000000000e+00, v24;
	v23 =	vmul.f32 v23, v9  }
0x190: {  	v27 =	vpop (erf);
	(erf) = vpow2.f32 v13;
	v13 =	vmul.f32 v26, v5  }
0x191: {  	v14 =	vmul.f32 v14, v8;
	v24 =	vmul.f32 $1.442695020e+00, v24;
	v27 =	vsub.f32 $1.000000000e+00, v27  }
0x192: {  	v25 =	vmul.f32 v25, v7;
	v23 =	vsub.f32 $1.500000000e+00, v23;
	v26 =	vpop (erf);
	v13 =	vsub.f32 $1.500000000e+00, v13  }
0x193: {  	v27 =	vmul.f32 $1.442695020e+00, v27;
	(erf) = vpow2.f32 v24;
	v26 =	vsub.f32 $1.000000000e+00, v26  }
0x194: {  	v24 =	vsub.f32 $1.500000000e+00, v25;
	v9 =	vmul.f32 v23, v9;
	v5 =	vmul.f32 v13, v5  }
0x195: {  	(erf) = vpow2.f32 v27;
	v13 =	vsub.f32 $1.500000000e+00, v14;
	v25 =	vmul.f32 $1.442695020e+00, v26  }
0x196: {  	v7 =	vmul.f32 v24, v7;
	v14 =	vmul.f32 v5, v19  }
0x197: {  	v8 =	vmul.f32 v13, v8;
	(erf) = vpow2.f32 v25  }
0x198: {  	v13 =	vmul.f32 v7, v18;
	v14 =	vmul.f32 v14, v5  }
0x199: {  	vm6 =	vlt.f32 v17, $1.000000000e+00;
	v16 =	vmul.f32 v9, v16  }
0x19a: {  	v15 =	vmul.f32 v8, v15;
	v13 =	vmul.f32 v13, v7;
	v17 =	vpop (erf);
	v14 =	vsub.f32 $1.500000000e+00, v14  }
0x19b: {  	vm4 =	vlt.f32 v22, $1.000000000e+00;
	vm7 =	vlt.f32 v12, $1.000000000e+00;
	v12 =	vsub.f32 $1.000000000e+00, v17  }
0x19c: {  	v16 =	vmul.f32 v16, v9;
	v15 =	vmul.f32 v15, v8;
	v13 =	vsub.f32 $1.500000000e+00, v13;
	v17 =	vpop (erf)  }
0x19d: {  	v12 =	vnsel vm7, $0x3F800000, v12;
	v17 =	vsub.f32 $1.000000000e+00, v17;
	v5 =	vmul.f32 v14, v5  }
0x19e: {  	vm5 =	vlt.f32 v20, $1.000000000e+00;
	v7 =	vmul.f32 v13, v7;
	v6 =	vmul.f32 v12, v6;
	v14 =	vpop (erf)  }
0x19f: {  	v12 =	vsub.f32 $1.500000000e+00, v15;
	v13 =	vnsel vm6, $0x3F800000, v17;
	v14 =	vsub.f32 $1.000000000e+00, v14  }
0x1a0: {  	v5 =	vmul.f32 v5, v6;
	v6 =	vmul.f32 v13, v21;
	v13 =	vsub.f32 $1.500000000e+00, v16;
	v15 =	vpop (erf)  }
0x1a1: {  	v8 =	vmul.f32 v12, v8;
	v12 =	vnsel vm5, $0x3F800000, v14;
	v14 =	vsub.f32 $1.000000000e+00, v15;
	v15 =	vld [tilespmem:s9+$0x8200]  }
0x1a2: {  	v5 =	vnsel vm3, $0x0, v5;
	v6 =	vmul.f32 v7, v6;
	v7 =	vmul.f32 v12, v10  }
0x1a3: {  	v9 =	vmul.f32 v13, v9;
	v5 =	vadd.f32 v5, v11;
	v10 =	vnsel vm4, $0x3F800000, v14  }
0x1a4: {  	v6 =	vnsel vm2, $0x0, v6;
	v7 =	vmul.f32 v8, v7;
	v4 =	vmul.f32 v10, v4  }
0x1a5: {  	v5 =	vadd.f32 v6, v5  }
0x1a6: {  	v6 =	vnsel vm1, $0x0, v7;
	v4 =	vmul.f32 v9, v4;
	v7 =	vadd.s32 v3, v15  }
0x1a7: {  	p0 =	seq.s32 s18, $0x30;
	v5 =	vadd.f32 v6, v5  }
0x1a8: {  	s9 =	sadd.s32 @!p0 s19, s16;
	v4 =	vnsel vm0, $0x0, v4  }
0x1a9: {  	s9 =	sshll.u32 @!p0 s9, $0x3;
	v4 =	vadd.f32 v4, v5  }
0x1aa: {  	s9 =	sand.u32 @!p0 $0x1FFFFE00, s9  }
0x1ab: {  	s13 =	simm.s32 @!p0 $0x0;
	s9 =	sadd.s32 @!p0 s8, s9;
	[tilespmem:v7+s10+$0x0] =	vst.idx.add.f32.msk $0xffff, v4  }
0x1ac: {  	[tilespmem:s13], [sflag:$0x3] =	stream.linear.gather @!p0 [hbm4b:s9+s13], $0x800, $0x38;
	[tilespmem:$0x9F80] =	vst v63  }
0x1ad: {  	s9 =	simm.s32 @!p0 $0x3  }
0x1ae: {  	_ =	swait.ge @!p0 [sflag:s9], $0x800  }
0x1af: {  	[sflag:s9] =	ssyncset.done @!p0 $0x0  }
0x1b0: {  	s26 =	simm.s32 @!p0 $0x1000;
	[sflag:s9] =	ssyncadd.s32 @!p0 $0xFFFFF800;
	s9 =	simm.s32 @!p0 $0x800  }
0x1b1: {  	[tilespmem:s26], [sflag:$0x1] =	stream.indirect.gather @!p0 [hbm4b:s1+s9], $0x1, s13, s9, $0xb8;
	[tilespmem:$0x9F80] =	vst v63  }
0x1b2: {  	s26 =	simm.s32 @!p0 $0x1800  }
0x1b3: {  	[tilespmem:s26], [sflag:$0x1] =	stream.indirect.gather @!p0 [hbm4b:s4+s9], $0x1, s13, s9, $0xb8;
	[tilespmem:$0x9F80] =	vst v63  }
0x1b4: {  	s26 =	simm.s32 @!p0 $0x2000  }
0x1b5: {  	[tilespmem:s26], [sflag:$0x1] =	stream.indirect.gather @!p0 [hbm4b:s5+s9], $0x1, s13, s9, $0xb8;
	[tilespmem:$0x9F80] =	vst v63  }
0x1b6: {  	s26 =	simm.s32 @!p0 $0x2800  }
0x1b7: {  	[tilespmem:s26], [sflag:$0x1] =	stream.indirect.gather @!p0 [hbm4b:s6+s9], $0x1, s13, s9, $0xb8;
	[tilespmem:$0x9F80] =	vst v63  }
0x1b8: {  	_ =	swait.ge [sflag:s11], $0x800  }
0x1b9: {  	[sflag:s11] =	ssyncset.done $0x0  }
0x1ba: {  	[sflag:s11] =	ssyncadd.s32 $0xFFFFF800  }
0x1bb: {  	_ =	swait.ge [sflag:s11], $0x800  }
0x1bc: {  	[sflag:s11] =	ssyncset.done $0x0  }
0x1bd: {  	[sflag:s11] =	ssyncadd.s32 $0xFFFFF800  }
0x1be: {  	_ =	swait.ge [sflag:s11], $0x800  }
0x1bf: {  	[sflag:s11] =	ssyncset.done $0x0  }
0x1c0: {  	[sflag:s11] =	ssyncadd.s32 $0xFFFFF800  }
0x1c1: {  	_ =	swait.ge [sflag:s11], $0x800  }
0x1c2: {  	s26 =	simm.s32 $0x0;
	[sflag:s11] =	ssyncset.done $0x0  }
0x1c3: {  	v10 =	vor.u32 s26, v2;
	[sflag:s11] =	ssyncadd.s32 $0xFFFFF800  }
0x1c4: {  	v8 =	vld [tilespmem:s19+$0x5020]  }
0x1c5: {  	v7 =	vld [tilespmem:s19+$0x5CA0]  }
0x1c6: {  	s12 =	simm.s32 $0x3;
	v6 =	vld [tilespmem:s19+$0x6920]  }
0x1c7: {  	v11 =	vor.u32 s12, v2;
	v4 =	vld [tilespmem:s19+$0x75A0]  }
0x1c8: {  	v5 =	vld.idx.msk [tilespmem:v10+s22+$0x0], $0xffff  }
0x1c9: {  	s13 =	simm.s32 $0x2;
	v9 =	vld.idx.msk [tilespmem:v10+s20+$0x0], $0xffff  }
0x1ca: {  	v12 =	vor.u32 s13, v2;
	v13 =	vld.idx.msk [tilespmem:v10+s21+$0x0], $0xffff  }
0x1cb: {  	s26 =	simm.s32 $0x1;
	v14 =	vld.idx.msk [tilespmem:v10+s23+$0x0], $0xffff  }
0x1cc: {  	v16 =	vor.u32 s26, v2;
	v15 =	vld.idx.msk [tilespmem:v11+s22+$0x0], $0xffff  }
0x1cd: {  	v17 =	vld.idx.msk [tilespmem:v11+s20+$0x0], $0xffff  }
0x1ce: {  	v18 =	vld.idx.msk [tilespmem:v11+s21+$0x0], $0xffff  }
0x1cf: {  	v19 =	vld.idx.msk [tilespmem:v12+s20+$0x0], $0xffff  }
0x1d0: {  	s13 =	sor.u32 $0x20, s19;
	v20 =	vld.idx.msk [tilespmem:v12+s21+$0x0], $0xffff  }
0x1d1: {  	s9 =	sadd.s32 s7, s13;
	v22 =	vld.idx.msk [tilespmem:v16+s20+$0x0], $0xffff;
	v21 =	vsub.f32 v6, v5  }
0x1d2: {  	v24 =	vld.idx.msk [tilespmem:v16+s21+$0x0], $0xffff;
	v5 =	vor.u32 s9, v0;
	v23 =	vsub.f32 v8, v9;
	v13 =	vsub.f32 v7, v13  }
0x1d3: {  	v26 =	vld.idx.msk [tilespmem:v12+s22+$0x0], $0xffff;
	v25 =	vsub.f32 v6, v15;
	v17 =	vsub.f32 v8, v17;
	v15 =	vmul.f32 v14, v4  }
0x1d4: {  	v14 =	vld.idx.msk [tilespmem:v16+s22+$0x0], $0xffff;
	v18 =	vsub.f32 v7, v18;
	v19 =	vsub.f32 v8, v19;
	v23 =	vmul.f32 v23, v23  }
0x1d5: {  	v20 =	vsub.f32 v7, v20;
	v21 =	vmul.f32 v21, v21;
	v13 =	vmul.f32 v13, v13  }
0x1d6: {  	v10 =	vld.idx.msk [tilespmem:v10+s28+$0x0], $0xffff;
	v22 =	vsub.f32 v8, v22;
	v25 =	vmul.f32 v25, v25;
	v17 =	vmul.f32 v17, v17  }
0x1d7: {  	v27 =	vld.idx.msk [tilespmem:v11+s23+$0x0], $0xffff;
	v24 =	vsub.f32 v7, v24;
	v18 =	vmul.f32 v18, v18;
	v19 =	vmul.f32 v19, v19  }
0x1d8: {  	v11 =	vld.idx.msk [tilespmem:v11+s28+$0x0], $0xffff;
	v26 =	vsub.f32 v6, v26;
	v20 =	vmul.f32 v20, v20;
	v22 =	vmul.f32 v22, v22  }
0x1d9: {  	v28 =	vld.idx.msk [tilespmem:v12+s28+$0x0], $0xffff;
	v24 =	vmul.f32 v24, v24;
	v13 =	vadd.f32 v13, v23;
	v14 =	vsub.f32 v6, v14  }
0x1da: {  	v23 =	vmul.f32 v26, v26;
	v17 =	vadd.f32 v18, v17;
	v19 =	vadd.f32 v20, v19  }
0x1db: {  	v18 =	vld.idx.msk [tilespmem:v16+s28+$0x0], $0xffff;
	v22 =	vadd.f32 v24, v22;
	v20 =	vadd.f32 v21, v13;
	v14 =	vmul.f32 v14, v14  }
0x1dc: {  	s12 =	simm.s32 $0x4;
	vm0 =	vne.s32 v10, v5;
	v10 =	vadd.f32 v25, v17;
	v17 =	vadd.f32 v23, v19  }
0x1dd: {  	v9 =	vor.u32 s12, v2;
	v19 =	vadd.f32 $9.999999960e-13, v20;
	v14 =	vadd.f32 v14, v22  }
0x1de: {  	vm2 =	vne.s32 v11, v5;
	vm1 =	vne.s32 v28, v5;
	v13 =	vmul.f32 v27, v4  }
0x1df: {  	v10 =	vadd.f32 $9.999999960e-13, v10;
	vm3 =	vgt.f32 v19, $9.999999970e-07;
	v11 =	vadd.f32 $9.999999960e-13, v14  }
0x1e0: {  	vm4 =	vne.s32 v18, v5;
	v14 =	vadd.f32 $9.999999960e-13, v17;
	vm3 =	vmand vm0, vm3  }
0x1e1: {  	vm5 =	vgt.f32 v10, $9.999999970e-07;
	v17 =	vnsel vm3, $0x3F800000, v19;
	vm6 =	vgt.f32 v11, $9.999999970e-07  }
0x1e2: {  	vm0 =	vgt.f32 v14, $9.999999970e-07;
	v18 =	vshra.s32 v17, $0x1;
	v22 =	vmul.f32 $4.725898060e-02, v17  }
0x1e3: {  	vm1 =	vmand vm1, vm0;
	vm0 =	vmand vm2, vm5;
	vm2 =	vmand vm4, vm6  }
0x1e4: {  	v20 =	vmul.f32 $5.000000000e-01, v17;
	v18 =	vsub.s32 $0x5F3759DF, v18;
	v11 =	vnsel vm2, $0x3F800000, v11  }
0x1e5: {  	v14 =	vnsel vm1, $0x3F800000, v14;
	v10 =	vnsel vm0, $0x3F800000, v10;
	v25 =	vmin.f32 v22, $9.999989860e-01  }
0x1e6: {  	v17 =	vshra.s32 v10, $0x1;
	v23 =	vmul.f32 $5.000000000e-01, v10;
	v19 =	vshra.s32 v11, $0x1  }
0x1e7: {  	v21 =	vshra.s32 v14, $0x1;
	v24 =	vmul.f32 $5.000000000e-01, v14;
	v26 =	vmul.f32 $5.000000000e-01, v11  }
0x1e8: {  	v27 =	vmul.f32 $4.725898060e-02, v11;
	v11 =	vsub.f32 $1.000000000e+00, v25;
	v25 =	vmul.f32 $4.725898060e-02, v10  }
0x1e9: {  	v28 =	vmul.f32 $4.725898060e-02, v14;
	v17 =	vsub.s32 $0x5F3759DF, v17;
	v21 =	vsub.s32 $0x5F3759DF, v21  }
0x1ea: {  	v19 =	vsub.s32 $0x5F3759DF, v19;
	v10 =	vmin.f32 v27, $9.999989860e-01;
	(erf) = vrcp.f32 v11  }
0x1eb: {  	v12 =	vld.idx.msk [tilespmem:v12+s23+$0x0], $0xffff;
	v11 =	vmul.f32 v18, v20;
	v29 =	vmul.f32 v17, v23;
	v10 =	vsub.f32 $1.000000000e+00, v10  }
0x1ec: {  	v30 =	vld.idx.msk [tilespmem:v16+s23+$0x0], $0xffff;
	v14 =	vmin.f32 v28, $9.999989860e-01;
	v16 =	vmul.f32 v19, v26;
	v31 =	vmul.f32 v21, v24  }
0x1ed: {  	v14 =	vsub.f32 $1.000000000e+00, v14;
	v11 =	vmul.f32 v18, v11;
	(erf) = vrcp.f32 v10  }
0x1ee: {  	v31 =	vmul.f32 v21, v31;
	v29 =	vmul.f32 v17, v29;
	v10 =	vmin.f32 v25, $9.999989860e-01  }
0x1ef: {  	v33 =	vmul.f32 v19, v16;
	v32 =	vsub.f32 $1.000000000e+00, v10;
	(erf) = vrcp.f32 v14  }
0x1f0: {  	v16 =	vmul.f32 v12, v4;
	v57 =	vsub.f32 $1.500000000e+00, v11;
	v12 =	vsub.f32 $1.500000000e+00, v29  }
0x1f1: {  	v33 =	vsub.f32 $1.500000000e+00, v33;
	(erf) = vrcp.f32 v32  }
0x1f2: {  	v30 =	vmul.f32 v30, v4;
	v31 =	vsub.f32 $1.500000000e+00, v31;
	v32 =	vmul.f32 v18, v57  }
0x1f3: {  	v29 =	vld.idx.msk [tilespmem:v9+s22+$0x0], $0xffff;
	v34 =	vmul.f32 v17, v12;
	v33 =	vmul.f32 v19, v33  }
0x1f4: {  	v31 =	vmul.f32 v21, v31;
	v19 =	vmul.f32 v32, v20;
	v12 =	vpop (erf)  }
0x1f5: {  	vm5 =	vlt.f32 v22, $1.000000000e+00;
	v21 =	vmul.f32 v34, v23;
	v17 =	vsub.f32 $1.000000000e+00, v12  }
0x1f6: {  	vm4 =	vlt.f32 v25, $1.000000000e+00;
	v37 =	vmul.f32 v31, v24;
	v19 =	vmul.f32 v19, v32;
	v35 =	vpop (erf)  }
0x1f7: {  	v21 =	vmul.f32 v21, v34;
	v36 =	vmul.f32 $1.442695020e+00, v17;
	v35 =	vsub.f32 $1.000000000e+00, v35  }
0x1f8: {  	v59 =	vmul.f32 v37, v31;
	v17 =	vsub.f32 v6, v29;
	v29 =	vmul.f32 v33, v26;
	v38 =	vpop (erf)  }
0x1f9: {  	v38 =	vsub.f32 $1.000000000e+00, v38;
	(erf) = vpow2.f32 v36;
	v35 =	vmul.f32 $1.442695020e+00, v35  }
0x1fa: {  	v19 =	vsub.f32 $1.500000000e+00, v19;
	v21 =	vsub.f32 $1.500000000e+00, v21;
	v29 =	vmul.f32 v29, v33;
	v39 =	vpop (erf)  }
0x1fb: {  	v38 =	vmul.f32 $1.442695020e+00, v38;
	v39 =	vsub.f32 $1.000000000e+00, v39;
	(erf) = vpow2.f32 v35  }
0x1fc: {  	v32 =	vmul.f32 v19, v32;
	v21 =	vmul.f32 v21, v34;
	v35 =	vsub.f32 $1.500000000e+00, v59  }
0x1fd: {  	v29 =	vsub.f32 $1.500000000e+00, v29;
	v60 =	vmul.f32 $1.442695020e+00, v39;
	(erf) = vpow2.f32 v38  }
0x1fe: {  	vm6 =	vlt.f32 v28, $1.000000000e+00;
	v18 =	vld.idx.msk [tilespmem:v9+s20+$0x0], $0xffff;
	v20 =	vmul.f32 v32, v20;
	v31 =	vmul.f32 v35, v31  }
0x1ff: {  	s12 =	simm.s32 $0x7;
	v58 =	vld.idx.msk [tilespmem:v9+s21+$0x0], $0xffff;
	vm7 =	vlt.f32 v27, $1.000000000e+00;
	v29 =	vmul.f32 v29, v33;
	(erf) = vpow2.f32 v60  }
0x200: {  	v14 =	vor.u32 s12, v2;
	s12 =	simm.s32 $0x6;
	v23 =	vmul.f32 v21, v23;
	v24 =	vmul.f32 v31, v24  }
0x201: {  	v10 =	vimm.f32 $0.0e+00;
	v11 =	vor.u32 s12, v2;
	s12 =	simm.s32 $0x5;
	v22 =	vmul.f32 v29, v26  }
0x202: {  	v12 =	vor.u32 s12, v2;
	v20 =	vmul.f32 v20, v32;
	v25 =	vpop (erf);
	v24 =	vmul.f32 v24, v31  }
0x203: {  	v18 =	vsub.f32 v8, v18;
	v22 =	vmul.f32 v22, v29;
	v25 =	vsub.f32 $1.000000000e+00, v25  }
0x204: {  	v19 =	vsub.f32 v7, v58;
	v28 =	vmul.f32 v23, v21;
	v26 =	vsub.f32 $1.500000000e+00, v20;
	v23 =	vpop (erf)  }
0x205: {  	v20 =	vld.idx.msk [tilespmem:v9+s23+$0x0], $0xffff;
	v27 =	vsub.f32 $1.500000000e+00, v22;
	v25 =	vnsel vm5, $0x3F800000, v25;
	v23 =	vsub.f32 $1.000000000e+00, v23  }
0x206: {  	v26 =	vmul.f32 v26, v32;
	v22 =	vld.idx.msk [tilespmem:v14+s22+$0x0], $0xffff;
	v62 =	vsub.f32 $1.500000000e+00, v24;
	v61 =	vmul.f32 v25, v15;
	v24 =	vpop (erf)  }
0x207: {  	v15 =	vld.idx.msk [tilespmem:v14+s20+$0x0], $0xffff;
	v25 =	vmul.f32 v27, v29;
	v63 =	vsub.f32 $1.000000000e+00, v24;
	v27 =	vnsel vm7, $0x3F800000, v23  }
0x208: {  	v29 =	vsub.f32 $1.500000000e+00, v28;
	v24 =	vld.idx.msk [tilespmem:v11+s20+$0x0], $0xffff;
	v26 =	vmul.f32 v26, v61;
	v27 =	vmul.f32 v27, v30;
	v30 =	vpop (erf)  }
0x209: {  	s26 =	simm.s32 $0x8;
	v28 =	vmul.f32 v62, v31;
	v23 =	vld.idx.msk [tilespmem:v14+s21+$0x0], $0xffff;
	v31 =	vnsel vm6, $0x3F800000, v63;
	v30 =	vsub.f32 $1.000000000e+00, v30  }
.LBB2_9:
0x20a: {  	p1 =	slt.u32 s26, $0x3C;
	v32 =	vld.idx.msk [tilespmem:v11+s21+$0x0], $0xffff;
	v26 =	vnsel vm3, $0x0, v26;
	v25 =	vmul.f32 v25, v27;
	v16 =	vmul.f32 v31, v16  }
0x20b: {  	v21 =	vmul.f32 v29, v21;
	v10 =	vadd.f32 v26, v10;
	v26 =	vnsel vm4, $0x3F800000, v30  }
0x20c: {  	v27 =	vld.idx.msk [tilespmem:v12+s20+$0x0], $0xffff;
	v25 =	vnsel vm2, $0x0, v25;
	v16 =	vmul.f32 v28, v16;
	v13 =	vmul.f32 v26, v13  }
0x20d: {  	v22 =	vsub.f32 v6, v22;
	v26 =	vor.u32 s26, v2;
	v28 =	vld.idx.msk [tilespmem:v12+s21+$0x0], $0xffff;
	v10 =	vadd.f32 v25, v10  }
0x20e: {  	v29 =	vsub.f32 v8, v15;
	v25 =	vld.idx.msk [tilespmem:v11+s22+$0x0], $0xffff;
	v16 =	vnsel vm1, $0x0, v16;
	v13 =	vmul.f32 v21, v13  }
0x20f: {  	v15 =	vmul.f32 v20, v4;
	v21 =	vsub.f32 v7, v23;
	v20 =	vld.idx.msk [tilespmem:v12+s22+$0x0], $0xffff;
	v10 =	vadd.f32 v16, v10  }
0x210: {  	v16 =	vsub.f32 v8, v24;
	v23 =	vsub.f32 v7, v32;
	v13 =	vnsel vm0, $0x0, v13  }
0x211: {  	v18 =	vmul.f32 v18, v18;
	v17 =	vmul.f32 v17, v17;
	v10 =	vadd.f32 v13, v10  }
0x212: {  	v22 =	vmul.f32 v22, v22;
	v13 =	vld.idx.msk [tilespmem:v9+s28+$0x0], $0xffff;
	v9 =	vmul.f32 v19, v19;
	v19 =	vsub.f32 v8, v27  }
0x213: {  	v21 =	vmul.f32 v21, v21;
	v24 =	vsub.f32 v7, v28;
	v28 =	vmul.f32 v29, v29;
	v27 =	vld.idx.msk [tilespmem:v14+s23+$0x0], $0xffff  }
0x214: {  	v16 =	vmul.f32 v16, v16;
	v23 =	vmul.f32 v23, v23;
	v25 =	vsub.f32 v6, v25;
	v14 =	vld.idx.msk [tilespmem:v14+s28+$0x0], $0xffff  }
0x215: {  	v20 =	vsub.f32 v6, v20;
	v19 =	vmul.f32 v19, v19;
	v24 =	vmul.f32 v24, v24;
	v29 =	vld.idx.msk [tilespmem:v11+s28+$0x0], $0xffff  }
0x216: {  	v18 =	vadd.f32 v9, v18;
	v21 =	vadd.f32 v21, v28;
	v25 =	vmul.f32 v25, v25;
	v30 =	vld.idx.msk [tilespmem:v12+s28+$0x0], $0xffff  }
0x217: {  	v16 =	vadd.f32 v23, v16;
	v19 =	vadd.f32 v24, v19;
	v20 =	vmul.f32 v20, v20;
	v9 =	vmovc v26  }
0x218: {  	v17 =	vadd.f32 v17, v18;
	v18 =	vadd.f32 v22, v21;
	vm0 =	vne.s32 v13, v5  }
0x219: {  	v16 =	vadd.f32 v25, v16;
	v19 =	vadd.f32 v20, v19;
	v13 =	vmul.f32 v27, v4  }
0x21a: {  	v17 =	vadd.f32 $9.999999960e-13, v17;
	v18 =	vadd.f32 $9.999999960e-13, v18;
	vm2 =	vne.s32 v14, v5  }
0x21b: {  	v16 =	vadd.f32 $9.999999960e-13, v16;
	v14 =	vadd.f32 $9.999999960e-13, v19;
	vm1 =	vne.s32 v29, v5  }
0x21c: {  	vm3 =	vgt.f32 v17, $9.999999970e-07;
	vm5 =	vgt.f32 v18, $9.999999970e-07;
	vm4 =	vne.s32 v30, v5  }
0x21d: {  	vm3 =	vmand vm0, vm3;
	vm0 =	vgt.f32 v16, $9.999999970e-07;
	vm6 =	vgt.f32 v14, $9.999999970e-07  }
0x21e: {  	v17 =	vnsel vm3, $0x3F800000, v17;
	vm1 =	vmand vm1, vm0;
	vm0 =	vmand vm2, vm5  }
0x21f: {  	v19 =	vshra.s32 v17, $0x1;
	v20 =	vmul.f32 $5.000000000e-01, v17;
	vm2 =	vmand vm4, vm6  }
0x220: {  	v16 =	vnsel vm1, $0x3F800000, v16;
	v18 =	vnsel vm0, $0x3F800000, v18;
	v14 =	vnsel vm2, $0x3F800000, v14  }
0x221: {  	v22 =	vmul.f32 $4.725898060e-02, v17;
	v17 =	vshra.s32 v18, $0x1;
	v23 =	vmul.f32 $5.000000000e-01, v18  }
0x222: {  	v24 =	vshra.s32 v16, $0x1;
	v25 =	vmul.f32 $5.000000000e-01, v16;
	v21 =	vshra.s32 v14, $0x1  }
0x223: {  	v26 =	vmin.f32 v22, $9.999989860e-01;
	v27 =	vmul.f32 $5.000000000e-01, v14;
	v28 =	vmul.f32 $4.725898060e-02, v14  }
0x224: {  	v19 =	vsub.s32 $0x5F3759DF, v19;
	v14 =	vsub.f32 $1.000000000e+00, v26;
	v26 =	vmul.f32 $4.725898060e-02, v18  }
0x225: {  	v29 =	vmul.f32 $4.725898060e-02, v16;
	v17 =	vsub.s32 $0x5F3759DF, v17;
	v18 =	vmin.f32 v28, $9.999989860e-01  }
0x226: {  	v16 =	vsub.f32 $1.000000000e+00, v18;
	v18 =	vsub.s32 $0x5F3759DF, v24;
	(erf) = vrcp.f32 v14  }
0x227: {  	v21 =	vsub.s32 $0x5F3759DF, v21;
	v24 =	vmin.f32 v29, $9.999989860e-01;
	v14 =	vmul.f32 v19, v20;
	v11 =	vld.idx.msk [tilespmem:v11+s23+$0x0], $0xffff  }
0x228: {  	v30 =	vmul.f32 v17, v23;
	v24 =	vsub.f32 $1.000000000e+00, v24;
	v12 =	vld.idx.msk [tilespmem:v12+s23+$0x0], $0xffff;
	(erf) = vrcp.f32 v16  }
0x229: {  	v32 =	vmin.f32 v26, $9.999989860e-01;
	v31 =	vmul.f32 v18, v25;
	v16 =	vmul.f32 v21, v27  }
0x22a: {  	v32 =	vsub.f32 $1.000000000e+00, v32;
	v33 =	vmul.f32 v19, v14;
	(erf) = vrcp.f32 v24  }
0x22b: {  	s12 =	sadd.s32 $0x3, s26;
	v30 =	vmul.f32 v17, v30;
	v24 =	vmul.f32 v18, v31  }
0x22c: {  	v14 =	vor.u32 s12, v2;
	v31 =	vmul.f32 v21, v16;
	(erf) = vrcp.f32 v32  }
0x22d: {  	v30 =	vsub.f32 $1.500000000e+00, v30;
	v33 =	vsub.f32 $1.500000000e+00, v33;
	v16 =	vmul.f32 v11, v4;
	v32 =	vld.idx.msk [tilespmem:v9+s22+$0x0], $0xffff  }
0x22e: {  	s12 =	sadd.s32 $0x2, s26;
	v31 =	vsub.f32 $1.500000000e+00, v31;
	v34 =	vmul.f32 v12, v4;
	v12 =	vsub.f32 $1.500000000e+00, v24  }
0x22f: {  	v30 =	vmul.f32 v17, v30;
	v11 =	vor.u32 s12, v2;
	v19 =	vmul.f32 v19, v33;
	v24 =	vld.idx.msk [tilespmem:v9+s20+$0x0], $0xffff;
	v17 =	vpop (erf)  }
0x230: {  	s12 =	sadd.s32 $0x1, s26;
	v31 =	vmul.f32 v21, v31;
	v33 =	vmul.f32 v18, v12;
	v17 =	vsub.f32 $1.000000000e+00, v17  }
0x231: {  	v39 =	vmul.f32 v19, v20;
	v21 =	vmul.f32 v30, v23;
	v12 =	vor.u32 s12, v2;
	v35 =	vpop (erf)  }
0x232: {  	v37 =	vmul.f32 v33, v25;
	v41 =	vmul.f32 $1.442695020e+00, v17;
	v35 =	vsub.f32 $1.000000000e+00, v35  }
0x233: {  	v38 =	vmul.f32 v31, v27;
	v17 =	vsub.f32 v6, v32;
	v32 =	vmul.f32 v39, v19;
	v18 =	vpop (erf)  }
0x234: {  	v39 =	vld.idx.msk [tilespmem:v9+s21+$0x0], $0xffff;
	v35 =	vmul.f32 $1.442695020e+00, v35;
	v40 =	vsub.f32 $1.000000000e+00, v18;
	(erf) = vpow2.f32 v41  }
0x235: {  	v21 =	vmul.f32 v21, v30;
	v18 =	vsub.f32 v8, v24;
	v24 =	vmul.f32 v38, v31;
	v36 =	vpop (erf)  }
0x236: {  	v38 =	vmul.f32 $1.442695020e+00, v40;
	v36 =	vsub.f32 $1.000000000e+00, v36;
	(erf) = vpow2.f32 v35  }
0x237: {  	v21 =	vsub.f32 $1.500000000e+00, v21;
	v32 =	vsub.f32 $1.500000000e+00, v32;
	v35 =	vmul.f32 v37, v33  }
0x238: {  	v24 =	vsub.f32 $1.500000000e+00, v24;
	v36 =	vmul.f32 $1.442695020e+00, v36;
	(erf) = vpow2.f32 v38  }
0x239: {  	v21 =	vmul.f32 v21, v30;
	v32 =	vmul.f32 v32, v19;
	v35 =	vsub.f32 $1.500000000e+00, v35  }
0x23a: {  	v24 =	vmul.f32 v24, v31;
	v19 =	vsub.f32 v7, v39;
	(erf) = vpow2.f32 v36  }
0x23b: {  	vm6 =	vlt.f32 v22, $1.000000000e+00;
	v20 =	vmul.f32 v32, v20;
	v30 =	vmul.f32 v35, v33  }
0x23c: {  	vm4 =	vlt.f32 v26, $1.000000000e+00;
	v31 =	vmul.f32 v21, v23;
	v22 =	vmul.f32 v24, v27  }
0x23d: {  	vm5 =	vlt.f32 v29, $1.000000000e+00;
	v20 =	vmul.f32 v20, v32;
	v25 =	vmul.f32 v30, v25;
	v26 =	vpop (erf)  }
0x23e: {  	vm7 =	vlt.f32 v28, $1.000000000e+00;
	v22 =	vmul.f32 v22, v24;
	v26 =	vsub.f32 $1.000000000e+00, v26  }
0x23f: {  	v28 =	vmul.f32 v31, v21;
	v27 =	vsub.f32 $1.500000000e+00, v20;
	v25 =	vmul.f32 v25, v30;
	v23 =	vpop (erf)  }
.Ltmp3:
0x240: {  	v29 =	vsub.f32 $1.500000000e+00, v22;
	v20 =	vld.idx.msk [tilespmem:v9+s23+$0x0], $0xffff;
	v26 =	vnsel vm6, $0x3F800000, v26;
	v23 =	vsub.f32 $1.000000000e+00, v23;
	(pc) =	sbr.rel @p1 .LBB2_9-.Ltmp3, $4  }
0x241: {  	v27 =	vmul.f32 v27, v32;
	v31 =	vsub.f32 $1.500000000e+00, v25;
	v22 =	vld.idx.msk [tilespmem:v14+s22+$0x0], $0xffff;
	v26 =	vmul.f32 v26, v15;
	v32 =	vpop (erf)  }
0x242: {  	v25 =	vmul.f32 v29, v24;
	v15 =	vld.idx.msk [tilespmem:v14+s20+$0x0], $0xffff;
	v24 =	vnsel vm7, $0x3F800000, v23;
	v32 =	vsub.f32 $1.000000000e+00, v32  }
0x243: {  	v29 =	vsub.f32 $1.500000000e+00, v28;
	v23 =	vld.idx.msk [tilespmem:v14+s21+$0x0], $0xffff;
	v26 =	vmul.f32 v27, v26;
	v27 =	vmul.f32 v24, v34;
	v33 =	vpop (erf)  }
0x244: {  	s26 =	sadd.s32 $0x4, s26;
	v28 =	vmul.f32 v31, v30;
	v24 =	vld.idx.msk [tilespmem:v11+s20+$0x0], $0xffff;
	v31 =	vnsel vm5, $0x3F800000, v32;
	v30 =	vsub.f32 $1.000000000e+00, v33  }
0x245: {  	_ =	sdelay $0x3  }
0x246: {  	v32 =	vld.idx.msk [tilespmem:v11+s21+$0x0], $0xffff  }
0x247: {  	v16 =	vmul.f32 v31, v16;
	v31 =	vld.idx.msk [tilespmem:v12+s20+$0x0], $0xffff;
	v21 =	vmul.f32 v29, v21  }
0x248: {  	v29 =	vld.idx.msk [tilespmem:v12+s21+$0x0], $0xffff;
	v25 =	vmul.f32 v25, v27;
	v18 =	vmul.f32 v18, v18;
	v30 =	vnsel vm4, $0x3F800000, v30  }
0x249: {  	v27 =	vld.idx.msk [tilespmem:v11+s22+$0x0], $0xffff;
	v19 =	vmul.f32 v19, v19;
	v13 =	vmul.f32 v30, v13  }
0x24a: {  	v26 =	vnsel vm3, $0x0, v26;
	v17 =	vmul.f32 v17, v17;
	v9 =	vld.idx.msk [tilespmem:v9+s28+$0x0], $0xffff;
	v22 =	vsub.f32 v6, v22  }
0x24b: {  	v15 =	vsub.f32 v8, v15;
	v18 =	vadd.f32 v19, v18;
	v13 =	vmul.f32 v21, v13;
	v21 =	vld.idx.msk [tilespmem:v12+s22+$0x0], $0xffff  }
0x24c: {  	v16 =	vmul.f32 v28, v16;
	v23 =	vsub.f32 v7, v23;
	v24 =	vsub.f32 v8, v24  }
0x24d: {  	v22 =	vmul.f32 v22, v22;
	v17 =	vadd.f32 v17, v18;
	v28 =	vsub.f32 v7, v32  }
0x24e: {  	v15 =	vmul.f32 v15, v15;
	v8 =	vsub.f32 v8, v31;
	v7 =	vsub.f32 v7, v29  }
0x24f: {  	v18 =	vld.idx.msk [tilespmem:v12+s28+$0x0], $0xffff;
	v23 =	vmul.f32 v23, v23;
	v27 =	vsub.f32 v6, v27;
	vm3 =	vne.s32 v9, v5  }
0x250: {  	v24 =	vmul.f32 v24, v24;
	v28 =	vmul.f32 v28, v28;
	v6 =	vsub.f32 v6, v21;
	v21 =	vld.idx.msk [tilespmem:v14+s23+$0x0], $0xffff  }
0x251: {  	v9 =	vadd.f32 $9.999999960e-13, v17;
	v8 =	vmul.f32 v8, v8;
	v15 =	vadd.f32 v23, v15;
	v14 =	vld.idx.msk [tilespmem:v14+s28+$0x0], $0xffff  }
0x252: {  	v7 =	vmul.f32 v7, v7;
	v19 =	vmul.f32 v27, v27;
	v23 =	vadd.f32 v28, v24;
	v24 =	vld.idx.msk [tilespmem:v11+s28+$0x0], $0xffff  }
0x253: {  	v10 =	vadd.f32 v26, v10;
	vm4 =	vgt.f32 v9, $9.999999970e-07;
	v15 =	vadd.f32 v22, v15  }
0x254: {  	v8 =	vadd.f32 v7, v8;
	v6 =	vmul.f32 v6, v6;
	v19 =	vadd.f32 v19, v23  }
0x255: {  	v7 =	vmul.f32 v20, v4;
	vm5 =	vmand vm3, vm4;
	v15 =	vadd.f32 $9.999999960e-13, v15  }
0x256: {  	vm8 =	vne.s32 v18, v5;
	v8 =	vadd.f32 v6, v8;
	v17 =	vadd.f32 $9.999999960e-13, v19  }
0x257: {  	v6 =	vmul.f32 v21, v4;
	vm6 =	vne.s32 v14, v5;
	vm7 =	vne.s32 v24, v5  }
0x258: {  	v5 =	vnsel vm5, $0x3F800000, v9;
	v8 =	vadd.f32 $9.999999960e-13, v8;
	vm3 =	vgt.f32 v17, $9.999999970e-07  }
0x259: {  	v9 =	vshra.s32 v5, $0x1;
	v14 =	vmul.f32 $5.000000000e-01, v5;
	v5 =	vmul.f32 $4.725898060e-02, v5  }
0x25a: {  	vm4 =	vmand vm7, vm3;
	vm3 =	vgt.f32 v15, $9.999999970e-07;
	v9 =	vsub.s32 $0x5F3759DF, v9  }
0x25b: {  	vm3 =	vmand vm6, vm3;
	vm12 =	vgt.f32 v8, $9.999999970e-07;
	v17 =	vnsel vm4, $0x3F800000, v17  }
0x25c: {  	v23 =	vmin.f32 v5, $9.999989860e-01;
	v28 =	vmul.f32 v9, v14;
	vm6 =	vmand vm8, vm12  }
0x25d: {  	v15 =	vnsel vm3, $0x3F800000, v15;
	v21 =	vshra.s32 v17, $0x1;
	v22 =	vmul.f32 $5.000000000e-01, v17  }
0x25e: {  	v23 =	vsub.f32 $1.000000000e+00, v23;
	v17 =	vmul.f32 $4.725898060e-02, v17;
	v8 =	vnsel vm6, $0x3F800000, v8  }
0x25f: {  	v20 =	vshra.s32 v8, $0x1;
	v24 =	vmul.f32 $5.000000000e-01, v8;
	v8 =	vmul.f32 $4.725898060e-02, v8  }
0x260: {  	v18 =	vshra.s32 v15, $0x1;
	v19 =	vmul.f32 $5.000000000e-01, v15;
	(erf) = vrcp.f32 v23  }
0x261: {  	v15 =	vmul.f32 $4.725898060e-02, v15;
	v21 =	vsub.s32 $0x5F3759DF, v21;
	v27 =	vmin.f32 v8, $9.999989860e-01  }
0x262: {  	v12 =	vld.idx.msk [tilespmem:v12+s23+$0x0], $0xffff;
	v28 =	vmul.f32 v9, v28;
	v23 =	vmin.f32 v17, $9.999989860e-01;
	v27 =	vsub.f32 $1.000000000e+00, v27  }
0x263: {  	v11 =	vld.idx.msk [tilespmem:v11+s23+$0x0], $0xffff;
	v18 =	vsub.s32 $0x5F3759DF, v18;
	v23 =	vsub.f32 $1.000000000e+00, v23;
	v20 =	vsub.s32 $0x5F3759DF, v20  }
0x264: {  	v30 =	vmin.f32 v15, $9.999989860e-01;
	(erf) = vrcp.f32 v27;
	v27 =	vmul.f32 v21, v22  }
0x265: {  	v29 =	vmul.f32 v18, v19;
	v30 =	vsub.f32 $1.000000000e+00, v30;
	(erf) = vrcp.f32 v23  }
0x266: {  	v25 =	vnsel vm2, $0x0, v25;
	v23 =	vmul.f32 v20, v24;
	v26 =	vmul.f32 v21, v27  }
0x267: {  	v10 =	vadd.f32 v25, v10;
	v27 =	vmul.f32 v18, v29;
	(erf) = vrcp.f32 v30  }
0x268: {  	v11 =	vmul.f32 v11, v4;
	v4 =	vmul.f32 v12, v4;
	v28 =	vsub.f32 $1.500000000e+00, v28  }
0x269: {  	v23 =	vmul.f32 v20, v23;
	v27 =	vsub.f32 $1.500000000e+00, v27;
	v12 =	vsub.f32 $1.500000000e+00, v26;
	v25 =	vpop (erf)  }
0x26a: {  	v9 =	vmul.f32 v9, v28;
	v25 =	vsub.f32 $1.000000000e+00, v25  }
0x26b: {  	v23 =	vsub.f32 $1.500000000e+00, v23;
	v18 =	vmul.f32 v18, v27;
	v12 =	vmul.f32 v21, v12  }
0x26c: {  	v16 =	vnsel vm1, $0x0, v16;
	v21 =	vmul.f32 v9, v14;
	v25 =	vmul.f32 $1.442695020e+00, v25  }
0x26d: {  	v10 =	vadd.f32 v16, v10;
	v20 =	vmul.f32 v20, v23;
	v23 =	vmul.f32 v18, v19;
	v26 =	vpop (erf)  }
0x26e: {  	v27 =	vmul.f32 v12, v22;
	v16 =	vmul.f32 v21, v9;
	v26 =	vsub.f32 $1.000000000e+00, v26  }
0x26f: {  	v21 =	vmul.f32 v20, v24;
	(erf) = vpow2.f32 v25;
	v28 =	vpop (erf)  }
0x270: {  	v23 =	vmul.f32 v23, v18;
	v16 =	vsub.f32 $1.500000000e+00, v16;
	v25 =	vpop (erf);
	v26 =	vmul.f32 $1.442695020e+00, v26  }
0x271: {  	v28 =	vsub.f32 $1.000000000e+00, v28;
	v21 =	vmul.f32 v21, v20;
	v25 =	vsub.f32 $1.000000000e+00, v25  }
0x272: {  	v23 =	vsub.f32 $1.500000000e+00, v23;
	v9 =	vmul.f32 v16, v9;
	(erf) = vpow2.f32 v26  }
0x273: {  	v13 =	vnsel vm0, $0x0, v13;
	v28 =	vmul.f32 $1.442695020e+00, v28;
	v26 =	vmul.f32 v27, v12  }
0x274: {  	v21 =	vsub.f32 $1.500000000e+00, v21;
	v25 =	vmul.f32 $1.442695020e+00, v25;
	v18 =	vmul.f32 v23, v18  }
0x275: {  	v14 =	vmul.f32 v9, v14;
	(erf) = vpow2.f32 v28;
	v16 =	vsub.f32 $1.500000000e+00, v26  }
0x276: {  	v10 =	vadd.f32 v13, v10;
	v13 =	vmul.f32 v21, v20;
	(erf) = vpow2.f32 v25  }
0x277: {  	vm1 =	vlt.f32 v5, $1.000000000e+00;
	v5 =	vmul.f32 v16, v12;
	v16 =	vmul.f32 v18, v19  }
0x278: {  	v14 =	vmul.f32 v14, v9;
	v12 =	vmul.f32 v13, v24  }
0x279: {  	vm2 =	vlt.f32 v17, $1.000000000e+00;
	vm0 =	vlt.f32 v15, $1.000000000e+00;
	v15 =	vmul.f32 v5, v22  }
0x27a: {  	vm13 =	vlt.f32 v8, $1.000000000e+00;
	v17 =	vpop (erf);
	v8 =	vsub.f32 $1.500000000e+00, v14;
	v12 =	vmul.f32 v12, v13  }
0x27b: {  	v17 =	vsub.f32 $1.000000000e+00, v17;
	v14 =	vmul.f32 v15, v5;
	v15 =	vmul.f32 v16, v18;
	v16 =	vpop (erf)  }
0x27c: {  	v12 =	vsub.f32 $1.500000000e+00, v12;
	v16 =	vsub.f32 $1.000000000e+00, v16;
	_ =	sdelay $0x1  }
0x27d: {  	v17 =	vnsel vm1, $0x3F800000, v17;
	v12 =	vmul.f32 v12, v13;
	v13 =	vnsel vm13, $0x3F800000, v16  }
0x27e: {  	v8 =	vmul.f32 v8, v9;
	v7 =	vmul.f32 v17, v7;
	v9 =	vsub.f32 $1.500000000e+00, v14;
	v14 =	vpop (erf)  }
0x27f: {  	v14 =	vsub.f32 $1.000000000e+00, v14  }
0x280: {  	v7 =	vmul.f32 v8, v7;
	v8 =	vsub.f32 $1.500000000e+00, v15;
	v4 =	vmul.f32 v13, v4;
	v13 =	vpop (erf)  }
0x281: {  	v5 =	vmul.f32 v9, v5;
	v9 =	vnsel vm2, $0x3F800000, v14;
	v14 =	vld [tilespmem:s13+$0x8200];
	v13 =	vsub.f32 $1.000000000e+00, v13  }
0x282: {  	v7 =	vnsel vm5, $0x0, v7;
	v4 =	vmul.f32 v12, v4;
	v9 =	vmul.f32 v9, v11  }
0x283: {  	v8 =	vmul.f32 v8, v18;
	v7 =	vadd.f32 v7, v10;
	v10 =	vnsel vm0, $0x3F800000, v13  }
0x284: {  	v4 =	vnsel vm6, $0x0, v4;
	v5 =	vmul.f32 v5, v9;
	v6 =	vmul.f32 v10, v6  }
0x285: {  	v4 =	vadd.f32 v4, v7  }
0x286: {  	v5 =	vnsel vm4, $0x0, v5;
	v7 =	vadd.s32 v3, v14;
	v6 =	vmul.f32 v8, v6  }
0x287: {  	v4 =	vadd.f32 v5, v4  }
0x288: {  	v5 =	vnsel vm3, $0x0, v6  }
0x289: {  	v4 =	vadd.f32 v5, v4  }
0x28a: {  	s12 =	simm.s32 $0x403  }
0x28b: {  	v10 =	vor.u32 s12, v2;
	[tilespmem:v7+s10+$0x0] =	vst.idx.add.f32.msk $0xffff, v4  }
0x28c: {  	s26 =	simm.s32 $0x402;
	v5 =	vld [tilespmem:s19+$0x5030]  }
0x28d: {  	v11 =	vor.u32 s26, v2;
	v6 =	vld [tilespmem:s19+$0x5CB0]  }
0x28e: {  	v8 =	vld [tilespmem:s19+$0x6930]  }
0x28f: {  	v7 =	vld [tilespmem:s19+$0x75B0]  }
0x290: {  	v4 =	vld.idx.msk [tilespmem:v10+s22+$0x0], $0xffff  }
0x291: {  	s13 =	simm.s32 $0x401;
	v12 =	vld.idx.msk [tilespmem:v10+s23+$0x0], $0xffff  }
0x292: {  	v13 =	vor.u32 s13, v2;
	v9 =	vld.idx.msk [tilespmem:v11+s22+$0x0], $0xffff  }
0x293: {  	s26 =	simm.s32 $0x400;
	v14 =	vld.idx.msk [tilespmem:v10+s20+$0x0], $0xffff  }
0x294: {  	v21 =	vor.u32 s26, v2;
	v15 =	vld.idx.msk [tilespmem:v10+s21+$0x0], $0xffff  }
0x295: {  	v16 =	vld.idx.msk [tilespmem:v11+s20+$0x0], $0xffff  }
0x296: {  	v17 =	vld.idx.msk [tilespmem:v11+s21+$0x0], $0xffff  }
0x297: {  	v18 =	vld.idx.msk [tilespmem:v13+s20+$0x0], $0xffff  }
0x298: {  	v19 =	vld.idx.msk [tilespmem:v13+s21+$0x0], $0xffff  }
0x299: {  	v22 =	vld.idx.msk [tilespmem:v21+s20+$0x0], $0xffff  }
0x29a: {  	v24 =	vld.idx.msk [tilespmem:v21+s21+$0x0], $0xffff;
	v20 =	vsub.f32 v8, v4  }
0x29b: {  	v25 =	vld.idx.msk [tilespmem:v13+s22+$0x0], $0xffff;
	v23 =	vsub.f32 v8, v9;
	v14 =	vsub.f32 v5, v14  }
0x29c: {  	v26 =	vld.idx.msk [tilespmem:v21+s22+$0x0], $0xffff;
	v15 =	vsub.f32 v6, v15;
	v16 =	vsub.f32 v5, v16  }
0x29d: {  	v17 =	vsub.f32 v6, v17;
	v18 =	vsub.f32 v5, v18  }
0x29e: {  	v4 =	vmul.f32 v12, v7;
	v12 =	vsub.f32 v6, v19;
	v22 =	vsub.f32 v5, v22  }
0x29f: {  	v24 =	vsub.f32 v6, v24;
	v19 =	vmul.f32 v23, v23;
	v14 =	vmul.f32 v14, v14  }
0x2a0: {  	v27 =	vld.idx.msk [tilespmem:v10+s28+$0x0], $0xffff;
	v10 =	vsub.f32 v8, v25;
	v15 =	vmul.f32 v15, v15;
	v16 =	vmul.f32 v16, v16  }
0x2a1: {  	s9 =	sor.u32 $0x10, s9;
	v25 =	vsub.f32 v8, v26;
	v26 =	vld.idx.msk [tilespmem:v13+s28+$0x0], $0xffff;
	v17 =	vmul.f32 v17, v17;
	v18 =	vmul.f32 v18, v18  }
0x2a2: {  	v9 =	vor.u32 s9, v0;
	v23 =	vld.idx.msk [tilespmem:v11+s23+$0x0], $0xffff;
	v12 =	vmul.f32 v12, v12;
	v22 =	vmul.f32 v22, v22  }
0x2a3: {  	v11 =	vld.idx.msk [tilespmem:v11+s28+$0x0], $0xffff;
	v24 =	vmul.f32 v24, v24;
	v28 =	vmul.f32 v10, v10;
	v10 =	vadd.f32 v17, v16  }
0x2a4: {  	v20 =	vmul.f32 v20, v20;
	v14 =	vadd.f32 v15, v14;
	v15 =	vld.idx.msk [tilespmem:v21+s28+$0x0], $0xffff;
	v12 =	vadd.f32 v12, v18  }
0x2a5: {  	v16 =	vadd.f32 v24, v22;
	v17 =	vmul.f32 v25, v25;
	v18 =	vadd.f32 v19, v10  }
0x2a6: {  	vm0 =	vne.s32 v27, v9;
	v14 =	vadd.f32 v20, v14;
	v12 =	vadd.f32 v28, v12  }
0x2a7: {  	vm2 =	vne.s32 v26, v9;
	v16 =	vadd.f32 v17, v16;
	v17 =	vadd.f32 $9.999999960e-13, v18  }
0x2a8: {  	vm1 =	vne.s32 v11, v9;
	v11 =	vadd.f32 $9.999999960e-13, v14;
	v12 =	vadd.f32 $9.999999960e-13, v12  }
0x2a9: {  	v10 =	vmul.f32 v23, v7;
	v14 =	vadd.f32 $9.999999960e-13, v16;
	vm3 =	vne.s32 v15, v9  }
0x2aa: {  	vm4 =	vgt.f32 v17, $9.999999970e-07;
	vm5 =	vgt.f32 v11, $9.999999970e-07;
	vm15 =	vgt.f32 v12, $9.999999970e-07  }
0x2ab: {  	vm14 =	vgt.f32 v14, $9.999999970e-07;
	vm0 =	vmand vm0, vm5;
	vm2 =	vmand vm2, vm15  }
0x2ac: {  	vm3 =	vmand vm3, vm14;
	vm1 =	vmand vm1, vm4;
	v20 =	vnsel vm2, $0x3F800000, v12  }
0x2ad: {  	v22 =	vnsel vm1, $0x3F800000, v17;
	v11 =	vnsel vm0, $0x3F800000, v11;
	v14 =	vnsel vm3, $0x3F800000, v14  }
0x2ae: {  	v23 =	vshra.s32 v11, $0x1;
	v16 =	vmul.f32 $5.000000000e-01, v11;
	v12 =	vmul.f32 $4.725898060e-02, v14  }
0x2af: {  	v24 =	vshra.s32 v22, $0x1;
	v15 =	vmul.f32 $5.000000000e-01, v22;
	v27 =	vshra.s32 v14, $0x1  }
0x2b0: {  	v28 =	vshra.s32 v20, $0x1;
	v18 =	vmul.f32 $5.000000000e-01, v20;
	v19 =	vmul.f32 $5.000000000e-01, v14  }
0x2b1: {  	v17 =	vmul.f32 $4.725898060e-02, v20;
	v20 =	vmul.f32 $4.725898060e-02, v22;
	v14 =	vmin.f32 v12, $9.999989860e-01  }
0x2b2: {  	v22 =	vmul.f32 $4.725898060e-02, v11;
	v25 =	vsub.s32 $0x5F3759DF, v24;
	v14 =	vsub.f32 $1.000000000e+00, v14  }
0x2b3: {  	v26 =	vsub.s32 $0x5F3759DF, v23;
	v24 =	vsub.s32 $0x5F3759DF, v28;
	v11 =	vmin.f32 v17, $9.999989860e-01  }
0x2b4: {  	v27 =	vsub.s32 $0x5F3759DF, v27;
	v28 =	vld.idx.msk [tilespmem:v13+s23+$0x0], $0xffff;
	v11 =	vsub.f32 $1.000000000e+00, v11;
	(erf) = vrcp.f32 v14  }
0x2b5: {  	v23 =	vmul.f32 v26, v16;
	v13 =	vmul.f32 v25, v15;
	v14 =	vmin.f32 v20, $9.999989860e-01  }
0x2b6: {  	v29 =	vmul.f32 v27, v19;
	v14 =	vsub.f32 $1.000000000e+00, v14;
	(erf) = vrcp.f32 v11  }
0x2b7: {  	v30 =	vmin.f32 v22, $9.999989860e-01;
	v31 =	vmul.f32 v26, v23;
	v63 =	vmul.f32 v25, v13;
	v13 =	vld.idx.msk [tilespmem:v21+s23+$0x0], $0xffff  }
0x2b8: {  	v30 =	vsub.f32 $1.000000000e+00, v30;
	v11 =	vmul.f32 v24, v18;
	(erf) = vrcp.f32 v14  }
0x2b9: {  	v23 =	vmul.f32 v27, v29;
	v21 =	vmul.f32 v28, v7  }
0x2ba: {  	v14 =	vmul.f32 v24, v11;
	(erf) = vrcp.f32 v30  }
0x2bb: {  	s13 =	simm.s32 $0x0;
	s9 =	sor.u32 $0x30, s19;
	v28 =	vsub.f32 $1.500000000e+00, v63;
	v29 =	vsub.f32 $1.500000000e+00, v31;
	v11 =	vimm.f32 $0.0e+00  }
.LBB2_11:
0x2bc: {  	s12 =	sadd.s32 $0x407, s13;
	v30 =	vsub.f32 $1.500000000e+00, v23;
	v31 =	vmul.f32 v13, v7;
	v32 =	vsub.f32 $1.500000000e+00, v14  }
0x2bd: {  	v23 =	vor.u32 s12, v2;
	v25 =	vmul.f32 v25, v28;
	v26 =	vmul.f32 v26, v29;
	v14 =	vpop (erf)  }
0x2be: {  	s12 =	sadd.s32 $0x406, s13;
	v27 =	vmul.f32 v27, v30;
	v14 =	vsub.f32 $1.000000000e+00, v14;
	v28 =	vmul.f32 v24, v32  }
0x2bf: {  	v24 =	vor.u32 s12, v2;
	v29 =	vmul.f32 v25, v15;
	v30 =	vmul.f32 v26, v16;
	v13 =	vpop (erf)  }
0x2c0: {  	s12 =	sadd.s32 $0x405, s13;
	v14 =	vmul.f32 $1.442695020e+00, v14;
	v32 =	vmul.f32 v28, v18;
	v33 =	vsub.f32 $1.000000000e+00, v13  }
0x2c1: {  	v13 =	vor.u32 s12, v2;
	v34 =	vmul.f32 v27, v19;
	v30 =	vmul.f32 v30, v26;
	v35 =	vpop (erf)  }
0x2c2: {  	s12 =	sadd.s32 $0x404, s13;
	v36 =	vld.idx.msk [tilespmem:v23+s22+$0x0], $0xffff;
	v33 =	vmul.f32 $1.442695020e+00, v33;
	v35 =	vsub.f32 $1.000000000e+00, v35;
	(erf) = vpow2.f32 v14  }
0x2c3: {  	v14 =	vor.u32 s12, v2;
	v34 =	vmul.f32 v34, v27;
	v32 =	vmul.f32 v32, v28;
	v37 =	vpop (erf)  }
0x2c4: {  	v35 =	vmul.f32 $1.442695020e+00, v35;
	v37 =	vsub.f32 $1.000000000e+00, v37;
	(erf) = vpow2.f32 v33  }
0x2c5: {  	v29 =	vmul.f32 v29, v25;
	v30 =	vsub.f32 $1.500000000e+00, v30;
	v33 =	vsub.f32 $1.500000000e+00, v34  }
0x2c6: {  	v32 =	vsub.f32 $1.500000000e+00, v32;
	v34 =	vmul.f32 $1.442695020e+00, v37;
	(erf) = vpow2.f32 v35  }
0x2c7: {  	v29 =	vsub.f32 $1.500000000e+00, v29;
	v26 =	vmul.f32 v30, v26;
	v27 =	vmul.f32 v33, v27  }
0x2c8: {  	v28 =	vmul.f32 v32, v28;
	v30 =	vsub.f32 v8, v36;
	(erf) = vpow2.f32 v34  }
0x2c9: {  	vm4 =	vlt.f32 v22, $1.000000000e+00;
	v25 =	vmul.f32 v29, v25;
	v19 =	vmul.f32 v27, v19  }
0x2ca: {  	vm5 =	vlt.f32 v20, $1.000000000e+00;
	v16 =	vmul.f32 v26, v16;
	v18 =	vmul.f32 v28, v18  }
0x2cb: {  	vm6 =	vlt.f32 v17, $1.000000000e+00;
	v15 =	vmul.f32 v25, v15;
	v20 =	vmul.f32 v19, v27;
	v17 =	vpop (erf)  }
0x2cc: {  	vm7 =	vlt.f32 v12, $1.000000000e+00;
	v12 =	vsub.f32 $1.000000000e+00, v17;
	v17 =	vmul.f32 v18, v28  }
0x2cd: {  	v15 =	vmul.f32 v15, v25;
	v16 =	vmul.f32 v16, v26;
	v18 =	vsub.f32 $1.500000000e+00, v20;
	v19 =	vpop (erf)  }
0x2ce: {  	v20 =	vld.idx.msk [tilespmem:v23+s23+$0x0], $0xffff;
	v12 =	vnsel vm7, $0x3F800000, v12;
	v17 =	vsub.f32 $1.500000000e+00, v17;
	v32 =	vsub.f32 $1.000000000e+00, v19  }
0x2cf: {  	v15 =	vsub.f32 $1.500000000e+00, v15;
	v18 =	vmul.f32 v18, v27;
	v22 =	vld.idx.msk [tilespmem:v24+s22+$0x0], $0xffff;
	v12 =	vmul.f32 v12, v31;
	v27 =	vpop (erf)  }
0x2d0: {  	v29 =	vld.idx.msk [tilespmem:v23+s20+$0x0], $0xffff;
	v17 =	vmul.f32 v17, v28;
	v31 =	vnsel vm6, $0x3F800000, v32;
	v27 =	vsub.f32 $1.000000000e+00, v27  }
0x2d1: {  	v16 =	vsub.f32 $1.500000000e+00, v16;
	v28 =	vld.idx.msk [tilespmem:v23+s21+$0x0], $0xffff;
	v12 =	vmul.f32 v18, v12;
	v18 =	vmul.f32 v31, v21;
	v19 =	vpop (erf)  }
0x2d2: {  	s13 =	sadd.s32 $0x4, s13;
	v15 =	vmul.f32 v15, v25;
	v21 =	vld.idx.msk [tilespmem:v24+s20+$0x0], $0xffff;
	v25 =	vnsel vm5, $0x3F800000, v27;
	v19 =	vsub.f32 $1.000000000e+00, v19  }
0x2d3: {  	p1 =	slt.u32 s13, $0x3C;
	v27 =	vld.idx.msk [tilespmem:v24+s21+$0x0], $0xffff;
	v12 =	vnsel vm3, $0x0, v12;
	v17 =	vmul.f32 v17, v18;
	v10 =	vmul.f32 v25, v10  }
0x2d4: {  	v18 =	vld.idx.msk [tilespmem:v13+s20+$0x0], $0xffff;
	v11 =	vadd.f32 v12, v11;
	v12 =	vmul.f32 v16, v26;
	v16 =	vnsel vm4, $0x3F800000, v19  }
0x2d5: {  	v19 =	vld.idx.msk [tilespmem:v13+s21+$0x0], $0xffff;
	v17 =	vnsel vm2, $0x0, v17;
	v10 =	vmul.f32 v15, v10;
	v4 =	vmul.f32 v16, v4  }
0x2d6: {  	v16 =	vsub.f32 v8, v22;
	v15 =	vld.idx.msk [tilespmem:v14+s20+$0x0], $0xffff;
	v11 =	vadd.f32 v17, v11  }
0x2d7: {  	v22 =	vsub.f32 v5, v29;
	v17 =	vld.idx.msk [tilespmem:v14+s21+$0x0], $0xffff;
	v10 =	vnsel vm1, $0x0, v10;
	v4 =	vmul.f32 v12, v4  }
0x2d8: {  	v25 =	vsub.f32 v6, v28;
	v12 =	vld.idx.msk [tilespmem:v13+s22+$0x0], $0xffff;
	v10 =	vadd.f32 v10, v11  }
0x2d9: {  	v21 =	vsub.f32 v5, v21;
	v27 =	vsub.f32 v6, v27;
	v26 =	vld.idx.msk [tilespmem:v14+s22+$0x0], $0xffff;
	v11 =	vnsel vm0, $0x0, v4  }
0x2da: {  	v18 =	vsub.f32 v5, v18;
	v4 =	vmul.f32 v20, v7;
	v11 =	vadd.f32 v11, v10  }
0x2db: {  	v16 =	vmul.f32 v16, v16;
	v10 =	vsub.f32 v6, v19;
	v19 =	vmul.f32 v30, v30  }
0x2dc: {  	v22 =	vmul.f32 v22, v22;
	v25 =	vmul.f32 v25, v25;
	v15 =	vsub.f32 v5, v15;
	v20 =	vld.idx.msk [tilespmem:v24+s23+$0x0], $0xffff  }
0x2dd: {  	v21 =	vmul.f32 v21, v21;
	v27 =	vmul.f32 v27, v27;
	v17 =	vsub.f32 v6, v17;
	v23 =	vld.idx.msk [tilespmem:v23+s28+$0x0], $0xffff  }
0x2de: {  	v18 =	vmul.f32 v18, v18;
	v10 =	vmul.f32 v10, v10;
	v12 =	vsub.f32 v8, v12;
	v24 =	vld.idx.msk [tilespmem:v24+s28+$0x0], $0xffff  }
0x2df: {  	v15 =	vmul.f32 v15, v15;
	v26 =	vsub.f32 v8, v26;
	v17 =	vmul.f32 v17, v17;
	v28 =	vld.idx.msk [tilespmem:v13+s28+$0x0], $0xffff  }
0x2e0: {  	v22 =	vadd.f32 v25, v22;
	v21 =	vadd.f32 v27, v21;
	v12 =	vmul.f32 v12, v12;
	v29 =	vld.idx.msk [tilespmem:v14+s28+$0x0], $0xffff  }
0x2e1: {  	v18 =	vadd.f32 v10, v18;
	v15 =	vadd.f32 v17, v15;
	v17 =	vmul.f32 v26, v26  }
0x2e2: {  	v19 =	vadd.f32 v19, v22;
	v16 =	vadd.f32 v16, v21;
	v10 =	vmul.f32 v20, v7  }
0x2e3: {  	v12 =	vadd.f32 v12, v18;
	v15 =	vadd.f32 v17, v15;
	vm0 =	vne.s32 v23, v9  }
0x2e4: {  	v16 =	vadd.f32 $9.999999960e-13, v16;
	v17 =	vadd.f32 $9.999999960e-13, v19;
	vm1 =	vne.s32 v24, v9  }
0x2e5: {  	v12 =	vadd.f32 $9.999999960e-13, v12;
	v15 =	vadd.f32 $9.999999960e-13, v15;
	vm2 =	vne.s32 v28, v9  }
0x2e6: {  	vm4 =	vgt.f32 v16, $9.999999970e-07;
	vm5 =	vgt.f32 v17, $9.999999970e-07;
	vm3 =	vne.s32 v29, v9  }
0x2e7: {  	vm7 =	vgt.f32 v12, $9.999999970e-07;
	vm0 =	vmand vm0, vm5;
	vm6 =	vgt.f32 v15, $9.999999970e-07  }
0x2e8: {  	vm1 =	vmand vm1, vm4;
	vm2 =	vmand vm2, vm7;
	vm3 =	vmand vm3, vm6  }
0x2e9: {  	v21 =	vnsel vm1, $0x3F800000, v16;
	v22 =	vnsel vm0, $0x3F800000, v17;
	v20 =	vnsel vm2, $0x3F800000, v12  }
0x2ea: {  	v23 =	vshra.s32 v22, $0x1;
	v16 =	vmul.f32 $5.000000000e-01, v22;
	v17 =	vnsel vm3, $0x3F800000, v15  }
0x2eb: {  	v24 =	vshra.s32 v21, $0x1;
	v15 =	vmul.f32 $5.000000000e-01, v21;
	v12 =	vmul.f32 $4.725898060e-02, v17  }
0x2ec: {  	v28 =	vshra.s32 v20, $0x1;
	v18 =	vmul.f32 $5.000000000e-01, v20;
	v27 =	vshra.s32 v17, $0x1  }
0x2ed: {  	v19 =	vmul.f32 $5.000000000e-01, v17;
	v17 =	vmul.f32 $4.725898060e-02, v20;
	v25 =	vmin.f32 v12, $9.999989860e-01  }
0x2ee: {  	v22 =	vmul.f32 $4.725898060e-02, v22;
	v20 =	vmul.f32 $4.725898060e-02, v21;
	v29 =	vsub.f32 $1.000000000e+00, v25  }
0x2ef: {  	v26 =	vsub.s32 $0x5F3759DF, v23;
	v21 =	vmin.f32 v17, $9.999989860e-01;
	v25 =	vsub.s32 $0x5F3759DF, v24  }
0x2f0: {  	v24 =	vsub.s32 $0x5F3759DF, v28;
	v21 =	vsub.f32 $1.000000000e+00, v21;
	(erf) = vrcp.f32 v29  }
0x2f1: {  	v27 =	vsub.s32 $0x5F3759DF, v27;
	v23 =	vmin.f32 v20, $9.999989860e-01;
	v29 =	vmul.f32 v26, v16;
	v28 =	vld.idx.msk [tilespmem:v13+s23+$0x0], $0xffff  }
0x2f2: {  	v30 =	vmul.f32 v25, v15;
	v13 =	vld.idx.msk [tilespmem:v14+s23+$0x0], $0xffff;
	v14 =	vsub.f32 $1.000000000e+00, v23;
	(erf) = vrcp.f32 v21  }
.Ltmp4:
0x2f3: {  	v31 =	vmin.f32 v22, $9.999989860e-01;
	v21 =	vmul.f32 v27, v19;
	v23 =	vmul.f32 v24, v18;
	(pc) =	sbr.rel @p1 .LBB2_11-.Ltmp4, $4  }
0x2f4: {  	v31 =	vsub.f32 $1.000000000e+00, v31;
	v29 =	vmul.f32 v26, v29;
	(erf) = vrcp.f32 v14  }
0x2f5: {  	v30 =	vmul.f32 v25, v30;
	v14 =	vmul.f32 v24, v23  }
0x2f6: {  	v23 =	vmul.f32 v27, v21;
	(erf) = vrcp.f32 v31  }
0x2f7: {  	v29 =	vsub.f32 $1.500000000e+00, v29;
	v21 =	vmul.f32 v28, v7;
	v28 =	vsub.f32 $1.500000000e+00, v30  }
0x2f8: {  	v5 =	vsub.f32 $1.500000000e+00, v23;
	v6 =	vmul.f32 v13, v7;
	v31 =	vsub.f32 $1.500000000e+00, v14  }
0x2f9: {  	v8 =	vmul.f32 v25, v28;
	v9 =	vmul.f32 v26, v29;
	v32 =	vpop (erf)  }
0x2fa: {  	v5 =	vmul.f32 v27, v5;
	v13 =	vsub.f32 $1.000000000e+00, v32;
	v7 =	vmul.f32 v24, v31  }
0x2fb: {  	v33 =	vmul.f32 v8, v15;
	v34 =	vmul.f32 v9, v16;
	v35 =	vpop (erf)  }
0x2fc: {  	v13 =	vmul.f32 $1.442695020e+00, v13;
	v36 =	vmul.f32 v7, v18;
	v24 =	vsub.f32 $1.000000000e+00, v35  }
0x2fd: {  	v37 =	vmul.f32 v5, v19;
	v23 =	vmul.f32 v34, v9;
	v38 =	vpop (erf)  }
0x2fe: {  	v24 =	vmul.f32 $1.442695020e+00, v24;
	v27 =	vsub.f32 $1.000000000e+00, v38;
	(erf) = vpow2.f32 v13  }
0x2ff: {  	v39 =	vmul.f32 v37, v5;
	v25 =	vmul.f32 v36, v7;
	v40 =	vpop (erf)  }
0x300: {  	v27 =	vmul.f32 $1.442695020e+00, v27;
	v26 =	vsub.f32 $1.000000000e+00, v40;
	(erf) = vpow2.f32 v24  }
0x301: {  	v14 =	vmul.f32 v33, v8;
	v23 =	vsub.f32 $1.500000000e+00, v23;
	v13 =	vsub.f32 $1.500000000e+00, v39  }
0x302: {  	v41 =	vsub.f32 $1.500000000e+00, v25;
	v42 =	vmul.f32 $1.442695020e+00, v26;
	(erf) = vpow2.f32 v27  }
0x303: {  	v43 =	vsub.f32 $1.500000000e+00, v14;
	v9 =	vmul.f32 v23, v9;
	v5 =	vmul.f32 v13, v5  }
0x304: {  	v7 =	vmul.f32 v41, v7;
	(erf) = vpow2.f32 v42  }
0x305: {  	vm4 =	vlt.f32 v22, $1.000000000e+00;
	v8 =	vmul.f32 v43, v8;
	v44 =	vmul.f32 v5, v19  }
0x306: {  	vm5 =	vlt.f32 v20, $1.000000000e+00;
	v46 =	vmul.f32 v9, v16;
	v45 =	vmul.f32 v7, v18  }
0x307: {  	vm6 =	vlt.f32 v17, $1.000000000e+00;
	v47 =	vmul.f32 v8, v15;
	v14 =	vmul.f32 v44, v5;
	v48 =	vpop (erf)  }
0x308: {  	vm7 =	vlt.f32 v12, $1.000000000e+00;
	v13 =	vmul.f32 v45, v7;
	v49 =	vsub.f32 $1.000000000e+00, v48  }
0x309: {  	v15 =	vmul.f32 v47, v8;
	v16 =	vmul.f32 v46, v9;
	v14 =	vsub.f32 $1.500000000e+00, v14;
	v50 =	vpop (erf)  }
0x30a: {  	v13 =	vsub.f32 $1.500000000e+00, v13;
	v12 =	vnsel vm7, $0x3F800000, v49;
	v17 =	vsub.f32 $1.000000000e+00, v50  }
0x30b: {  	v51 =	vsub.f32 $1.500000000e+00, v15;
	v5 =	vmul.f32 v14, v5;
	v6 =	vmul.f32 v12, v6;
	v52 =	vpop (erf)  }
0x30c: {  	v7 =	vmul.f32 v13, v7;
	v53 =	vnsel vm6, $0x3F800000, v17;
	v14 =	vsub.f32 $1.000000000e+00, v52  }
0x30d: {  	v55 =	vsub.f32 $1.500000000e+00, v16;
	v5 =	vmul.f32 v5, v6;
	v54 =	vmul.f32 v53, v21;
	v56 =	vpop (erf)  }
0x30e: {  	v59 =	vld [tilespmem:s9+$0x8200];
	v8 =	vmul.f32 v51, v8;
	v57 =	vnsel vm5, $0x3F800000, v14;
	v58 =	vsub.f32 $1.000000000e+00, v56  }
0x30f: {  	v5 =	vnsel vm3, $0x0, v5;
	v6 =	vmul.f32 v7, v54;
	v60 =	vmul.f32 v57, v10  }
0x310: {  	v9 =	vmul.f32 v55, v9;
	v5 =	vadd.f32 v5, v11;
	v61 =	vnsel vm4, $0x3F800000, v58  }
0x311: {  	v6 =	vnsel vm2, $0x0, v6;
	v7 =	vmul.f32 v8, v60;
	v4 =	vmul.f32 v61, v4  }
0x312: {  	v5 =	vadd.f32 v6, v5  }
0x313: {  	v63 =	vadd.s32 v3, v59;
	v62 =	vnsel vm1, $0x0, v7;
	v4 =	vmul.f32 v9, v4  }
.Ltmp5:
0x314: {  	v5 =	vadd.f32 v62, v5;
	(pc) =	sbr.rel @p0 .LBB2_13-.Ltmp5, $3  }
0x315: {  	v4 =	vnsel vm0, $0x0, v4  }
0x316: {  	v4 =	vadd.f32 v4, v5;
	_ =	sdelay $0x1  }
0x317: {  	[tilespmem:v63+s10+$0x0] =	vst.idx.add.f32.msk $0xffff, v4  }
.Ltmp6:
0x318: {  	s9 =	sadd.s32 s19, s17;
	(pc) =	sbr.rel .LBB2_4-.Ltmp6, $4  }
0x319: {  	s9 =	sshll.u32 s9, $0x3  }
0x31a: {  	s9 =	sand.u32 $0x1FFFFF00, s9  }
0x31b: {  	s18 =	sadd.s32 $0x1, s18;
	s9 =	sadd.s32 s8, s9  }
0x31c: {  	[tilespmem:s28], [sflag:$0x4] =	stream.linear.gather [hbm4b:s9+s3], $0x800, $0x38;
	[tilespmem:$0x9F80] =	vst v63  }
.LBB2_13:
0x31d: {  	s13 =	simm.s32 $0x0  }
0x31e: {  	s12 =	sand.u32 $0xF0, s13  }
0x31f: {  	v4 =	vld [tilespmem:s12+$0x8E80];
	_ =	sdelay $0x1  }
0x320: {  	v5 =	vld [tilespmem:s12+$0x8F80];
	_ =	sdelay $0x1  }
0x321: {  	v6 =	vld [tilespmem:s12+$0x9080]  }
0x322: {  	v4 =	vadd.f32 $0.0e+00, v4  }
0x323: {  	v7 =	vld [tilespmem:s12+$0x9180]  }
0x324: {  	v4 =	vadd.f32 v5, v4  }
0x325: {  	v5 =	vld [tilespmem:s12+$0x9280]  }
0x326: {  	v4 =	vadd.f32 v6, v4  }
0x327: {  	v56 =	vld [tilespmem:s12+$0x9380]  }
0x328: {  	v4 =	vadd.f32 v7, v4  }
0x329: {  	v57 =	vld [tilespmem:s12+$0x9480]  }
0x32a: {  	v4 =	vadd.f32 v5, v4  }
0x32b: {  	v5 =	vld [tilespmem:s12+$0x9580]  }
0x32c: {  	v4 =	vadd.f32 v56, v4  }
0x32d: {  	v58 =	vld [tilespmem:s12+$0x9680]  }
0x32e: {  	v4 =	vadd.f32 v57, v4  }
0x32f: {  	v59 =	vld [tilespmem:s12+$0x9780]  }
0x330: {  	v4 =	vadd.f32 v5, v4  }
0x331: {  	v5 =	vld [tilespmem:s12+$0x9880]  }
0x332: {  	v4 =	vadd.f32 v58, v4  }
0x333: {  	v60 =	vld [tilespmem:s12+$0x9980]  }
0x334: {  	v4 =	vadd.f32 v59, v4  }
0x335: {  	v61 =	vld [tilespmem:s12+$0x9A80]  }
0x336: {  	v4 =	vadd.f32 v5, v4  }
0x337: {  	v5 =	vld [tilespmem:s12+$0x9B80]  }
0x338: {  	v4 =	vadd.f32 v60, v4  }
0x339: {  	v62 =	vld [tilespmem:s12+$0x9C80]  }
0x33a: {  	v4 =	vadd.f32 v61, v4  }
0x33b: {  	v63 =	vld [tilespmem:s12+$0x9D80]  }
0x33c: {  	v4 =	vadd.f32 v5, v4;
	_ =	sdelay $0x1  }
0x33d: {  	v4 =	vadd.f32 v62, v4;
	_ =	sdelay $0x1  }
0x33e: {  	v4 =	vadd.f32 v63, v4;
	_ =	sdelay $0x1  }
0x33f: {  	v4 =	vmul.f32 $7.199822900e+00, v4  }
0x340: {  	s9 =	simm.s32 $0x9E80;
	s26 =	simm.s32 $0x10  }
0x341: {  	s15 =	simm.s32 $0x20;
	s13 =	sand.u32 $0xF0, s26;
	[tilespmem:s9+$0x0] =	vst v4  }
.LBB2_14:
0x342: {  	p0 =	sne.s32 s15, $0xF0;
	v4 =	vld [tilespmem:s13+$0x8E80];
	_ =	sdelay $0x1  }
0x343: {  	v5 =	vld [tilespmem:s13+$0x8F80];
	_ =	sdelay $0x1  }
0x344: {  	v6 =	vld [tilespmem:s13+$0x9080]  }
0x345: {  	v4 =	vadd.f32 $0.0e+00, v4  }
0x346: {  	v7 =	vld [tilespmem:s13+$0x9180]  }
0x347: {  	v4 =	vadd.f32 v5, v4  }
0x348: {  	v5 =	vld [tilespmem:s13+$0x9280]  }
0x349: {  	v4 =	vadd.f32 v6, v4  }
0x34a: {  	v6 =	vld [tilespmem:s13+$0x9380]  }
0x34b: {  	v4 =	vadd.f32 v7, v4  }
0x34c: {  	v7 =	vld [tilespmem:s13+$0x9480]  }
0x34d: {  	v4 =	vadd.f32 v5, v4  }
0x34e: {  	v5 =	vld [tilespmem:s13+$0x9580]  }
0x34f: {  	v4 =	vadd.f32 v6, v4  }
0x350: {  	v6 =	vld [tilespmem:s13+$0x9680]  }
0x351: {  	v4 =	vadd.f32 v7, v4  }
0x352: {  	v7 =	vld [tilespmem:s13+$0x9780]  }
0x353: {  	v4 =	vadd.f32 v5, v4  }
0x354: {  	v5 =	vld [tilespmem:s13+$0x9880]  }
0x355: {  	v4 =	vadd.f32 v6, v4  }
0x356: {  	v6 =	vld [tilespmem:s13+$0x9980]  }
0x357: {  	v4 =	vadd.f32 v7, v4  }
0x358: {  	v7 =	vld [tilespmem:s13+$0x9A80]  }
0x359: {  	v4 =	vadd.f32 v5, v4  }
0x35a: {  	v5 =	vld [tilespmem:s13+$0x9B80]  }
0x35b: {  	v4 =	vadd.f32 v6, v4  }
0x35c: {  	v6 =	vld [tilespmem:s13+$0x9C80]  }
0x35d: {  	v4 =	vadd.f32 v7, v4  }
0x35e: {  	v7 =	vld [tilespmem:s13+$0x9D80]  }
0x35f: {  	v4 =	vadd.f32 v5, v4;
	_ =	sdelay $0x1  }
0x360: {  	v4 =	vadd.f32 v6, v4;
	_ =	sdelay $0x1  }
.Ltmp7:
0x361: {  	v4 =	vadd.f32 v7, v4;
	(pc) =	sbr.rel @p0 .LBB2_14-.Ltmp7, $4  }
0x362: {  	_ = 	snop  }
0x363: {  	v4 =	vmul.f32 $7.199822900e+00, v4  }
0x364: {  	s9 =	sadd.s32 $0x10, s9  }
0x365: {  	s13 =	sand.u32 $0xF0, s15;
	s15 =	sadd.s32 $0x10, s15;
	[tilespmem:s9+$0x0] =	vst v4  }
0x366: {  	v4 =	vld [tilespmem:s13+$0x8E80];
	_ =	sdelay $0x1  }
0x367: {  	v5 =	vld [tilespmem:s13+$0x8F80];
	_ =	sdelay $0x1  }
0x368: {  	v6 =	vld [tilespmem:s13+$0x9080]  }
0x369: {  	v4 =	vadd.f32 $0.0e+00, v4  }
0x36a: {  	v7 =	vld [tilespmem:s13+$0x9180]  }
0x36b: {  	v4 =	vadd.f32 v5, v4  }
0x36c: {  	v5 =	vld [tilespmem:s13+$0x9280]  }
0x36d: {  	v4 =	vadd.f32 v6, v4  }
0x36e: {  	v56 =	vld [tilespmem:s13+$0x9380]  }
0x36f: {  	v4 =	vadd.f32 v7, v4  }
0x370: {  	v57 =	vld [tilespmem:s13+$0x9480]  }
0x371: {  	v4 =	vadd.f32 v5, v4  }
0x372: {  	v5 =	vld [tilespmem:s13+$0x9580]  }
0x373: {  	v4 =	vadd.f32 v56, v4  }
0x374: {  	v58 =	vld [tilespmem:s13+$0x9680]  }
0x375: {  	v4 =	vadd.f32 v57, v4  }
0x376: {  	v59 =	vld [tilespmem:s13+$0x9780]  }
0x377: {  	v4 =	vadd.f32 v5, v4  }
0x378: {  	v5 =	vld [tilespmem:s13+$0x9880]  }
0x379: {  	v4 =	vadd.f32 v58, v4  }
0x37a: {  	v60 =	vld [tilespmem:s13+$0x9980]  }
0x37b: {  	v4 =	vadd.f32 v59, v4  }
0x37c: {  	v61 =	vld [tilespmem:s13+$0x9A80]  }
0x37d: {  	v4 =	vadd.f32 v5, v4  }
0x37e: {  	v5 =	vld [tilespmem:s13+$0x9B80]  }
0x37f: {  	v4 =	vadd.f32 v60, v4  }
0x380: {  	v62 =	vld [tilespmem:s13+$0x9C80]  }
0x381: {  	v4 =	vadd.f32 v61, v4  }
0x382: {  	v63 =	vld [tilespmem:s13+$0x9D80]  }
0x383: {  	v4 =	vadd.f32 v5, v4;
	_ =	sdelay $0x1  }
0x384: {  	v4 =	vadd.f32 v62, v4;
	_ =	sdelay $0x1  }
0x385: {  	v4 =	vadd.f32 v63, v4;
	_ =	sdelay $0x1  }
0x386: {  	v4 =	vmul.f32 $7.199822900e+00, v4  }
0x387: {  	s9 =	sadd.s32 $0x10, s9;
	s12 =	simm.s32 $0x80;
	s18 =	simm.s32 $0x400  }
0x388: {  	s15 =	simm.s32 $0x9E80;
	s19 =	simm.s32 $0x6;
	s13 =	rddreg [dreg:$0x9];
	[tilespmem:s9+$0x0] =	vst v4  }
0x389: {  	[hbm4b:s13+s12] =	stream.strided.scatter [tilespmem:s15], [sflag:$0x6], $0x100, s18, s12, $0x38;
	[tilespmem:$0x9F80] =	vst v63  }
0x38a: {  	_ =	swait.ge [sflag:s19], $0x100  }
0x38b: {  	s14 =	sadd.s32 $0x1, s14;
	s26 =	rddreg [dreg:$0xa]  }
0x38c: {  	p0 =	sne.s32 s14, s26  }
.Ltmp8:
0x38d: {  	_ = 	snop;
	(pc) =	sbr.rel @p0 .LBB2_1-.Ltmp8, $3  }
0x38e: {  	_ =	sdelay $0x1  }
0x38f: {  	[sflag:s19] =	ssyncset.done $0x0  }
0x390: {  	[sflag:s19] =	ssyncadd.s32 $0xFFFFFF00  }
0x391: {  	_ =	sfence.sel $0x180000  }
0x392: {  	[bflag:$0x0] =	sbarrier.arrive $0xFFFF  }
0x393: {  	_ =	strace $0x90000047  }
0x394: {  	s0 =	stileid.u32;
	[bflag:$0x2] =	sbarrier.arrive $0xFFFF  }
0x395: {  	p0 =	sne.s32 s0, $0x0;
	s0 =	rddreg [dreg:$0x1]  }
0x396: {  	s0 =	sadd.s32 @!p0 $0x100000, s0  }
0x397: {  	[sflag:s0] =	ssyncadd.tile.s32 @!p0 $0x1;
	_ =	shalt  }
.Lfunc_end2:
_tile_overlayer_lowered:
.L_overlay_start_2:
0x398: {  	(tag) =	ssettag $0x2  }
0x399: {  	s0 =	rddreg [dreg:$0x0];
	s2 =	stileid.u32  }
0x39a: {  	s1 =	rddreg [dreg:$0x1];
	p0 =	sne.s32 s2, $0x0  }
0x39b: {  	s3 =	rddreg [dreg:$0x2];
	[bflag:$0x3] =	sbarrier.arrive $0xFFFF;
	s2 =	simm.s32 @!p0 $0x1C06  }
0x39c: {  	[timem:s3], [sflag:s2] =	dma.local @!p0 [hbm:s0], s1  }
0x39d: {  	s0 =	simm.s32 @!p0 $0x6  }
0x39e: {  	_ =	swait.ge @!p0 [sflag:s0], s1  }
0x39f: {  	s1 =	ssub.s32 @!p0 $0x0, s1;
	[sflag:s0] =	ssyncset.done @!p0 $0x0  }
0x3a0: {  	[sflag:s0] =	ssyncadd.s32 @!p0 s1  }
0x3a1: {  	[bflag:$0x3] =	sbarrier.arrive $0xFFFF  }
0x3a2: {  	_ =	shalt  }

</sc_bundles>
